<compile_context>
chip_gen: v7x
topology: tpu7x:2x2x1
jax: 0.10.2.dev20260603
libtpu: 0.0.44.dev20260713+nightly
codegen_flags: <defaults>
</compile_context>

<pallas_src>
import functools
import math

import jax
import jax.numpy as jnp
from jax import lax
from jax.experimental import pallas as pl
from jax.experimental.pallas import tpu as pltpu
from jax.experimental.pallas import tpu_sc as plsc

N = 10000
E = 160000
C = 64
RAD = 8
AVG_NEIGH = 16.0

NC = 2
NS = 16
K = 48
CPT = (((E + K - 1) // K) + NS - 1) // NS
E_PAD = CPT * NS * K
DR = 40
NDR_TOT = N // DR
NDR_MAX = (NDR_TOT + NS - 1) // NS

_SH_COEF = math.sqrt(3.0 / (4.0 * math.pi))


def _h_body(nf_ref, w_ref, h_ref):
    h_ref[...] = jnp.dot(nf_ref[...], w_ref[...],
                         preferred_element_type=jnp.float32)


def _compute_h(node_feats, w_up_s):
    bn = 2000
    return pl.pallas_call(
        _h_body,
        grid=(N // bn,),
        in_specs=[
            pl.BlockSpec((bn, C), lambda i: (i, 0)),
            pl.BlockSpec((C, C), lambda i: (0, 0)),
        ],
        out_specs=pl.BlockSpec((bn, C), lambda i: (i, 0)),
        out_shape=jax.ShapeDtypeStruct((N, C), jnp.float32),
    )(node_feats, w_up_s)


def _edge_body(rad_ref, vx_ref, vy_ref, vz_ref, m1_ref, m2_ref, m3_ref,
               m4_ref, w0_ref, w1_ref):
    x = jnp.dot(rad_ref[...], m1_ref[...], preferred_element_type=jnp.float32)
    x = x * lax.logistic(x)
    x = jnp.dot(x, m2_ref[...], preferred_element_type=jnp.float32)
    x = x * lax.logistic(x)
    x = jnp.dot(x, m3_ref[...], preferred_element_type=jnp.float32)
    x = x * lax.logistic(x)
    mix = jnp.dot(x, m4_ref[...], preferred_element_type=jnp.float32)
    m0 = mix[:, :C]
    m1 = mix[:, C:]

    vx, vy, vz = vx_ref[...], vy_ref[...], vz_ref[...]
    inv = lax.rsqrt(vx * vx + vy * vy + vz * vz + 1e-12) * _SH_COEF
    w0_ref[:, :C] = m0
    w0_ref[:, C:] = m1 * (vx * inv)[:, None]
    w1_ref[:, :C] = m1 * (vy * inv)[:, None]
    w1_ref[:, C:] = m1 * (vz * inv)[:, None]


def _edge_prep(radial, vx, vy, vz, m1s, m2s, m3s, m4s):
    be = 2048
    grid = (pl.cdiv(E_PAD, be),)
    return pl.pallas_call(
        _edge_body,
        grid=grid,
        in_specs=[
            pl.BlockSpec((be, RAD), lambda i: (i, 0)),
            pl.BlockSpec((be,), lambda i: (i,)),
            pl.BlockSpec((be,), lambda i: (i,)),
            pl.BlockSpec((be,), lambda i: (i,)),
            pl.BlockSpec((RAD, 64), lambda i: (0, 0)),
            pl.BlockSpec((64, 64), lambda i: (0, 0)),
            pl.BlockSpec((64, 64), lambda i: (0, 0)),
            pl.BlockSpec((64, 2 * C), lambda i: (0, 0)),
        ],
        out_specs=[
            pl.BlockSpec((be, 2 * C), lambda i: (i, 0)),
            pl.BlockSpec((be, 2 * C), lambda i: (i, 0)),
        ],
        out_shape=[
            jax.ShapeDtypeStruct((E_PAD, 2 * C), jnp.float32),
            jax.ShapeDtypeStruct((E_PAD, 2 * C), jnp.float32),
        ],
    )(radial, vx, vy, vz, m1s, m2s, m3s, m4s)


NSR = 5
NLD = 3
NU = 2
NMSG = 2


def _sc_body(h_hbm, w0_hbm, w1_hbm, sr_hbm, out_hbm, acc_sh, zbuf, srv,
             wv, uv, msgv, load_sem, gather_sem, scat_sem):
    cid = lax.axis_index("c")
    sid = lax.axis_index("s")

    def _zrow(i, _):
        for q in range(8):
            zbuf[i, pl.ds(16 * q, 16)] = jnp.zeros((16,), jnp.float32)
        return 0
    lax.fori_loop(0, DR, _zrow, 0)
    for kdr in range(NDR_MAX):
        ch = sid + NS * kdr

        @pl.when(ch < NDR_TOT)
        def _():
            pltpu.sync_copy(zbuf, acc_sh.at[pl.ds(ch * DR, DR), :])
    plsc.subcore_barrier()

    gbase = sid * CPT

    def _issue_loads(ci):
        g = gbase + ci
        ssr = lax.rem(ci, NSR)
        sld = lax.rem(ci, NLD)
        sem = load_sem.at[sld]
        pltpu.async_copy(sr_hbm.at[g], srv.at[ssr], sem)

        @pl.when(cid == 0)
        def _():
            pltpu.async_copy(w0_hbm.at[pl.ds(g * K, K), :], wv.at[sld], sem)

        @pl.when(cid == 1)
        def _():
            pltpu.async_copy(w1_hbm.at[pl.ds(g * K, K), :], wv.at[sld], sem)

    def _wait_loads(ci):
        g = gbase + ci
        ssr = lax.rem(ci, NSR)
        sld = lax.rem(ci, NLD)
        sem = load_sem.at[sld]
        pltpu.make_async_copy(sr_hbm.at[g], srv.at[ssr], sem).wait()
        pltpu.make_async_copy(w0_hbm.at[pl.ds(g * K, K), :], wv.at[sld],
                              sem).wait()

    def _issue_gather(ci):
        ssr = lax.rem(ci, NSR)
        su = lax.rem(ci, NU)
        pltpu.async_copy(h_hbm.at[srv.at[ssr, 0]], uv.at[su],
                         gather_sem.at[su])

    def _wait_gather(ci):
        ssr = lax.rem(ci, NSR)
        su = lax.rem(ci, NU)
        pltpu.make_async_copy(h_hbm.at[srv.at[ssr, 0]], uv.at[su],
                              gather_sem.at[su]).wait()

    _issue_loads(0)
    _issue_loads(1)
    _wait_loads(0)
    _issue_gather(0)

    def _chunk(c, _):
        s_cur = lax.rem(c, NLD)
        su_cur = lax.rem(c, NU)
        m = lax.rem(c, NMSG)

        @pl.when(c < CPT - 2)
        def _():
            _issue_loads(c + 2)

        @pl.when(c < CPT - 1)
        def _():
            _wait_loads(c + 1)
            _issue_gather(c + 1)

        _wait_gather(c)



        def rb(j, _):
            for q in range(4):
                uq = uv[su_cur, j, pl.ds(16 * q, 16)]
                aq = wv[s_cur, j, pl.ds(16 * q, 16)]
                bq = wv[s_cur, j, pl.ds(64 + 16 * q, 16)]
                msgv[m, j, pl.ds(16 * q, 16)] = uq * aq
                msgv[m, j, pl.ds(64 + 16 * q, 16)] = uq * bq
            return 0
        lax.fori_loop(0, K, rb, 0)

        ssr = lax.rem(c, NSR)
        pltpu.sync_copy(msgv.at[m], acc_sh.at[srv.at[ssr, 1]], add=True)
        return 0

    lax.fori_loop(0, CPT, _chunk, 0)



    plsc.subcore_barrier()
    for kdr in range(NDR_MAX):
        ch = sid + NS * kdr

        @pl.when(ch < NDR_TOT)
        def _():
            r0 = ch * DR
            pltpu.sync_copy(acc_sh.at[pl.ds(r0, DR), :], zbuf)
            pltpu.sync_copy(zbuf,
                            out_hbm.at[pl.ds(r0, DR), pl.ds(cid * 128, 128)])


def _sc_scatter(h, w0, w1, sr):
    mesh = plsc.VectorSubcoreMesh(core_axis_name="c", subcore_axis_name="s",
                                  num_cores=NC, num_subcores=NS)
    fn = pl.kernel(
        _sc_body,
        out_type=jax.ShapeDtypeStruct((N, 4 * C), jnp.float32),
        mesh=mesh,
        scratch_types=[
            pltpu.VMEM_SHARED((N, 128), jnp.float32),
            pltpu.VMEM((DR, 128), jnp.float32),
            pltpu.VMEM((NSR, 2, K), jnp.int32),
            pltpu.VMEM((NLD, K, 2 * C), jnp.float32),
            pltpu.VMEM((NU, K, C), jnp.float32),
            pltpu.VMEM((NMSG, K, 128), jnp.float32),
            pltpu.SemaphoreType.DMA((NLD,)),
            pltpu.SemaphoreType.DMA((NU,)),
            pltpu.SemaphoreType.DMA((NMSG,)),
        ],
        compiler_params=pltpu.CompilerParams(use_tc_tiling_on_sc=False),
    )
    return fn(h, w0, w1, sr)


def _down_body(in_ref, w_ref, out_ref):
    out_ref[...] = jnp.dot(in_ref[...], w_ref[...],
                           preferred_element_type=jnp.float32)


def _down(out_pre, w_big):
    bn = 2000
    return pl.pallas_call(
        _down_body,
        grid=(N // bn,),
        in_specs=[
            pl.BlockSpec((bn, 4 * C), lambda i: (i, 0)),
            pl.BlockSpec((4 * C, 4 * C), lambda i: (0, 0)),
        ],
        out_specs=pl.BlockSpec((bn, 4 * C), lambda i: (i, 0)),
        out_shape=jax.ShapeDtypeStruct((N, 4 * C), jnp.float32),
    )(out_pre, w_big)


def kernel(vectors, node_feats, radial_embedding, senders, receivers,
           W_up, M1, M2, M3, M4, Wd0, Wd1):
    inv_sqrt_c = 1.0 / math.sqrt(float(C))

    h = _compute_h(node_feats, W_up * inv_sqrt_c)

    pad = E_PAD - E
    radial_p = jnp.pad(radial_embedding, ((0, pad), (0, 0)))
    vx = jnp.pad(vectors[:, 0], (0, pad))
    vy = jnp.pad(vectors[:, 1], (0, pad))
    vz = jnp.pad(vectors[:, 2], (0, pad))
    w0, w1 = _edge_prep(
        radial_p, vx, vy, vz,
        M1 * (1.0 / math.sqrt(float(RAD))), M2 * 0.125, M3 * 0.125,
        M4 * 0.125)

    sr = jnp.stack([jnp.pad(senders, (0, pad)).reshape(E_PAD // K, K),
                    jnp.pad(receivers, (0, pad)).reshape(E_PAD // K, K)],
                   axis=1)

    out_pre = _sc_scatter(h, w0, w1, sr)

    scale = inv_sqrt_c / math.sqrt(AVG_NEIGH)
    eye3 = jnp.eye(3, dtype=jnp.float32)
    vmat = (Wd1[None, :, :, None] * eye3[:, None, None, :]).reshape(3 * C,
                                                                    3 * C)
    top = jnp.concatenate([Wd0, jnp.zeros((C, 3 * C), jnp.float32)], axis=1)
    bot = jnp.concatenate([jnp.zeros((3 * C, C), jnp.float32), vmat], axis=1)
    w_big = jnp.concatenate([top, bot], axis=0) * scale

    return _down(out_pre, w_big)

# --- scband reference (transcript-rebuilt; emitter-appended) ---
"""Pipeline reference for scband-interaction-block-50843822850739 (READ-ONLY COPY).

The authoritative reference and input builder live on the scoring server;
editing this copy changes nothing except your own understanding.
"""

import jax, jax.numpy as jnp
import numpy as np

N = 10000
E = 160000
C = 64
RAD = 8
AVG_NEIGH = 16.0


def setup_inputs(seed: int = 0) -> dict:
    key = jax.random.key(seed)
    ks = jax.random.split(key, 12)
    vectors = jax.random.normal(ks[0], (E, 3), dtype=jnp.float32)
    node_feats = jax.random.normal(ks[1], (N, C), dtype=jnp.float32)
    radial_embedding = jax.random.normal(ks[2], (E, RAD), dtype=jnp.float32)
    senders = jax.random.randint(ks[3], (E,), 0, N, dtype=jnp.int32)
    receivers = jax.random.randint(ks[4], (E,), 0, N, dtype=jnp.int32)
    W_up = jax.random.normal(ks[5], (C, C), dtype=jnp.float32)
    M1 = jax.random.normal(ks[6], (RAD, 64), dtype=jnp.float32)
    M2 = jax.random.normal(ks[7], (64, 64), dtype=jnp.float32)
    M3 = jax.random.normal(ks[8], (64, 64), dtype=jnp.float32)
    M4 = jax.random.normal(ks[9], (64, 2 * C), dtype=jnp.float32)
    Wd0 = jax.random.normal(ks[10], (C, C), dtype=jnp.float32)
    Wd1 = jax.random.normal(ks[11], (C, C), dtype=jnp.float32)
    return {"vectors": vectors, "node_feats": node_feats, "radial_embedding": radial_embedding, "senders": senders, "receivers": receivers, "W_up": W_up, "M1": M1, "M2": M2, "M3": M3, "M4": M4, "Wd0": Wd0, "Wd1": Wd1}


def reference(vectors, node_feats, radial_embedding, senders, receivers, W_up, M1, M2, M3, M4, Wd0, Wd1):
    n = node_feats.shape[0]
    # linear_up: e3nn Linear on 64x0e -> 64x0e (path-normalized dense)
    h = (node_feats @ W_up) / jnp.sqrt(jnp.float32(C))
    # gather messages at senders
    msg_s = h[senders]  # [E, C] scalar (0e) part
    # spherical harmonics l=1, normalize=True, integral normalization
    norm = jnp.sqrt(jnp.sum(vectors * vectors, axis=1, keepdims=True) + 1e-12)
    unit = vectors / norm
    sh = jnp.sqrt(3.0 / (4.0 * jnp.pi)) * unit  # [E, 3] irreps 1o
    # tensor product 64x0e (x) 1o -> 64x1o (CG for 0e x 1o is identity)
    tp = msg_s[:, :, None] * sh[:, None, :]  # [E, C, 3]
    messages = jnp.concatenate([msg_s, tp.reshape(-1, 3 * C)], axis=1)  # [E, 4C] = 64x0e+64x1o
    # radial MLP [64, 64, 64, num_irreps=2C], silu hidden, linear out, fan-in normalized
    x = jax.nn.silu((radial_embedding @ M1) / jnp.sqrt(jnp.float32(RAD)))
    x = jax.nn.silu((x @ M2) / jnp.sqrt(64.0))
    x = jax.nn.silu((x @ M3) / jnp.sqrt(64.0))
    mix = (x @ M4) / jnp.sqrt(64.0)  # [E, 2C] one weight per irrep
    mix_full = jnp.concatenate([mix[:, :C], jnp.repeat(mix[:, C:], 3, axis=1)], axis=1)  # [E, 4C]
    messages = messages * mix_full
    # scatter-add to receivers
    out = jnp.zeros((n, 4 * C), dtype=messages.dtype).at[receivers].add(messages)
    out = out / jnp.sqrt(AVG_NEIGH)
    # linear_down: per-irrep-type channel mixing
    s = (out[:, :C] @ Wd0) / jnp.sqrt(jnp.float32(C))
    v = out[:, C:].reshape(n, C, 3)
    v = jnp.einsum('ncm,ck->nkm', v, Wd1) / jnp.sqrt(jnp.float32(C))
    return jnp.concatenate([s, v.reshape(n, 3 * C)], axis=1)

if __name__ == "__main__":
    import jax
    _d = setup_inputs()
    print(jax.jit(kernel)(*tuple(_d.values())))

</pallas_src>

<mosaic_0001>
#map = affine_map<(d0, d1) -> (0, 0)>
#map1 = affine_map<(d0, d1) -> (0, 0, 0)>
module attributes {stable_mosaic.version = 14 : i64} {
  func.func @_sc_body(%arg0: i32, %arg1: i32, %arg2: memref<10000x64xf32, #tpu.memory_space<hbm>>, %arg3: memref<160512x128xf32, #tpu.memory_space<hbm>>, %arg4: memref<160512x128xf32, #tpu.memory_space<hbm>>, %arg5: memref<3344x2x48xi32, #tpu.memory_space<hbm>>, %arg6: memref<10000x256xf32, #tpu.memory_space<hbm>>, %arg7: memref<10000x128xf32, #tpu.memory_space<vmem_shared>>, %arg8: memref<40x128xf32, #tpu.memory_space<vmem>>, %arg9: memref<5x2x48xi32, #tpu.memory_space<vmem>>, %arg10: memref<3x48x128xf32, #tpu.memory_space<vmem>>, %arg11: memref<2x48x64xf32, #tpu.memory_space<vmem>>, %arg12: memref<2x48x128xf32, #tpu.memory_space<vmem>>, %arg13: memref<3x!tpu.dma_semaphore, #tpu.memory_space<semaphore_mem>>, %arg14: memref<2x!tpu.dma_semaphore, #tpu.memory_space<semaphore_mem>>, %arg15: memref<2x!tpu.dma_semaphore, #tpu.memory_space<semaphore_mem>>) attributes {dimension_semantics = [#tpu.dimension_semantics<core_parallel>, #tpu.dimension_semantics<subcore_parallel>], iteration_bounds = array<i64: 2, 16>, scalar_prefetch = 0 : i64, scratch_operands = 9 : i64, tpu.core_type = #tpu.core_type<sc_vector_subcore>, window_params = [{transform_indices = #map}, {transform_indices = #map}, {transform_indices = #map}, {transform_indices = #map1}, {transform_indices = #map}]} {
    %scan3A = arith.constant 0 : i32
    %scan3A_0 = arith.constant 0 : i32
    %scan3A_1 = arith.constant 40 : i32
    %scan3A_2 = arith.addi %scan3A_0, %scan3A_1 : i32
    %scan3A_3 = arith.constant 1 : i32
    %scan3A_4 = scf.for %scan3A_364 = %scan3A_0 to %scan3A_2 step %scan3A_3 iter_args(%scan3A_365 = %scan3A) -> (i32)  : i32 {
      %broadcast_in_dim3A = arith.constant 0.000000e+00 : f32
      %broadcast_in_dim3A_366 = vector.broadcast %broadcast_in_dim3A : f32 to vector<16xf32>
      %swap3A = arith.index_cast %scan3A_364 : i32 to index
      %swap3A_367 = arith.constant 0 : index
      %swap3A_368 = tpu.vector_load %arg8[%swap3A, %swap3A_367] {strides = array<i32>} : memref<40x128xf32, #tpu.memory_space<vmem>>, vector<1x16xf32>,
      %swap3A_369 = vector.shape_cast %swap3A_368 : vector<1x16xf32> to vector<16xf32>
      %swap3A_370 = vector.shape_cast %broadcast_in_dim3A_366 : vector<16xf32> to vector<1x16xf32>
      tpu.vector_store %arg8[%swap3A, %swap3A_367], %swap3A_370 {strides = array<i32>} : memref<40x128xf32, #tpu.memory_space<vmem>>, vector<1x16xf32>,
      %broadcast_in_dim3A_371 = arith.constant 0.000000e+00 : f32
      %broadcast_in_dim3A_372 = vector.broadcast %broadcast_in_dim3A_371 : f32 to vector<16xf32>
      %swap3A_373 = arith.index_cast %scan3A_364 : i32 to index
      %swap3A_374 = arith.constant 16 : index
      %swap3A_375 = tpu.vector_load %arg8[%swap3A_373, %swap3A_374] {strides = array<i32>} : memref<40x128xf32, #tpu.memory_space<vmem>>, vector<1x16xf32>,
      %swap3A_376 = vector.shape_cast %swap3A_375 : vector<1x16xf32> to vector<16xf32>
      %swap3A_377 = vector.shape_cast %broadcast_in_dim3A_372 : vector<16xf32> to vector<1x16xf32>
      tpu.vector_store %arg8[%swap3A_373, %swap3A_374], %swap3A_377 {strides = array<i32>} : memref<40x128xf32, #tpu.memory_space<vmem>>, vector<1x16xf32>,
      %broadcast_in_dim3A_378 = arith.constant 0.000000e+00 : f32
      %broadcast_in_dim3A_379 = vector.broadcast %broadcast_in_dim3A_378 : f32 to vector<16xf32>
      %swap3A_380 = arith.index_cast %scan3A_364 : i32 to index
      %swap3A_381 = arith.constant 32 : index
      %swap3A_382 = tpu.vector_load %arg8[%swap3A_380, %swap3A_381] {strides = array<i32>} : memref<40x128xf32, #tpu.memory_space<vmem>>, vector<1x16xf32>,
      %swap3A_383 = vector.shape_cast %swap3A_382 : vector<1x16xf32> to vector<16xf32>
      %swap3A_384 = vector.shape_cast %broadcast_in_dim3A_379 : vector<16xf32> to vector<1x16xf32>
      tpu.vector_store %arg8[%swap3A_380, %swap3A_381], %swap3A_384 {strides = array<i32>} : memref<40x128xf32, #tpu.memory_space<vmem>>, vector<1x16xf32>,
      %broadcast_in_dim3A_385 = arith.constant 0.000000e+00 : f32
      %broadcast_in_dim3A_386 = vector.broadcast %broadcast_in_dim3A_385 : f32 to vector<16xf32>
      %swap3A_387 = arith.index_cast %scan3A_364 : i32 to index
      %swap3A_388 = arith.constant 48 : index
      %swap3A_389 = tpu.vector_load %arg8[%swap3A_387, %swap3A_388] {strides = array<i32>} : memref<40x128xf32, #tpu.memory_space<vmem>>, vector<1x16xf32>,
      %swap3A_390 = vector.shape_cast %swap3A_389 : vector<1x16xf32> to vector<16xf32>
      %swap3A_391 = vector.shape_cast %broadcast_in_dim3A_386 : vector<16xf32> to vector<1x16xf32>
      tpu.vector_store %arg8[%swap3A_387, %swap3A_388], %swap3A_391 {strides = array<i32>} : memref<40x128xf32, #tpu.memory_space<vmem>>, vector<1x16xf32>,
      %broadcast_in_dim3A_392 = arith.constant 0.000000e+00 : f32
      %broadcast_in_dim3A_393 = vector.broadcast %broadcast_in_dim3A_392 : f32 to vector<16xf32>
      %swap3A_394 = arith.index_cast %scan3A_364 : i32 to index
      %swap3A_395 = arith.constant 64 : index
      %swap3A_396 = tpu.vector_load %arg8[%swap3A_394, %swap3A_395] {strides = array<i32>} : memref<40x128xf32, #tpu.memory_space<vmem>>, vector<1x16xf32>,
      %swap3A_397 = vector.shape_cast %swap3A_396 : vector<1x16xf32> to vector<16xf32>
      %swap3A_398 = vector.shape_cast %broadcast_in_dim3A_393 : vector<16xf32> to vector<1x16xf32>
      tpu.vector_store %arg8[%swap3A_394, %swap3A_395], %swap3A_398 {strides = array<i32>} : memref<40x128xf32, #tpu.memory_space<vmem>>, vector<1x16xf32>,
      %broadcast_in_dim3A_399 = arith.constant 0.000000e+00 : f32
      %broadcast_in_dim3A_400 = vector.broadcast %broadcast_in_dim3A_399 : f32 to vector<16xf32>
      %swap3A_401 = arith.index_cast %scan3A_364 : i32 to index
      %swap3A_402 = arith.constant 80 : index
      %swap3A_403 = tpu.vector_load %arg8[%swap3A_401, %swap3A_402] {strides = array<i32>} : memref<40x128xf32, #tpu.memory_space<vmem>>, vector<1x16xf32>,
      %swap3A_404 = vector.shape_cast %swap3A_403 : vector<1x16xf32> to vector<16xf32>
      %swap3A_405 = vector.shape_cast %broadcast_in_dim3A_400 : vector<16xf32> to vector<1x16xf32>
      tpu.vector_store %arg8[%swap3A_401, %swap3A_402], %swap3A_405 {strides = array<i32>} : memref<40x128xf32, #tpu.memory_space<vmem>>, vector<1x16xf32>,
      %broadcast_in_dim3A_406 = arith.constant 0.000000e+00 : f32
      %broadcast_in_dim3A_407 = vector.broadcast %broadcast_in_dim3A_406 : f32 to vector<16xf32>
      %swap3A_408 = arith.index_cast %scan3A_364 : i32 to index
      %swap3A_409 = arith.constant 96 : index
      %swap3A_410 = tpu.vector_load %arg8[%swap3A_408, %swap3A_409] {strides = array<i32>} : memref<40x128xf32, #tpu.memory_space<vmem>>, vector<1x16xf32>,
      %swap3A_411 = vector.shape_cast %swap3A_410 : vector<1x16xf32> to vector<16xf32>
      %swap3A_412 = vector.shape_cast %broadcast_in_dim3A_407 : vector<16xf32> to vector<1x16xf32>
      tpu.vector_store %arg8[%swap3A_408, %swap3A_409], %swap3A_412 {strides = array<i32>} : memref<40x128xf32, #tpu.memory_space<vmem>>, vector<1x16xf32>,
      %broadcast_in_dim3A_413 = arith.constant 0.000000e+00 : f32
      %broadcast_in_dim3A_414 = vector.broadcast %broadcast_in_dim3A_413 : f32 to vector<16xf32>
      %swap3A_415 = arith.index_cast %scan3A_364 : i32 to index
      %swap3A_416 = arith.constant 112 : index
      %swap3A_417 = tpu.vector_load %arg8[%swap3A_415, %swap3A_416] {strides = array<i32>} : memref<40x128xf32, #tpu.memory_space<vmem>>, vector<1x16xf32>,
      %swap3A_418 = vector.shape_cast %swap3A_417 : vector<1x16xf32> to vector<16xf32>
      %swap3A_419 = vector.shape_cast %broadcast_in_dim3A_414 : vector<16xf32> to vector<1x16xf32>
      tpu.vector_store %arg8[%swap3A_415, %swap3A_416], %swap3A_419 {strides = array<i32>} : memref<40x128xf32, #tpu.memory_space<vmem>>, vector<1x16xf32>,
      %scan3A_420 = arith.constant 0 : i32
      scf.yield %scan3A_420 : i32
    }
    %scan3A_5 = arith.constant 40 : i32
    %add3A = arith.constant 0 : i32
    %add3A_6 = arith.addi %arg1, %add3A : i32
    %lt3A = arith.constant 250 : i32
    %lt3A_7 = arith.cmpi slt, %add3A_6, %lt3A : i32
    %convert_element_type3A = arith.extui %lt3A_7 : i1 to i32
    %cond3A = arith.constant 0 : i32
    %cond3A_8 = arith.cmpi ne, %convert_element_type3A, %cond3A : i32
    scf.if %cond3A_8 {
      %mul3A_364 = arith.constant 40 : i32
      %mul3A_365 = arith.muli %add3A_6, %mul3A_364 : i32
      "tpu.region"() ({
        %run_scoped3A = tpu.sem_alloc : memref<!tpu.dma_semaphore, #tpu.memory_space<semaphore_mem>>
        %dma_start3A_366 = arith.constant 0 : i32
        %dma_start3A_367 = tpu.memref_slice %arg7[%mul3A_365, %dma_start3A_366] : memref<10000x128xf32, #tpu.memory_space<vmem_shared>> -> memref<40x128xf32, #tpu.memory_space<vmem_shared>>
        %dma_start3A_368 = arith.constant 0 : i32
        %dma_start3A_369 = tpu.memref_slice %arg7[%mul3A_365, %dma_start3A_368] : memref<10000x128xf32, #tpu.memory_space<vmem_shared>> -> memref<40x128xf32, #tpu.memory_space<vmem_shared>>
        tpu.enqueue_dma source(%arg8 : memref<40x128xf32, #tpu.memory_space<vmem>>) target(%dma_start3A_369 : memref<40x128xf32, #tpu.memory_space<vmem_shared>>) target_semaphore(%run_scoped3A : memref<!tpu.dma_semaphore, #tpu.memory_space<semaphore_mem>>)
        %dma_wait3A_370 = arith.constant 0 : i32
        %dma_wait3A_371 = tpu.memref_slice %arg7[%mul3A_365, %dma_wait3A_370] : memref<10000x128xf32, #tpu.memory_space<vmem_shared>> -> memref<40x128xf32, #tpu.memory_space<vmem_shared>>
        %dma_wait3A_372 = arith.constant 0 : i32
        %dma_wait3A_373 = tpu.memref_slice %arg7[%mul3A_365, %dma_wait3A_372] : memref<10000x128xf32, #tpu.memory_space<vmem_shared>> -> memref<40x128xf32, #tpu.memory_space<vmem_shared>>
        tpu.wait_dma2 semaphore(%run_scoped3A : memref<!tpu.dma_semaphore, #tpu.memory_space<semaphore_mem>>) src(%arg8 : memref<40x128xf32, #tpu.memory_space<vmem>>) dst(%dma_wait3A_373 : memref<40x128xf32, #tpu.memory_space<vmem_shared>>)
        tpu.yield
      }) : () -> ()
    } else {
    }
    %add3A_9 = arith.constant 16 : i32
    %add3A_10 = arith.addi %arg1, %add3A_9 : i32
    %lt3A_11 = arith.constant 250 : i32
    %lt3A_12 = arith.cmpi slt, %add3A_10, %lt3A_11 : i32
    %convert_element_type3A_13 = arith.extui %lt3A_12 : i1 to i32
    %cond3A_14 = arith.constant 0 : i32
    %cond3A_15 = arith.cmpi ne, %convert_element_type3A_13, %cond3A_14 : i32
    scf.if %cond3A_15 {
      %mul3A_364 = arith.constant 40 : i32
      %mul3A_365 = arith.muli %add3A_10, %mul3A_364 : i32
      "tpu.region"() ({
        %run_scoped3A = tpu.sem_alloc : memref<!tpu.dma_semaphore, #tpu.memory_space<semaphore_mem>>
        %dma_start3A_366 = arith.constant 0 : i32
        %dma_start3A_367 = tpu.memref_slice %arg7[%mul3A_365, %dma_start3A_366] : memref<10000x128xf32, #tpu.memory_space<vmem_shared>> -> memref<40x128xf32, #tpu.memory_space<vmem_shared>>
        %dma_start3A_368 = arith.constant 0 : i32
        %dma_start3A_369 = tpu.memref_slice %arg7[%mul3A_365, %dma_start3A_368] : memref<10000x128xf32, #tpu.memory_space<vmem_shared>> -> memref<40x128xf32, #tpu.memory_space<vmem_shared>>
        tpu.enqueue_dma source(%arg8 : memref<40x128xf32, #tpu.memory_space<vmem>>) target(%dma_start3A_369 : memref<40x128xf32, #tpu.memory_space<vmem_shared>>) target_semaphore(%run_scoped3A : memref<!tpu.dma_semaphore, #tpu.memory_space<semaphore_mem>>)
        %dma_wait3A_370 = arith.constant 0 : i32
        %dma_wait3A_371 = tpu.memref_slice %arg7[%mul3A_365, %dma_wait3A_370] : memref<10000x128xf32, #tpu.memory_space<vmem_shared>> -> memref<40x128xf32, #tpu.memory_space<vmem_shared>>
        %dma_wait3A_372 = arith.constant 0 : i32
        %dma_wait3A_373 = tpu.memref_slice %arg7[%mul3A_365, %dma_wait3A_372] : memref<10000x128xf32, #tpu.memory_space<vmem_shared>> -> memref<40x128xf32, #tpu.memory_space<vmem_shared>>
        tpu.wait_dma2 semaphore(%run_scoped3A : memref<!tpu.dma_semaphore, #tpu.memory_space<semaphore_mem>>) src(%arg8 : memref<40x128xf32, #tpu.memory_space<vmem>>) dst(%dma_wait3A_373 : memref<40x128xf32, #tpu.memory_space<vmem_shared>>)
        tpu.yield
      }) : () -> ()
    } else {
    }
    %add3A_16 = arith.constant 32 : i32
    %add3A_17 = arith.addi %arg1, %add3A_16 : i32
    %lt3A_18 = arith.constant 250 : i32
    %lt3A_19 = arith.cmpi slt, %add3A_17, %lt3A_18 : i32
    %convert_element_type3A_20 = arith.extui %lt3A_19 : i1 to i32
    %cond3A_21 = arith.constant 0 : i32
    %cond3A_22 = arith.cmpi ne, %convert_element_type3A_20, %cond3A_21 : i32
    scf.if %cond3A_22 {
      %mul3A_364 = arith.constant 40 : i32
      %mul3A_365 = arith.muli %add3A_17, %mul3A_364 : i32
      "tpu.region"() ({
        %run_scoped3A = tpu.sem_alloc : memref<!tpu.dma_semaphore, #tpu.memory_space<semaphore_mem>>
        %dma_start3A_366 = arith.constant 0 : i32
        %dma_start3A_367 = tpu.memref_slice %arg7[%mul3A_365, %dma_start3A_366] : memref<10000x128xf32, #tpu.memory_space<vmem_shared>> -> memref<40x128xf32, #tpu.memory_space<vmem_shared>>
        %dma_start3A_368 = arith.constant 0 : i32
        %dma_start3A_369 = tpu.memref_slice %arg7[%mul3A_365, %dma_start3A_368] : memref<10000x128xf32, #tpu.memory_space<vmem_shared>> -> memref<40x128xf32, #tpu.memory_space<vmem_shared>>
        tpu.enqueue_dma source(%arg8 : memref<40x128xf32, #tpu.memory_space<vmem>>) target(%dma_start3A_369 : memref<40x128xf32, #tpu.memory_space<vmem_shared>>) target_semaphore(%run_scoped3A : memref<!tpu.dma_semaphore, #tpu.memory_space<semaphore_mem>>)
        %dma_wait3A_370 = arith.constant 0 : i32
        %dma_wait3A_371 = tpu.memref_slice %arg7[%mul3A_365, %dma_wait3A_370] : memref<10000x128xf32, #tpu.memory_space<vmem_shared>> -> memref<40x128xf32, #tpu.memory_space<vmem_shared>>
        %dma_wait3A_372 = arith.constant 0 : i32
        %dma_wait3A_373 = tpu.memref_slice %arg7[%mul3A_365, %dma_wait3A_372] : memref<10000x128xf32, #tpu.memory_space<vmem_shared>> -> memref<40x128xf32, #tpu.memory_space<vmem_shared>>
        tpu.wait_dma2 semaphore(%run_scoped3A : memref<!tpu.dma_semaphore, #tpu.memory_space<semaphore_mem>>) src(%arg8 : memref<40x128xf32, #tpu.memory_space<vmem>>) dst(%dma_wait3A_373 : memref<40x128xf32, #tpu.memory_space<vmem_shared>>)
        tpu.yield
      }) : () -> ()
    } else {
    }
    %add3A_23 = arith.constant 48 : i32
    %add3A_24 = arith.addi %arg1, %add3A_23 : i32
    %lt3A_25 = arith.constant 250 : i32
    %lt3A_26 = arith.cmpi slt, %add3A_24, %lt3A_25 : i32
    %convert_element_type3A_27 = arith.extui %lt3A_26 : i1 to i32
    %cond3A_28 = arith.constant 0 : i32
    %cond3A_29 = arith.cmpi ne, %convert_element_type3A_27, %cond3A_28 : i32
    scf.if %cond3A_29 {
      %mul3A_364 = arith.constant 40 : i32
      %mul3A_365 = arith.muli %add3A_24, %mul3A_364 : i32
      "tpu.region"() ({
        %run_scoped3A = tpu.sem_alloc : memref<!tpu.dma_semaphore, #tpu.memory_space<semaphore_mem>>
        %dma_start3A_366 = arith.constant 0 : i32
        %dma_start3A_367 = tpu.memref_slice %arg7[%mul3A_365, %dma_start3A_366] : memref<10000x128xf32, #tpu.memory_space<vmem_shared>> -> memref<40x128xf32, #tpu.memory_space<vmem_shared>>
        %dma_start3A_368 = arith.constant 0 : i32
        %dma_start3A_369 = tpu.memref_slice %arg7[%mul3A_365, %dma_start3A_368] : memref<10000x128xf32, #tpu.memory_space<vmem_shared>> -> memref<40x128xf32, #tpu.memory_space<vmem_shared>>
        tpu.enqueue_dma source(%arg8 : memref<40x128xf32, #tpu.memory_space<vmem>>) target(%dma_start3A_369 : memref<40x128xf32, #tpu.memory_space<vmem_shared>>) target_semaphore(%run_scoped3A : memref<!tpu.dma_semaphore, #tpu.memory_space<semaphore_mem>>)
        %dma_wait3A_370 = arith.constant 0 : i32
        %dma_wait3A_371 = tpu.memref_slice %arg7[%mul3A_365, %dma_wait3A_370] : memref<10000x128xf32, #tpu.memory_space<vmem_shared>> -> memref<40x128xf32, #tpu.memory_space<vmem_shared>>
        %dma_wait3A_372 = arith.constant 0 : i32
        %dma_wait3A_373 = tpu.memref_slice %arg7[%mul3A_365, %dma_wait3A_372] : memref<10000x128xf32, #tpu.memory_space<vmem_shared>> -> memref<40x128xf32, #tpu.memory_space<vmem_shared>>
        tpu.wait_dma2 semaphore(%run_scoped3A : memref<!tpu.dma_semaphore, #tpu.memory_space<semaphore_mem>>) src(%arg8 : memref<40x128xf32, #tpu.memory_space<vmem>>) dst(%dma_wait3A_373 : memref<40x128xf32, #tpu.memory_space<vmem_shared>>)
        tpu.yield
      }) : () -> ()
    } else {
    }
    %add3A_30 = arith.constant 64 : i32
    %add3A_31 = arith.addi %arg1, %add3A_30 : i32
    %lt3A_32 = arith.constant 250 : i32
    %lt3A_33 = arith.cmpi slt, %add3A_31, %lt3A_32 : i32
    %convert_element_type3A_34 = arith.extui %lt3A_33 : i1 to i32
    %cond3A_35 = arith.constant 0 : i32
    %cond3A_36 = arith.cmpi ne, %convert_element_type3A_34, %cond3A_35 : i32
    scf.if %cond3A_36 {
      %mul3A_364 = arith.constant 40 : i32
      %mul3A_365 = arith.muli %add3A_31, %mul3A_364 : i32
      "tpu.region"() ({
        %run_scoped3A = tpu.sem_alloc : memref<!tpu.dma_semaphore, #tpu.memory_space<semaphore_mem>>
        %dma_start3A_366 = arith.constant 0 : i32
        %dma_start3A_367 = tpu.memref_slice %arg7[%mul3A_365, %dma_start3A_366] : memref<10000x128xf32, #tpu.memory_space<vmem_shared>> -> memref<40x128xf32, #tpu.memory_space<vmem_shared>>
        %dma_start3A_368 = arith.constant 0 : i32
        %dma_start3A_369 = tpu.memref_slice %arg7[%mul3A_365, %dma_start3A_368] : memref<10000x128xf32, #tpu.memory_space<vmem_shared>> -> memref<40x128xf32, #tpu.memory_space<vmem_shared>>
        tpu.enqueue_dma source(%arg8 : memref<40x128xf32, #tpu.memory_space<vmem>>) target(%dma_start3A_369 : memref<40x128xf32, #tpu.memory_space<vmem_shared>>) target_semaphore(%run_scoped3A : memref<!tpu.dma_semaphore, #tpu.memory_space<semaphore_mem>>)
        %dma_wait3A_370 = arith.constant 0 : i32
        %dma_wait3A_371 = tpu.memref_slice %arg7[%mul3A_365, %dma_wait3A_370] : memref<10000x128xf32, #tpu.memory_space<vmem_shared>> -> memref<40x128xf32, #tpu.memory_space<vmem_shared>>
        %dma_wait3A_372 = arith.constant 0 : i32
        %dma_wait3A_373 = tpu.memref_slice %arg7[%mul3A_365, %dma_wait3A_372] : memref<10000x128xf32, #tpu.memory_space<vmem_shared>> -> memref<40x128xf32, #tpu.memory_space<vmem_shared>>
        tpu.wait_dma2 semaphore(%run_scoped3A : memref<!tpu.dma_semaphore, #tpu.memory_space<semaphore_mem>>) src(%arg8 : memref<40x128xf32, #tpu.memory_space<vmem>>) dst(%dma_wait3A_373 : memref<40x128xf32, #tpu.memory_space<vmem_shared>>)
        tpu.yield
      }) : () -> ()
    } else {
    }
    %add3A_37 = arith.constant 80 : i32
    %add3A_38 = arith.addi %arg1, %add3A_37 : i32
    %lt3A_39 = arith.constant 250 : i32
    %lt3A_40 = arith.cmpi slt, %add3A_38, %lt3A_39 : i32
    %convert_element_type3A_41 = arith.extui %lt3A_40 : i1 to i32
    %cond3A_42 = arith.constant 0 : i32
    %cond3A_43 = arith.cmpi ne, %convert_element_type3A_41, %cond3A_42 : i32
    scf.if %cond3A_43 {
      %mul3A_364 = arith.constant 40 : i32
      %mul3A_365 = arith.muli %add3A_38, %mul3A_364 : i32
      "tpu.region"() ({
        %run_scoped3A = tpu.sem_alloc : memref<!tpu.dma_semaphore, #tpu.memory_space<semaphore_mem>>
        %dma_start3A_366 = arith.constant 0 : i32
        %dma_start3A_367 = tpu.memref_slice %arg7[%mul3A_365, %dma_start3A_366] : memref<10000x128xf32, #tpu.memory_space<vmem_shared>> -> memref<40x128xf32, #tpu.memory_space<vmem_shared>>
        %dma_start3A_368 = arith.constant 0 : i32
        %dma_start3A_369 = tpu.memref_slice %arg7[%mul3A_365, %dma_start3A_368] : memref<10000x128xf32, #tpu.memory_space<vmem_shared>> -> memref<40x128xf32, #tpu.memory_space<vmem_shared>>
        tpu.enqueue_dma source(%arg8 : memref<40x128xf32, #tpu.memory_space<vmem>>) target(%dma_start3A_369 : memref<40x128xf32, #tpu.memory_space<vmem_shared>>) target_semaphore(%run_scoped3A : memref<!tpu.dma_semaphore, #tpu.memory_space<semaphore_mem>>)
        %dma_wait3A_370 = arith.constant 0 : i32
        %dma_wait3A_371 = tpu.memref_slice %arg7[%mul3A_365, %dma_wait3A_370] : memref<10000x128xf32, #tpu.memory_space<vmem_shared>> -> memref<40x128xf32, #tpu.memory_space<vmem_shared>>
        %dma_wait3A_372 = arith.constant 0 : i32
        %dma_wait3A_373 = tpu.memref_slice %arg7[%mul3A_365, %dma_wait3A_372] : memref<10000x128xf32, #tpu.memory_space<vmem_shared>> -> memref<40x128xf32, #tpu.memory_space<vmem_shared>>
        tpu.wait_dma2 semaphore(%run_scoped3A : memref<!tpu.dma_semaphore, #tpu.memory_space<semaphore_mem>>) src(%arg8 : memref<40x128xf32, #tpu.memory_space<vmem>>) dst(%dma_wait3A_373 : memref<40x128xf32, #tpu.memory_space<vmem_shared>>)
        tpu.yield
      }) : () -> ()
    } else {
    }
    %add3A_44 = arith.constant 96 : i32
    %add3A_45 = arith.addi %arg1, %add3A_44 : i32
    %lt3A_46 = arith.constant 250 : i32
    %lt3A_47 = arith.cmpi slt, %add3A_45, %lt3A_46 : i32
    %convert_element_type3A_48 = arith.extui %lt3A_47 : i1 to i32
    %cond3A_49 = arith.constant 0 : i32
    %cond3A_50 = arith.cmpi ne, %convert_element_type3A_48, %cond3A_49 : i32
    scf.if %cond3A_50 {
      %mul3A_364 = arith.constant 40 : i32
      %mul3A_365 = arith.muli %add3A_45, %mul3A_364 : i32
      "tpu.region"() ({
        %run_scoped3A = tpu.sem_alloc : memref<!tpu.dma_semaphore, #tpu.memory_space<semaphore_mem>>
        %dma_start3A_366 = arith.constant 0 : i32
        %dma_start3A_367 = tpu.memref_slice %arg7[%mul3A_365, %dma_start3A_366] : memref<10000x128xf32, #tpu.memory_space<vmem_shared>> -> memref<40x128xf32, #tpu.memory_space<vmem_shared>>
        %dma_start3A_368 = arith.constant 0 : i32
        %dma_start3A_369 = tpu.memref_slice %arg7[%mul3A_365, %dma_start3A_368] : memref<10000x128xf32, #tpu.memory_space<vmem_shared>> -> memref<40x128xf32, #tpu.memory_space<vmem_shared>>
        tpu.enqueue_dma source(%arg8 : memref<40x128xf32, #tpu.memory_space<vmem>>) target(%dma_start3A_369 : memref<40x128xf32, #tpu.memory_space<vmem_shared>>) target_semaphore(%run_scoped3A : memref<!tpu.dma_semaphore, #tpu.memory_space<semaphore_mem>>)
        %dma_wait3A_370 = arith.constant 0 : i32
        %dma_wait3A_371 = tpu.memref_slice %arg7[%mul3A_365, %dma_wait3A_370] : memref<10000x128xf32, #tpu.memory_space<vmem_shared>> -> memref<40x128xf32, #tpu.memory_space<vmem_shared>>
        %dma_wait3A_372 = arith.constant 0 : i32
        %dma_wait3A_373 = tpu.memref_slice %arg7[%mul3A_365, %dma_wait3A_372] : memref<10000x128xf32, #tpu.memory_space<vmem_shared>> -> memref<40x128xf32, #tpu.memory_space<vmem_shared>>
        tpu.wait_dma2 semaphore(%run_scoped3A : memref<!tpu.dma_semaphore, #tpu.memory_space<semaphore_mem>>) src(%arg8 : memref<40x128xf32, #tpu.memory_space<vmem>>) dst(%dma_wait3A_373 : memref<40x128xf32, #tpu.memory_space<vmem_shared>>)
        tpu.yield
      }) : () -> ()
    } else {
    }
    %add3A_51 = arith.constant 112 : i32
    %add3A_52 = arith.addi %arg1, %add3A_51 : i32
    %lt3A_53 = arith.constant 250 : i32
    %lt3A_54 = arith.cmpi slt, %add3A_52, %lt3A_53 : i32
    %convert_element_type3A_55 = arith.extui %lt3A_54 : i1 to i32
    %cond3A_56 = arith.constant 0 : i32
    %cond3A_57 = arith.cmpi ne, %convert_element_type3A_55, %cond3A_56 : i32
    scf.if %cond3A_57 {
      %mul3A_364 = arith.constant 40 : i32
      %mul3A_365 = arith.muli %add3A_52, %mul3A_364 : i32
      "tpu.region"() ({
        %run_scoped3A = tpu.sem_alloc : memref<!tpu.dma_semaphore, #tpu.memory_space<semaphore_mem>>
        %dma_start3A_366 = arith.constant 0 : i32
        %dma_start3A_367 = tpu.memref_slice %arg7[%mul3A_365, %dma_start3A_366] : memref<10000x128xf32, #tpu.memory_space<vmem_shared>> -> memref<40x128xf32, #tpu.memory_space<vmem_shared>>
        %dma_start3A_368 = arith.constant 0 : i32
        %dma_start3A_369 = tpu.memref_slice %arg7[%mul3A_365, %dma_start3A_368] : memref<10000x128xf32, #tpu.memory_space<vmem_shared>> -> memref<40x128xf32, #tpu.memory_space<vmem_shared>>
        tpu.enqueue_dma source(%arg8 : memref<40x128xf32, #tpu.memory_space<vmem>>) target(%dma_start3A_369 : memref<40x128xf32, #tpu.memory_space<vmem_shared>>) target_semaphore(%run_scoped3A : memref<!tpu.dma_semaphore, #tpu.memory_space<semaphore_mem>>)
        %dma_wait3A_370 = arith.constant 0 : i32
        %dma_wait3A_371 = tpu.memref_slice %arg7[%mul3A_365, %dma_wait3A_370] : memref<10000x128xf32, #tpu.memory_space<vmem_shared>> -> memref<40x128xf32, #tpu.memory_space<vmem_shared>>
        %dma_wait3A_372 = arith.constant 0 : i32
        %dma_wait3A_373 = tpu.memref_slice %arg7[%mul3A_365, %dma_wait3A_372] : memref<10000x128xf32, #tpu.memory_space<vmem_shared>> -> memref<40x128xf32, #tpu.memory_space<vmem_shared>>
        tpu.wait_dma2 semaphore(%run_scoped3A : memref<!tpu.dma_semaphore, #tpu.memory_space<semaphore_mem>>) src(%arg8 : memref<40x128xf32, #tpu.memory_space<vmem>>) dst(%dma_wait3A_373 : memref<40x128xf32, #tpu.memory_space<vmem_shared>>)
        tpu.yield
      }) : () -> ()
    } else {
    }
    %add3A_58 = arith.constant 128 : i32
    %add3A_59 = arith.addi %arg1, %add3A_58 : i32
    %lt3A_60 = arith.constant 250 : i32
    %lt3A_61 = arith.cmpi slt, %add3A_59, %lt3A_60 : i32
    %convert_element_type3A_62 = arith.extui %lt3A_61 : i1 to i32
    %cond3A_63 = arith.constant 0 : i32
    %cond3A_64 = arith.cmpi ne, %convert_element_type3A_62, %cond3A_63 : i32
    scf.if %cond3A_64 {
      %mul3A_364 = arith.constant 40 : i32
      %mul3A_365 = arith.muli %add3A_59, %mul3A_364 : i32
      "tpu.region"() ({
        %run_scoped3A = tpu.sem_alloc : memref<!tpu.dma_semaphore, #tpu.memory_space<semaphore_mem>>
        %dma_start3A_366 = arith.constant 0 : i32
        %dma_start3A_367 = tpu.memref_slice %arg7[%mul3A_365, %dma_start3A_366] : memref<10000x128xf32, #tpu.memory_space<vmem_shared>> -> memref<40x128xf32, #tpu.memory_space<vmem_shared>>
        %dma_start3A_368 = arith.constant 0 : i32
        %dma_start3A_369 = tpu.memref_slice %arg7[%mul3A_365, %dma_start3A_368] : memref<10000x128xf32, #tpu.memory_space<vmem_shared>> -> memref<40x128xf32, #tpu.memory_space<vmem_shared>>
        tpu.enqueue_dma source(%arg8 : memref<40x128xf32, #tpu.memory_space<vmem>>) target(%dma_start3A_369 : memref<40x128xf32, #tpu.memory_space<vmem_shared>>) target_semaphore(%run_scoped3A : memref<!tpu.dma_semaphore, #tpu.memory_space<semaphore_mem>>)
        %dma_wait3A_370 = arith.constant 0 : i32
        %dma_wait3A_371 = tpu.memref_slice %arg7[%mul3A_365, %dma_wait3A_370] : memref<10000x128xf32, #tpu.memory_space<vmem_shared>> -> memref<40x128xf32, #tpu.memory_space<vmem_shared>>
        %dma_wait3A_372 = arith.constant 0 : i32
        %dma_wait3A_373 = tpu.memref_slice %arg7[%mul3A_365, %dma_wait3A_372] : memref<10000x128xf32, #tpu.memory_space<vmem_shared>> -> memref<40x128xf32, #tpu.memory_space<vmem_shared>>
        tpu.wait_dma2 semaphore(%run_scoped3A : memref<!tpu.dma_semaphore, #tpu.memory_space<semaphore_mem>>) src(%arg8 : memref<40x128xf32, #tpu.memory_space<vmem>>) dst(%dma_wait3A_373 : memref<40x128xf32, #tpu.memory_space<vmem_shared>>)
        tpu.yield
      }) : () -> ()
    } else {
    }
    %add3A_65 = arith.constant 144 : i32
    %add3A_66 = arith.addi %arg1, %add3A_65 : i32
    %lt3A_67 = arith.constant 250 : i32
    %lt3A_68 = arith.cmpi slt, %add3A_66, %lt3A_67 : i32
    %convert_element_type3A_69 = arith.extui %lt3A_68 : i1 to i32
    %cond3A_70 = arith.constant 0 : i32
    %cond3A_71 = arith.cmpi ne, %convert_element_type3A_69, %cond3A_70 : i32
    scf.if %cond3A_71 {
      %mul3A_364 = arith.constant 40 : i32
      %mul3A_365 = arith.muli %add3A_66, %mul3A_364 : i32
      "tpu.region"() ({
        %run_scoped3A = tpu.sem_alloc : memref<!tpu.dma_semaphore, #tpu.memory_space<semaphore_mem>>
        %dma_start3A_366 = arith.constant 0 : i32
        %dma_start3A_367 = tpu.memref_slice %arg7[%mul3A_365, %dma_start3A_366] : memref<10000x128xf32, #tpu.memory_space<vmem_shared>> -> memref<40x128xf32, #tpu.memory_space<vmem_shared>>
        %dma_start3A_368 = arith.constant 0 : i32
        %dma_start3A_369 = tpu.memref_slice %arg7[%mul3A_365, %dma_start3A_368] : memref<10000x128xf32, #tpu.memory_space<vmem_shared>> -> memref<40x128xf32, #tpu.memory_space<vmem_shared>>
        tpu.enqueue_dma source(%arg8 : memref<40x128xf32, #tpu.memory_space<vmem>>) target(%dma_start3A_369 : memref<40x128xf32, #tpu.memory_space<vmem_shared>>) target_semaphore(%run_scoped3A : memref<!tpu.dma_semaphore, #tpu.memory_space<semaphore_mem>>)
        %dma_wait3A_370 = arith.constant 0 : i32
        %dma_wait3A_371 = tpu.memref_slice %arg7[%mul3A_365, %dma_wait3A_370] : memref<10000x128xf32, #tpu.memory_space<vmem_shared>> -> memref<40x128xf32, #tpu.memory_space<vmem_shared>>
        %dma_wait3A_372 = arith.constant 0 : i32
        %dma_wait3A_373 = tpu.memref_slice %arg7[%mul3A_365, %dma_wait3A_372] : memref<10000x128xf32, #tpu.memory_space<vmem_shared>> -> memref<40x128xf32, #tpu.memory_space<vmem_shared>>
        tpu.wait_dma2 semaphore(%run_scoped3A : memref<!tpu.dma_semaphore, #tpu.memory_space<semaphore_mem>>) src(%arg8 : memref<40x128xf32, #tpu.memory_space<vmem>>) dst(%dma_wait3A_373 : memref<40x128xf32, #tpu.memory_space<vmem_shared>>)
        tpu.yield
      }) : () -> ()
    } else {
    }
    %add3A_72 = arith.constant 160 : i32
    %add3A_73 = arith.addi %arg1, %add3A_72 : i32
    %lt3A_74 = arith.constant 250 : i32
    %lt3A_75 = arith.cmpi slt, %add3A_73, %lt3A_74 : i32
    %convert_element_type3A_76 = arith.extui %lt3A_75 : i1 to i32
    %cond3A_77 = arith.constant 0 : i32
    %cond3A_78 = arith.cmpi ne, %convert_element_type3A_76, %cond3A_77 : i32
    scf.if %cond3A_78 {
      %mul3A_364 = arith.constant 40 : i32
      %mul3A_365 = arith.muli %add3A_73, %mul3A_364 : i32
      "tpu.region"() ({
        %run_scoped3A = tpu.sem_alloc : memref<!tpu.dma_semaphore, #tpu.memory_space<semaphore_mem>>
        %dma_start3A_366 = arith.constant 0 : i32
        %dma_start3A_367 = tpu.memref_slice %arg7[%mul3A_365, %dma_start3A_366] : memref<10000x128xf32, #tpu.memory_space<vmem_shared>> -> memref<40x128xf32, #tpu.memory_space<vmem_shared>>
        %dma_start3A_368 = arith.constant 0 : i32
        %dma_start3A_369 = tpu.memref_slice %arg7[%mul3A_365, %dma_start3A_368] : memref<10000x128xf32, #tpu.memory_space<vmem_shared>> -> memref<40x128xf32, #tpu.memory_space<vmem_shared>>
        tpu.enqueue_dma source(%arg8 : memref<40x128xf32, #tpu.memory_space<vmem>>) target(%dma_start3A_369 : memref<40x128xf32, #tpu.memory_space<vmem_shared>>) target_semaphore(%run_scoped3A : memref<!tpu.dma_semaphore, #tpu.memory_space<semaphore_mem>>)
        %dma_wait3A_370 = arith.constant 0 : i32
        %dma_wait3A_371 = tpu.memref_slice %arg7[%mul3A_365, %dma_wait3A_370] : memref<10000x128xf32, #tpu.memory_space<vmem_shared>> -> memref<40x128xf32, #tpu.memory_space<vmem_shared>>
        %dma_wait3A_372 = arith.constant 0 : i32
        %dma_wait3A_373 = tpu.memref_slice %arg7[%mul3A_365, %dma_wait3A_372] : memref<10000x128xf32, #tpu.memory_space<vmem_shared>> -> memref<40x128xf32, #tpu.memory_space<vmem_shared>>
        tpu.wait_dma2 semaphore(%run_scoped3A : memref<!tpu.dma_semaphore, #tpu.memory_space<semaphore_mem>>) src(%arg8 : memref<40x128xf32, #tpu.memory_space<vmem>>) dst(%dma_wait3A_373 : memref<40x128xf32, #tpu.memory_space<vmem_shared>>)
        tpu.yield
      }) : () -> ()
    } else {
    }
    %add3A_79 = arith.constant 176 : i32
    %add3A_80 = arith.addi %arg1, %add3A_79 : i32
    %lt3A_81 = arith.constant 250 : i32
    %lt3A_82 = arith.cmpi slt, %add3A_80, %lt3A_81 : i32
    %convert_element_type3A_83 = arith.extui %lt3A_82 : i1 to i32
    %cond3A_84 = arith.constant 0 : i32
    %cond3A_85 = arith.cmpi ne, %convert_element_type3A_83, %cond3A_84 : i32
    scf.if %cond3A_85 {
      %mul3A_364 = arith.constant 40 : i32
      %mul3A_365 = arith.muli %add3A_80, %mul3A_364 : i32
      "tpu.region"() ({
        %run_scoped3A = tpu.sem_alloc : memref<!tpu.dma_semaphore, #tpu.memory_space<semaphore_mem>>
        %dma_start3A_366 = arith.constant 0 : i32
        %dma_start3A_367 = tpu.memref_slice %arg7[%mul3A_365, %dma_start3A_366] : memref<10000x128xf32, #tpu.memory_space<vmem_shared>> -> memref<40x128xf32, #tpu.memory_space<vmem_shared>>
        %dma_start3A_368 = arith.constant 0 : i32
        %dma_start3A_369 = tpu.memref_slice %arg7[%mul3A_365, %dma_start3A_368] : memref<10000x128xf32, #tpu.memory_space<vmem_shared>> -> memref<40x128xf32, #tpu.memory_space<vmem_shared>>
        tpu.enqueue_dma source(%arg8 : memref<40x128xf32, #tpu.memory_space<vmem>>) target(%dma_start3A_369 : memref<40x128xf32, #tpu.memory_space<vmem_shared>>) target_semaphore(%run_scoped3A : memref<!tpu.dma_semaphore, #tpu.memory_space<semaphore_mem>>)
        %dma_wait3A_370 = arith.constant 0 : i32
        %dma_wait3A_371 = tpu.memref_slice %arg7[%mul3A_365, %dma_wait3A_370] : memref<10000x128xf32, #tpu.memory_space<vmem_shared>> -> memref<40x128xf32, #tpu.memory_space<vmem_shared>>
        %dma_wait3A_372 = arith.constant 0 : i32
        %dma_wait3A_373 = tpu.memref_slice %arg7[%mul3A_365, %dma_wait3A_372] : memref<10000x128xf32, #tpu.memory_space<vmem_shared>> -> memref<40x128xf32, #tpu.memory_space<vmem_shared>>
        tpu.wait_dma2 semaphore(%run_scoped3A : memref<!tpu.dma_semaphore, #tpu.memory_space<semaphore_mem>>) src(%arg8 : memref<40x128xf32, #tpu.memory_space<vmem>>) dst(%dma_wait3A_373 : memref<40x128xf32, #tpu.memory_space<vmem_shared>>)
        tpu.yield
      }) : () -> ()
    } else {
    }
    %add3A_86 = arith.constant 192 : i32
    %add3A_87 = arith.addi %arg1, %add3A_86 : i32
    %lt3A_88 = arith.constant 250 : i32
    %lt3A_89 = arith.cmpi slt, %add3A_87, %lt3A_88 : i32
    %convert_element_type3A_90 = arith.extui %lt3A_89 : i1 to i32
    %cond3A_91 = arith.constant 0 : i32
    %cond3A_92 = arith.cmpi ne, %convert_element_type3A_90, %cond3A_91 : i32
    scf.if %cond3A_92 {
      %mul3A_364 = arith.constant 40 : i32
      %mul3A_365 = arith.muli %add3A_87, %mul3A_364 : i32
      "tpu.region"() ({
        %run_scoped3A = tpu.sem_alloc : memref<!tpu.dma_semaphore, #tpu.memory_space<semaphore_mem>>
        %dma_start3A_366 = arith.constant 0 : i32
        %dma_start3A_367 = tpu.memref_slice %arg7[%mul3A_365, %dma_start3A_366] : memref<10000x128xf32, #tpu.memory_space<vmem_shared>> -> memref<40x128xf32, #tpu.memory_space<vmem_shared>>
        %dma_start3A_368 = arith.constant 0 : i32
        %dma_start3A_369 = tpu.memref_slice %arg7[%mul3A_365, %dma_start3A_368] : memref<10000x128xf32, #tpu.memory_space<vmem_shared>> -> memref<40x128xf32, #tpu.memory_space<vmem_shared>>
        tpu.enqueue_dma source(%arg8 : memref<40x128xf32, #tpu.memory_space<vmem>>) target(%dma_start3A_369 : memref<40x128xf32, #tpu.memory_space<vmem_shared>>) target_semaphore(%run_scoped3A : memref<!tpu.dma_semaphore, #tpu.memory_space<semaphore_mem>>)
        %dma_wait3A_370 = arith.constant 0 : i32
        %dma_wait3A_371 = tpu.memref_slice %arg7[%mul3A_365, %dma_wait3A_370] : memref<10000x128xf32, #tpu.memory_space<vmem_shared>> -> memref<40x128xf32, #tpu.memory_space<vmem_shared>>
        %dma_wait3A_372 = arith.constant 0 : i32
        %dma_wait3A_373 = tpu.memref_slice %arg7[%mul3A_365, %dma_wait3A_372] : memref<10000x128xf32, #tpu.memory_space<vmem_shared>> -> memref<40x128xf32, #tpu.memory_space<vmem_shared>>
        tpu.wait_dma2 semaphore(%run_scoped3A : memref<!tpu.dma_semaphore, #tpu.memory_space<semaphore_mem>>) src(%arg8 : memref<40x128xf32, #tpu.memory_space<vmem>>) dst(%dma_wait3A_373 : memref<40x128xf32, #tpu.memory_space<vmem_shared>>)
        tpu.yield
      }) : () -> ()
    } else {
    }
    %add3A_93 = arith.constant 208 : i32
    %add3A_94 = arith.addi %arg1, %add3A_93 : i32
    %lt3A_95 = arith.constant 250 : i32
    %lt3A_96 = arith.cmpi slt, %add3A_94, %lt3A_95 : i32
    %convert_element_type3A_97 = arith.extui %lt3A_96 : i1 to i32
    %cond3A_98 = arith.constant 0 : i32
    %cond3A_99 = arith.cmpi ne, %convert_element_type3A_97, %cond3A_98 : i32
    scf.if %cond3A_99 {
      %mul3A_364 = arith.constant 40 : i32
      %mul3A_365 = arith.muli %add3A_94, %mul3A_364 : i32
      "tpu.region"() ({
        %run_scoped3A = tpu.sem_alloc : memref<!tpu.dma_semaphore, #tpu.memory_space<semaphore_mem>>
        %dma_start3A_366 = arith.constant 0 : i32
        %dma_start3A_367 = tpu.memref_slice %arg7[%mul3A_365, %dma_start3A_366] : memref<10000x128xf32, #tpu.memory_space<vmem_shared>> -> memref<40x128xf32, #tpu.memory_space<vmem_shared>>
        %dma_start3A_368 = arith.constant 0 : i32
        %dma_start3A_369 = tpu.memref_slice %arg7[%mul3A_365, %dma_start3A_368] : memref<10000x128xf32, #tpu.memory_space<vmem_shared>> -> memref<40x128xf32, #tpu.memory_space<vmem_shared>>
        tpu.enqueue_dma source(%arg8 : memref<40x128xf32, #tpu.memory_space<vmem>>) target(%dma_start3A_369 : memref<40x128xf32, #tpu.memory_space<vmem_shared>>) target_semaphore(%run_scoped3A : memref<!tpu.dma_semaphore, #tpu.memory_space<semaphore_mem>>)
        %dma_wait3A_370 = arith.constant 0 : i32
        %dma_wait3A_371 = tpu.memref_slice %arg7[%mul3A_365, %dma_wait3A_370] : memref<10000x128xf32, #tpu.memory_space<vmem_shared>> -> memref<40x128xf32, #tpu.memory_space<vmem_shared>>
        %dma_wait3A_372 = arith.constant 0 : i32
        %dma_wait3A_373 = tpu.memref_slice %arg7[%mul3A_365, %dma_wait3A_372] : memref<10000x128xf32, #tpu.memory_space<vmem_shared>> -> memref<40x128xf32, #tpu.memory_space<vmem_shared>>
        tpu.wait_dma2 semaphore(%run_scoped3A : memref<!tpu.dma_semaphore, #tpu.memory_space<semaphore_mem>>) src(%arg8 : memref<40x128xf32, #tpu.memory_space<vmem>>) dst(%dma_wait3A_373 : memref<40x128xf32, #tpu.memory_space<vmem_shared>>)
        tpu.yield
      }) : () -> ()
    } else {
    }
    %add3A_100 = arith.constant 224 : i32
    %add3A_101 = arith.addi %arg1, %add3A_100 : i32
    %lt3A_102 = arith.constant 250 : i32
    %lt3A_103 = arith.cmpi slt, %add3A_101, %lt3A_102 : i32
    %convert_element_type3A_104 = arith.extui %lt3A_103 : i1 to i32
    %cond3A_105 = arith.constant 0 : i32
    %cond3A_106 = arith.cmpi ne, %convert_element_type3A_104, %cond3A_105 : i32
    scf.if %cond3A_106 {
      %mul3A_364 = arith.constant 40 : i32
      %mul3A_365 = arith.muli %add3A_101, %mul3A_364 : i32
      "tpu.region"() ({
        %run_scoped3A = tpu.sem_alloc : memref<!tpu.dma_semaphore, #tpu.memory_space<semaphore_mem>>
        %dma_start3A_366 = arith.constant 0 : i32
        %dma_start3A_367 = tpu.memref_slice %arg7[%mul3A_365, %dma_start3A_366] : memref<10000x128xf32, #tpu.memory_space<vmem_shared>> -> memref<40x128xf32, #tpu.memory_space<vmem_shared>>
        %dma_start3A_368 = arith.constant 0 : i32
        %dma_start3A_369 = tpu.memref_slice %arg7[%mul3A_365, %dma_start3A_368] : memref<10000x128xf32, #tpu.memory_space<vmem_shared>> -> memref<40x128xf32, #tpu.memory_space<vmem_shared>>
        tpu.enqueue_dma source(%arg8 : memref<40x128xf32, #tpu.memory_space<vmem>>) target(%dma_start3A_369 : memref<40x128xf32, #tpu.memory_space<vmem_shared>>) target_semaphore(%run_scoped3A : memref<!tpu.dma_semaphore, #tpu.memory_space<semaphore_mem>>)
        %dma_wait3A_370 = arith.constant 0 : i32
        %dma_wait3A_371 = tpu.memref_slice %arg7[%mul3A_365, %dma_wait3A_370] : memref<10000x128xf32, #tpu.memory_space<vmem_shared>> -> memref<40x128xf32, #tpu.memory_space<vmem_shared>>
        %dma_wait3A_372 = arith.constant 0 : i32
        %dma_wait3A_373 = tpu.memref_slice %arg7[%mul3A_365, %dma_wait3A_372] : memref<10000x128xf32, #tpu.memory_space<vmem_shared>> -> memref<40x128xf32, #tpu.memory_space<vmem_shared>>
        tpu.wait_dma2 semaphore(%run_scoped3A : memref<!tpu.dma_semaphore, #tpu.memory_space<semaphore_mem>>) src(%arg8 : memref<40x128xf32, #tpu.memory_space<vmem>>) dst(%dma_wait3A_373 : memref<40x128xf32, #tpu.memory_space<vmem_shared>>)
        tpu.yield
      }) : () -> ()
    } else {
    }
    %add3A_107 = arith.constant 240 : i32
    %add3A_108 = arith.addi %arg1, %add3A_107 : i32
    %lt3A_109 = arith.constant 250 : i32
    %lt3A_110 = arith.cmpi slt, %add3A_108, %lt3A_109 : i32
    %convert_element_type3A_111 = arith.extui %lt3A_110 : i1 to i32
    %cond3A_112 = arith.constant 0 : i32
    %cond3A_113 = arith.cmpi ne, %convert_element_type3A_111, %cond3A_112 : i32
    scf.if %cond3A_113 {
      %mul3A_364 = arith.constant 40 : i32
      %mul3A_365 = arith.muli %add3A_108, %mul3A_364 : i32
      "tpu.region"() ({
        %run_scoped3A = tpu.sem_alloc : memref<!tpu.dma_semaphore, #tpu.memory_space<semaphore_mem>>
        %dma_start3A_366 = arith.constant 0 : i32
        %dma_start3A_367 = tpu.memref_slice %arg7[%mul3A_365, %dma_start3A_366] : memref<10000x128xf32, #tpu.memory_space<vmem_shared>> -> memref<40x128xf32, #tpu.memory_space<vmem_shared>>
        %dma_start3A_368 = arith.constant 0 : i32
        %dma_start3A_369 = tpu.memref_slice %arg7[%mul3A_365, %dma_start3A_368] : memref<10000x128xf32, #tpu.memory_space<vmem_shared>> -> memref<40x128xf32, #tpu.memory_space<vmem_shared>>
        tpu.enqueue_dma source(%arg8 : memref<40x128xf32, #tpu.memory_space<vmem>>) target(%dma_start3A_369 : memref<40x128xf32, #tpu.memory_space<vmem_shared>>) target_semaphore(%run_scoped3A : memref<!tpu.dma_semaphore, #tpu.memory_space<semaphore_mem>>)
        %dma_wait3A_370 = arith.constant 0 : i32
        %dma_wait3A_371 = tpu.memref_slice %arg7[%mul3A_365, %dma_wait3A_370] : memref<10000x128xf32, #tpu.memory_space<vmem_shared>> -> memref<40x128xf32, #tpu.memory_space<vmem_shared>>
        %dma_wait3A_372 = arith.constant 0 : i32
        %dma_wait3A_373 = tpu.memref_slice %arg7[%mul3A_365, %dma_wait3A_372] : memref<10000x128xf32, #tpu.memory_space<vmem_shared>> -> memref<40x128xf32, #tpu.memory_space<vmem_shared>>
        tpu.wait_dma2 semaphore(%run_scoped3A : memref<!tpu.dma_semaphore, #tpu.memory_space<semaphore_mem>>) src(%arg8 : memref<40x128xf32, #tpu.memory_space<vmem>>) dst(%dma_wait3A_373 : memref<40x128xf32, #tpu.memory_space<vmem_shared>>)
        tpu.yield
      }) : () -> ()
    } else {
    }
    %barrier3A = arith.constant 0 : index
    tpu.barrier barrier_id(%barrier3A)
    %mul3A = arith.constant 209 : i32
    %mul3A_114 = arith.muli %arg1, %mul3A : i32
    %add3A_115 = arith.constant 0 : i32
    %add3A_116 = arith.addi %mul3A_114, %add3A_115 : i32
    %rem3A = arith.constant 0 : i32
    %rem3A_117 = arith.constant 5 : i32
    %rem3A_118 = arith.remsi %rem3A, %rem3A_117 : i32
    %rem3A_119 = arith.constant 0 : i32
    %rem3A_120 = arith.constant 3 : i32
    %rem3A_121 = arith.remsi %rem3A_119, %rem3A_120 : i32
    %dma_start3A = arith.constant 0 : i32
    %dma_start3A_122 = arith.constant 0 : i32
    %dma_start3A_123 = tpu.memref_slice %arg9[%rem3A_118, %dma_start3A, %dma_start3A_122] : memref<5x2x48xi32, #tpu.memory_space<vmem>> -> memref<1x2x48xi32, #tpu.memory_space<vmem>>
    %dma_start3A_124 = tpu.memref_squeeze %dma_start3A_123 : memref<1x2x48xi32, #tpu.memory_space<vmem>> -> memref<2x48xi32, #tpu.memory_space<vmem>>
    %dma_start3A_125 = arith.constant 0 : i32
    %dma_start3A_126 = arith.constant 0 : i32
    %dma_start3A_127 = tpu.memref_slice %arg5[%add3A_116, %dma_start3A_125, %dma_start3A_126] : memref<3344x2x48xi32, #tpu.memory_space<hbm>> -> memref<1x2x48xi32, #tpu.memory_space<hbm>>
    %dma_start3A_128 = tpu.memref_squeeze %dma_start3A_127 : memref<1x2x48xi32, #tpu.memory_space<hbm>> -> memref<2x48xi32, #tpu.memory_space<hbm>>
    %dma_start3A_129 = tpu.memref_slice %arg13[%rem3A_121] : memref<3x!tpu.dma_semaphore, #tpu.memory_space<semaphore_mem>> -> memref<1x!tpu.dma_semaphore, #tpu.memory_space<semaphore_mem>>
    %dma_start3A_130 = tpu.memref_squeeze %dma_start3A_129 : memref<1x!tpu.dma_semaphore, #tpu.memory_space<semaphore_mem>> -> memref<!tpu.dma_semaphore, #tpu.memory_space<semaphore_mem>>
    %dma_start3A_131 = arith.constant 0 : i32
    %dma_start3A_132 = arith.constant 0 : i32
    %dma_start3A_133 = tpu.memref_slice %arg9[%rem3A_118, %dma_start3A_131, %dma_start3A_132] : memref<5x2x48xi32, #tpu.memory_space<vmem>> -> memref<1x2x48xi32, #tpu.memory_space<vmem>>
    %dma_start3A_134 = tpu.memref_squeeze %dma_start3A_133 : memref<1x2x48xi32, #tpu.memory_space<vmem>> -> memref<2x48xi32, #tpu.memory_space<vmem>>
    %dma_start3A_135 = arith.constant 0 : i32
    %dma_start3A_136 = arith.constant 0 : i32
    %dma_start3A_137 = tpu.memref_slice %arg5[%add3A_116, %dma_start3A_135, %dma_start3A_136] : memref<3344x2x48xi32, #tpu.memory_space<hbm>> -> memref<1x2x48xi32, #tpu.memory_space<hbm>>
    %dma_start3A_138 = tpu.memref_squeeze %dma_start3A_137 : memref<1x2x48xi32, #tpu.memory_space<hbm>> -> memref<2x48xi32, #tpu.memory_space<hbm>>
    tpu.enqueue_dma source(%dma_start3A_138 : memref<2x48xi32, #tpu.memory_space<hbm>>) target(%dma_start3A_134 : memref<2x48xi32, #tpu.memory_space<vmem>>) target_semaphore(%dma_start3A_130 : memref<!tpu.dma_semaphore, #tpu.memory_space<semaphore_mem>>)
    %eq3A = arith.constant 0 : i32
    %eq3A_139 = arith.cmpi eq, %arg0, %eq3A : i32
    %convert_element_type3A_140 = arith.extui %eq3A_139 : i1 to i32
    %cond3A_141 = arith.constant 0 : i32
    %cond3A_142 = arith.cmpi ne, %convert_element_type3A_140, %cond3A_141 : i32
    scf.if %cond3A_142 {
      %mul3A_364 = arith.constant 48 : i32
      %mul3A_365 = arith.muli %add3A_116, %mul3A_364 : i32
      %dma_start3A_366 = arith.constant 0 : i32
      %dma_start3A_367 = arith.constant 0 : i32
      %dma_start3A_368 = tpu.memref_slice %arg10[%rem3A_121, %dma_start3A_366, %dma_start3A_367] : memref<3x48x128xf32, #tpu.memory_space<vmem>> -> memref<1x48x128xf32, #tpu.memory_space<vmem>>
      %dma_start3A_369 = tpu.memref_squeeze %dma_start3A_368 : memref<1x48x128xf32, #tpu.memory_space<vmem>> -> memref<48x128xf32, #tpu.memory_space<vmem>>
      %dma_start3A_370 = arith.constant 0 : i32
      %dma_start3A_371 = tpu.memref_slice %arg3[%mul3A_365, %dma_start3A_370] : memref<160512x128xf32, #tpu.memory_space<hbm>> -> memref<48x128xf32, #tpu.memory_space<hbm>>
      %dma_start3A_372 = tpu.memref_slice %arg13[%rem3A_121] : memref<3x!tpu.dma_semaphore, #tpu.memory_space<semaphore_mem>> -> memref<1x!tpu.dma_semaphore, #tpu.memory_space<semaphore_mem>>
      %dma_start3A_373 = tpu.memref_squeeze %dma_start3A_372 : memref<1x!tpu.dma_semaphore, #tpu.memory_space<semaphore_mem>> -> memref<!tpu.dma_semaphore, #tpu.memory_space<semaphore_mem>>
      %dma_start3A_374 = arith.constant 0 : i32
      %dma_start3A_375 = arith.constant 0 : i32
      %dma_start3A_376 = tpu.memref_slice %arg10[%rem3A_121, %dma_start3A_374, %dma_start3A_375] : memref<3x48x128xf32, #tpu.memory_space<vmem>> -> memref<1x48x128xf32, #tpu.memory_space<vmem>>
      %dma_start3A_377 = tpu.memref_squeeze %dma_start3A_376 : memref<1x48x128xf32, #tpu.memory_space<vmem>> -> memref<48x128xf32, #tpu.memory_space<vmem>>
      %dma_start3A_378 = arith.constant 0 : i32
      %dma_start3A_379 = tpu.memref_slice %arg3[%mul3A_365, %dma_start3A_378] : memref<160512x128xf32, #tpu.memory_space<hbm>> -> memref<48x128xf32, #tpu.memory_space<hbm>>
      tpu.enqueue_dma source(%dma_start3A_379 : memref<48x128xf32, #tpu.memory_space<hbm>>) target(%dma_start3A_377 : memref<48x128xf32, #tpu.memory_space<vmem>>) target_semaphore(%dma_start3A_373 : memref<!tpu.dma_semaphore, #tpu.memory_space<semaphore_mem>>)
    } else {
    }
    %eq3A_143 = arith.constant 1 : i32
    %eq3A_144 = arith.cmpi eq, %arg0, %eq3A_143 : i32
    %convert_element_type3A_145 = arith.extui %eq3A_144 : i1 to i32
    %cond3A_146 = arith.constant 0 : i32
    %cond3A_147 = arith.cmpi ne, %convert_element_type3A_145, %cond3A_146 : i32
    scf.if %cond3A_147 {
      %mul3A_364 = arith.constant 48 : i32
      %mul3A_365 = arith.muli %add3A_116, %mul3A_364 : i32
      %dma_start3A_366 = arith.constant 0 : i32
      %dma_start3A_367 = arith.constant 0 : i32
      %dma_start3A_368 = tpu.memref_slice %arg10[%rem3A_121, %dma_start3A_366, %dma_start3A_367] : memref<3x48x128xf32, #tpu.memory_space<vmem>> -> memref<1x48x128xf32, #tpu.memory_space<vmem>>
      %dma_start3A_369 = tpu.memref_squeeze %dma_start3A_368 : memref<1x48x128xf32, #tpu.memory_space<vmem>> -> memref<48x128xf32, #tpu.memory_space<vmem>>
      %dma_start3A_370 = arith.constant 0 : i32
      %dma_start3A_371 = tpu.memref_slice %arg4[%mul3A_365, %dma_start3A_370] : memref<160512x128xf32, #tpu.memory_space<hbm>> -> memref<48x128xf32, #tpu.memory_space<hbm>>
      %dma_start3A_372 = tpu.memref_slice %arg13[%rem3A_121] : memref<3x!tpu.dma_semaphore, #tpu.memory_space<semaphore_mem>> -> memref<1x!tpu.dma_semaphore, #tpu.memory_space<semaphore_mem>>
      %dma_start3A_373 = tpu.memref_squeeze %dma_start3A_372 : memref<1x!tpu.dma_semaphore, #tpu.memory_space<semaphore_mem>> -> memref<!tpu.dma_semaphore, #tpu.memory_space<semaphore_mem>>
      %dma_start3A_374 = arith.constant 0 : i32
      %dma_start3A_375 = arith.constant 0 : i32
      %dma_start3A_376 = tpu.memref_slice %arg10[%rem3A_121, %dma_start3A_374, %dma_start3A_375] : memref<3x48x128xf32, #tpu.memory_space<vmem>> -> memref<1x48x128xf32, #tpu.memory_space<vmem>>
      %dma_start3A_377 = tpu.memref_squeeze %dma_start3A_376 : memref<1x48x128xf32, #tpu.memory_space<vmem>> -> memref<48x128xf32, #tpu.memory_space<vmem>>
      %dma_start3A_378 = arith.constant 0 : i32
      %dma_start3A_379 = tpu.memref_slice %arg4[%mul3A_365, %dma_start3A_378] : memref<160512x128xf32, #tpu.memory_space<hbm>> -> memref<48x128xf32, #tpu.memory_space<hbm>>
      tpu.enqueue_dma source(%dma_start3A_379 : memref<48x128xf32, #tpu.memory_space<hbm>>) target(%dma_start3A_377 : memref<48x128xf32, #tpu.memory_space<vmem>>) target_semaphore(%dma_start3A_373 : memref<!tpu.dma_semaphore, #tpu.memory_space<semaphore_mem>>)
    } else {
    }
    %add3A_148 = arith.constant 1 : i32
    %add3A_149 = arith.addi %mul3A_114, %add3A_148 : i32
    %rem3A_150 = arith.constant 1 : i32
    %rem3A_151 = arith.constant 5 : i32
    %rem3A_152 = arith.remsi %rem3A_150, %rem3A_151 : i32
    %rem3A_153 = arith.constant 1 : i32
    %rem3A_154 = arith.constant 3 : i32
    %rem3A_155 = arith.remsi %rem3A_153, %rem3A_154 : i32
    %dma_start3A_156 = arith.constant 0 : i32
    %dma_start3A_157 = arith.constant 0 : i32
    %dma_start3A_158 = tpu.memref_slice %arg9[%rem3A_152, %dma_start3A_156, %dma_start3A_157] : memref<5x2x48xi32, #tpu.memory_space<vmem>> -> memref<1x2x48xi32, #tpu.memory_space<vmem>>
    %dma_start3A_159 = tpu.memref_squeeze %dma_start3A_158 : memref<1x2x48xi32, #tpu.memory_space<vmem>> -> memref<2x48xi32, #tpu.memory_space<vmem>>
    %dma_start3A_160 = arith.constant 0 : i32
    %dma_start3A_161 = arith.constant 0 : i32
    %dma_start3A_162 = tpu.memref_slice %arg5[%add3A_149, %dma_start3A_160, %dma_start3A_161] : memref<3344x2x48xi32, #tpu.memory_space<hbm>> -> memref<1x2x48xi32, #tpu.memory_space<hbm>>
    %dma_start3A_163 = tpu.memref_squeeze %dma_start3A_162 : memref<1x2x48xi32, #tpu.memory_space<hbm>> -> memref<2x48xi32, #tpu.memory_space<hbm>>
    %dma_start3A_164 = tpu.memref_slice %arg13[%rem3A_155] : memref<3x!tpu.dma_semaphore, #tpu.memory_space<semaphore_mem>> -> memref<1x!tpu.dma_semaphore, #tpu.memory_space<semaphore_mem>>
    %dma_start3A_165 = tpu.memref_squeeze %dma_start3A_164 : memref<1x!tpu.dma_semaphore, #tpu.memory_space<semaphore_mem>> -> memref<!tpu.dma_semaphore, #tpu.memory_space<semaphore_mem>>
    %dma_start3A_166 = arith.constant 0 : i32
    %dma_start3A_167 = arith.constant 0 : i32
    %dma_start3A_168 = tpu.memref_slice %arg9[%rem3A_152, %dma_start3A_166, %dma_start3A_167] : memref<5x2x48xi32, #tpu.memory_space<vmem>> -> memref<1x2x48xi32, #tpu.memory_space<vmem>>
    %dma_start3A_169 = tpu.memref_squeeze %dma_start3A_168 : memref<1x2x48xi32, #tpu.memory_space<vmem>> -> memref<2x48xi32, #tpu.memory_space<vmem>>
    %dma_start3A_170 = arith.constant 0 : i32
    %dma_start3A_171 = arith.constant 0 : i32
    %dma_start3A_172 = tpu.memref_slice %arg5[%add3A_149, %dma_start3A_170, %dma_start3A_171] : memref<3344x2x48xi32, #tpu.memory_space<hbm>> -> memref<1x2x48xi32, #tpu.memory_space<hbm>>
    %dma_start3A_173 = tpu.memref_squeeze %dma_start3A_172 : memref<1x2x48xi32, #tpu.memory_space<hbm>> -> memref<2x48xi32, #tpu.memory_space<hbm>>
    tpu.enqueue_dma source(%dma_start3A_173 : memref<2x48xi32, #tpu.memory_space<hbm>>) target(%dma_start3A_169 : memref<2x48xi32, #tpu.memory_space<vmem>>) target_semaphore(%dma_start3A_165 : memref<!tpu.dma_semaphore, #tpu.memory_space<semaphore_mem>>)
    %eq3A_174 = arith.constant 0 : i32
    %eq3A_175 = arith.cmpi eq, %arg0, %eq3A_174 : i32
    %convert_element_type3A_176 = arith.extui %eq3A_175 : i1 to i32
    %cond3A_177 = arith.constant 0 : i32
    %cond3A_178 = arith.cmpi ne, %convert_element_type3A_176, %cond3A_177 : i32
    scf.if %cond3A_178 {
      %mul3A_364 = arith.constant 48 : i32
      %mul3A_365 = arith.muli %add3A_149, %mul3A_364 : i32
      %dma_start3A_366 = arith.constant 0 : i32
      %dma_start3A_367 = arith.constant 0 : i32
      %dma_start3A_368 = tpu.memref_slice %arg10[%rem3A_155, %dma_start3A_366, %dma_start3A_367] : memref<3x48x128xf32, #tpu.memory_space<vmem>> -> memref<1x48x128xf32, #tpu.memory_space<vmem>>
      %dma_start3A_369 = tpu.memref_squeeze %dma_start3A_368 : memref<1x48x128xf32, #tpu.memory_space<vmem>> -> memref<48x128xf32, #tpu.memory_space<vmem>>
      %dma_start3A_370 = arith.constant 0 : i32
      %dma_start3A_371 = tpu.memref_slice %arg3[%mul3A_365, %dma_start3A_370] : memref<160512x128xf32, #tpu.memory_space<hbm>> -> memref<48x128xf32, #tpu.memory_space<hbm>>
      %dma_start3A_372 = tpu.memref_slice %arg13[%rem3A_155] : memref<3x!tpu.dma_semaphore, #tpu.memory_space<semaphore_mem>> -> memref<1x!tpu.dma_semaphore, #tpu.memory_space<semaphore_mem>>
      %dma_start3A_373 = tpu.memref_squeeze %dma_start3A_372 : memref<1x!tpu.dma_semaphore, #tpu.memory_space<semaphore_mem>> -> memref<!tpu.dma_semaphore, #tpu.memory_space<semaphore_mem>>
      %dma_start3A_374 = arith.constant 0 : i32
      %dma_start3A_375 = arith.constant 0 : i32
      %dma_start3A_376 = tpu.memref_slice %arg10[%rem3A_155, %dma_start3A_374, %dma_start3A_375] : memref<3x48x128xf32, #tpu.memory_space<vmem>> -> memref<1x48x128xf32, #tpu.memory_space<vmem>>
      %dma_start3A_377 = tpu.memref_squeeze %dma_start3A_376 : memref<1x48x128xf32, #tpu.memory_space<vmem>> -> memref<48x128xf32, #tpu.memory_space<vmem>>
      %dma_start3A_378 = arith.constant 0 : i32
      %dma_start3A_379 = tpu.memref_slice %arg3[%mul3A_365, %dma_start3A_378] : memref<160512x128xf32, #tpu.memory_space<hbm>> -> memref<48x128xf32, #tpu.memory_space<hbm>>
      tpu.enqueue_dma source(%dma_start3A_379 : memref<48x128xf32, #tpu.memory_space<hbm>>) target(%dma_start3A_377 : memref<48x128xf32, #tpu.memory_space<vmem>>) target_semaphore(%dma_start3A_373 : memref<!tpu.dma_semaphore, #tpu.memory_space<semaphore_mem>>)
    } else {
    }
    %eq3A_179 = arith.constant 1 : i32
    %eq3A_180 = arith.cmpi eq, %arg0, %eq3A_179 : i32
    %convert_element_type3A_181 = arith.extui %eq3A_180 : i1 to i32
    %cond3A_182 = arith.constant 0 : i32
    %cond3A_183 = arith.cmpi ne, %convert_element_type3A_181, %cond3A_182 : i32
    scf.if %cond3A_183 {
      %mul3A_364 = arith.constant 48 : i32
      %mul3A_365 = arith.muli %add3A_149, %mul3A_364 : i32
      %dma_start3A_366 = arith.constant 0 : i32
      %dma_start3A_367 = arith.constant 0 : i32
      %dma_start3A_368 = tpu.memref_slice %arg10[%rem3A_155, %dma_start3A_366, %dma_start3A_367] : memref<3x48x128xf32, #tpu.memory_space<vmem>> -> memref<1x48x128xf32, #tpu.memory_space<vmem>>
      %dma_start3A_369 = tpu.memref_squeeze %dma_start3A_368 : memref<1x48x128xf32, #tpu.memory_space<vmem>> -> memref<48x128xf32, #tpu.memory_space<vmem>>
      %dma_start3A_370 = arith.constant 0 : i32
      %dma_start3A_371 = tpu.memref_slice %arg4[%mul3A_365, %dma_start3A_370] : memref<160512x128xf32, #tpu.memory_space<hbm>> -> memref<48x128xf32, #tpu.memory_space<hbm>>
      %dma_start3A_372 = tpu.memref_slice %arg13[%rem3A_155] : memref<3x!tpu.dma_semaphore, #tpu.memory_space<semaphore_mem>> -> memref<1x!tpu.dma_semaphore, #tpu.memory_space<semaphore_mem>>
      %dma_start3A_373 = tpu.memref_squeeze %dma_start3A_372 : memref<1x!tpu.dma_semaphore, #tpu.memory_space<semaphore_mem>> -> memref<!tpu.dma_semaphore, #tpu.memory_space<semaphore_mem>>
      %dma_start3A_374 = arith.constant 0 : i32
      %dma_start3A_375 = arith.constant 0 : i32
      %dma_start3A_376 = tpu.memref_slice %arg10[%rem3A_155, %dma_start3A_374, %dma_start3A_375] : memref<3x48x128xf32, #tpu.memory_space<vmem>> -> memref<1x48x128xf32, #tpu.memory_space<vmem>>
      %dma_start3A_377 = tpu.memref_squeeze %dma_start3A_376 : memref<1x48x128xf32, #tpu.memory_space<vmem>> -> memref<48x128xf32, #tpu.memory_space<vmem>>
      %dma_start3A_378 = arith.constant 0 : i32
      %dma_start3A_379 = tpu.memref_slice %arg4[%mul3A_365, %dma_start3A_378] : memref<160512x128xf32, #tpu.memory_space<hbm>> -> memref<48x128xf32, #tpu.memory_space<hbm>>
      tpu.enqueue_dma source(%dma_start3A_379 : memref<48x128xf32, #tpu.memory_space<hbm>>) target(%dma_start3A_377 : memref<48x128xf32, #tpu.memory_space<vmem>>) target_semaphore(%dma_start3A_373 : memref<!tpu.dma_semaphore, #tpu.memory_space<semaphore_mem>>)
    } else {
    }
    %add3A_184 = arith.constant 0 : i32
    %add3A_185 = arith.addi %mul3A_114, %add3A_184 : i32
    %rem3A_186 = arith.constant 0 : i32
    %rem3A_187 = arith.constant 5 : i32
    %rem3A_188 = arith.remsi %rem3A_186, %rem3A_187 : i32
    %rem3A_189 = arith.constant 0 : i32
    %rem3A_190 = arith.constant 3 : i32
    %rem3A_191 = arith.remsi %rem3A_189, %rem3A_190 : i32
    %dma_wait3A = arith.constant 0 : i32
    %dma_wait3A_192 = arith.constant 0 : i32
    %dma_wait3A_193 = tpu.memref_slice %arg9[%rem3A_188, %dma_wait3A, %dma_wait3A_192] : memref<5x2x48xi32, #tpu.memory_space<vmem>> -> memref<1x2x48xi32, #tpu.memory_space<vmem>>
    %dma_wait3A_194 = tpu.memref_squeeze %dma_wait3A_193 : memref<1x2x48xi32, #tpu.memory_space<vmem>> -> memref<2x48xi32, #tpu.memory_space<vmem>>
    %dma_wait3A_195 = arith.constant 0 : i32
    %dma_wait3A_196 = arith.constant 0 : i32
    %dma_wait3A_197 = tpu.memref_slice %arg5[%add3A_185, %dma_wait3A_195, %dma_wait3A_196] : memref<3344x2x48xi32, #tpu.memory_space<hbm>> -> memref<1x2x48xi32, #tpu.memory_space<hbm>>
    %dma_wait3A_198 = tpu.memref_squeeze %dma_wait3A_197 : memref<1x2x48xi32, #tpu.memory_space<hbm>> -> memref<2x48xi32, #tpu.memory_space<hbm>>
    %dma_wait3A_199 = tpu.memref_slice %arg13[%rem3A_191] : memref<3x!tpu.dma_semaphore, #tpu.memory_space<semaphore_mem>> -> memref<1x!tpu.dma_semaphore, #tpu.memory_space<semaphore_mem>>
    %dma_wait3A_200 = tpu.memref_squeeze %dma_wait3A_199 : memref<1x!tpu.dma_semaphore, #tpu.memory_space<semaphore_mem>> -> memref<!tpu.dma_semaphore, #tpu.memory_space<semaphore_mem>>
    %dma_wait3A_201 = arith.constant 0 : i32
    %dma_wait3A_202 = arith.constant 0 : i32
    %dma_wait3A_203 = tpu.memref_slice %arg9[%rem3A_188, %dma_wait3A_201, %dma_wait3A_202] : memref<5x2x48xi32, #tpu.memory_space<vmem>> -> memref<1x2x48xi32, #tpu.memory_space<vmem>>
    %dma_wait3A_204 = tpu.memref_squeeze %dma_wait3A_203 : memref<1x2x48xi32, #tpu.memory_space<vmem>> -> memref<2x48xi32, #tpu.memory_space<vmem>>
    %dma_wait3A_205 = arith.constant 0 : i32
    %dma_wait3A_206 = arith.constant 0 : i32
    %dma_wait3A_207 = tpu.memref_slice %arg5[%add3A_185, %dma_wait3A_205, %dma_wait3A_206] : memref<3344x2x48xi32, #tpu.memory_space<hbm>> -> memref<1x2x48xi32, #tpu.memory_space<hbm>>
    %dma_wait3A_208 = tpu.memref_squeeze %dma_wait3A_207 : memref<1x2x48xi32, #tpu.memory_space<hbm>> -> memref<2x48xi32, #tpu.memory_space<hbm>>
    tpu.wait_dma2 semaphore(%dma_wait3A_200 : memref<!tpu.dma_semaphore, #tpu.memory_space<semaphore_mem>>) src(%dma_wait3A_208 : memref<2x48xi32, #tpu.memory_space<hbm>>) dst(%dma_wait3A_204 : memref<2x48xi32, #tpu.memory_space<vmem>>)
    %mul3A_209 = arith.constant 48 : i32
    %mul3A_210 = arith.muli %add3A_185, %mul3A_209 : i32
    %dma_wait3A_211 = arith.constant 0 : i32
    %dma_wait3A_212 = arith.constant 0 : i32
    %dma_wait3A_213 = tpu.memref_slice %arg10[%rem3A_191, %dma_wait3A_211, %dma_wait3A_212] : memref<3x48x128xf32, #tpu.memory_space<vmem>> -> memref<1x48x128xf32, #tpu.memory_space<vmem>>
    %dma_wait3A_214 = tpu.memref_squeeze %dma_wait3A_213 : memref<1x48x128xf32, #tpu.memory_space<vmem>> -> memref<48x128xf32, #tpu.memory_space<vmem>>
    %dma_wait3A_215 = arith.constant 0 : i32
    %dma_wait3A_216 = tpu.memref_slice %arg3[%mul3A_210, %dma_wait3A_215] : memref<160512x128xf32, #tpu.memory_space<hbm>> -> memref<48x128xf32, #tpu.memory_space<hbm>>
    %dma_wait3A_217 = tpu.memref_slice %arg13[%rem3A_191] : memref<3x!tpu.dma_semaphore, #tpu.memory_space<semaphore_mem>> -> memref<1x!tpu.dma_semaphore, #tpu.memory_space<semaphore_mem>>
    %dma_wait3A_218 = tpu.memref_squeeze %dma_wait3A_217 : memref<1x!tpu.dma_semaphore, #tpu.memory_space<semaphore_mem>> -> memref<!tpu.dma_semaphore, #tpu.memory_space<semaphore_mem>>
    %dma_wait3A_219 = arith.constant 0 : i32
    %dma_wait3A_220 = arith.constant 0 : i32
    %dma_wait3A_221 = tpu.memref_slice %arg10[%rem3A_191, %dma_wait3A_219, %dma_wait3A_220] : memref<3x48x128xf32, #tpu.memory_space<vmem>> -> memref<1x48x128xf32, #tpu.memory_space<vmem>>
    %dma_wait3A_222 = tpu.memref_squeeze %dma_wait3A_221 : memref<1x48x128xf32, #tpu.memory_space<vmem>> -> memref<48x128xf32, #tpu.memory_space<vmem>>
    %dma_wait3A_223 = arith.constant 0 : i32
    %dma_wait3A_224 = tpu.memref_slice %arg3[%mul3A_210, %dma_wait3A_223] : memref<160512x128xf32, #tpu.memory_space<hbm>> -> memref<48x128xf32, #tpu.memory_space<hbm>>
    tpu.wait_dma2 semaphore(%dma_wait3A_218 : memref<!tpu.dma_semaphore, #tpu.memory_space<semaphore_mem>>) src(%dma_wait3A_224 : memref<48x128xf32, #tpu.memory_space<hbm>>) dst(%dma_wait3A_222 : memref<48x128xf32, #tpu.memory_space<vmem>>)
    %rem3A_225 = arith.constant 0 : i32
    %rem3A_226 = arith.constant 5 : i32
    %rem3A_227 = arith.remsi %rem3A_225, %rem3A_226 : i32
    %rem3A_228 = arith.constant 0 : i32
    %rem3A_229 = arith.constant 2 : i32
    %rem3A_230 = arith.remsi %rem3A_228, %rem3A_229 : i32
    %dma_start3A_231 = arith.constant 0 : i32
    %dma_start3A_232 = arith.constant 0 : i32
    %dma_start3A_233 = arith.constant 0 : i32
    %dma_start3A_234 = tpu.memref_slice %arg11[%rem3A_230, %dma_start3A_232, %dma_start3A_233] : memref<2x48x64xf32, #tpu.memory_space<vmem>> -> memref<1x48x64xf32, #tpu.memory_space<vmem>>
    %dma_start3A_235 = tpu.memref_squeeze %dma_start3A_234 : memref<1x48x64xf32, #tpu.memory_space<vmem>> -> memref<48x64xf32, #tpu.memory_space<vmem>>
    %dma_start3A_236 = arith.constant 0 : i32
    %dma_start3A_237 = tpu.memref_slice %arg9[%rem3A_227, %dma_start3A_231, %dma_start3A_236] : memref<5x2x48xi32, #tpu.memory_space<vmem>> -> memref<1x1x48xi32, #tpu.memory_space<vmem>>
    %dma_start3A_238 = tpu.memref_squeeze %dma_start3A_237 : memref<1x1x48xi32, #tpu.memory_space<vmem>> -> memref<48xi32, #tpu.memory_space<vmem>>
    %dma_start3A_239 = arith.constant 0 : i32
    %dma_start3A_240 = arith.constant 0 : i32
    %dma_start3A_241 = tpu.memref_slice %arg2[%dma_start3A_239, %dma_start3A_240] : memref<10000x64xf32, #tpu.memory_space<hbm>> -> memref<10000x64xf32, #tpu.memory_space<hbm>>
    %dma_start3A_242 = tpu.memref_slice %arg14[%rem3A_230] : memref<2x!tpu.dma_semaphore, #tpu.memory_space<semaphore_mem>> -> memref<1x!tpu.dma_semaphore, #tpu.memory_space<semaphore_mem>>
    %dma_start3A_243 = tpu.memref_squeeze %dma_start3A_242 : memref<1x!tpu.dma_semaphore, #tpu.memory_space<semaphore_mem>> -> memref<!tpu.dma_semaphore, #tpu.memory_space<semaphore_mem>>
    tpu.enqueue_indirect_dma source(%dma_start3A_241 : memref<10000x64xf32, #tpu.memory_space<hbm>>) target(%dma_start3A_235 : memref<48x64xf32, #tpu.memory_space<vmem>>) offsets(%dma_start3A_238 : memref<48xi32, #tpu.memory_space<vmem>>) semaphore(%dma_start3A_243 : memref<!tpu.dma_semaphore, #tpu.memory_space<semaphore_mem>>)
    %scan3A_244 = arith.constant 0 : i32
    %scan3A_245 = arith.constant 0 : i32
    %scan3A_246 = arith.constant 209 : i32
    %scan3A_247 = arith.addi %scan3A_245, %scan3A_246 : i32
    %scan3A_248 = arith.constant 1 : i32
    %scan3A_249 = scf.for %scan3A_364 = %scan3A_245 to %scan3A_247 step %scan3A_248 iter_args(%scan3A_365 = %scan3A_244) -> (i32)  : i32 {
      %rem3A_366 = arith.constant 3 : i32
      %rem3A_367 = arith.remsi %scan3A_364, %rem3A_366 : i32
      %rem3A_368 = arith.constant 2 : i32
      %rem3A_369 = arith.remsi %scan3A_364, %rem3A_368 : i32
      %rem3A_370 = arith.constant 2 : i32
      %rem3A_371 = arith.remsi %scan3A_364, %rem3A_370 : i32
      %lt3A_372 = arith.constant 207 : i32
      %lt3A_373 = arith.cmpi slt, %scan3A_364, %lt3A_372 : i32
      %convert_element_type3A_374 = arith.extui %lt3A_373 : i1 to i32
      %cond3A_375 = arith.constant 0 : i32
      %cond3A_376 = arith.cmpi ne, %convert_element_type3A_374, %cond3A_375 : i32
      scf.if %cond3A_376 {
        %add3A_409 = arith.constant 2 : i32
        %add3A_410 = arith.addi %scan3A_364, %add3A_409 : i32
        %add3A_411 = arith.addi %mul3A_114, %add3A_410 : i32
        %rem3A_412 = arith.constant 5 : i32
        %rem3A_413 = arith.remsi %add3A_410, %rem3A_412 : i32
        %rem3A_414 = arith.constant 3 : i32
        %rem3A_415 = arith.remsi %add3A_410, %rem3A_414 : i32
        %dma_start3A_416 = arith.constant 0 : i32
        %dma_start3A_417 = arith.constant 0 : i32
        %dma_start3A_418 = tpu.memref_slice %arg9[%rem3A_413, %dma_start3A_416, %dma_start3A_417] : memref<5x2x48xi32, #tpu.memory_space<vmem>> -> memref<1x2x48xi32, #tpu.memory_space<vmem>>
        %dma_start3A_419 = tpu.memref_squeeze %dma_start3A_418 : memref<1x2x48xi32, #tpu.memory_space<vmem>> -> memref<2x48xi32, #tpu.memory_space<vmem>>
        %dma_start3A_420 = arith.constant 0 : i32
        %dma_start3A_421 = arith.constant 0 : i32
        %dma_start3A_422 = tpu.memref_slice %arg5[%add3A_411, %dma_start3A_420, %dma_start3A_421] : memref<3344x2x48xi32, #tpu.memory_space<hbm>> -> memref<1x2x48xi32, #tpu.memory_space<hbm>>
        %dma_start3A_423 = tpu.memref_squeeze %dma_start3A_422 : memref<1x2x48xi32, #tpu.memory_space<hbm>> -> memref<2x48xi32, #tpu.memory_space<hbm>>
        %dma_start3A_424 = tpu.memref_slice %arg13[%rem3A_415] : memref<3x!tpu.dma_semaphore, #tpu.memory_space<semaphore_mem>> -> memref<1x!tpu.dma_semaphore, #tpu.memory_space<semaphore_mem>>
        %dma_start3A_425 = tpu.memref_squeeze %dma_start3A_424 : memref<1x!tpu.dma_semaphore, #tpu.memory_space<semaphore_mem>> -> memref<!tpu.dma_semaphore, #tpu.memory_space<semaphore_mem>>
        %dma_start3A_426 = arith.constant 0 : i32
        %dma_start3A_427 = arith.constant 0 : i32
        %dma_start3A_428 = tpu.memref_slice %arg9[%rem3A_413, %dma_start3A_426, %dma_start3A_427] : memref<5x2x48xi32, #tpu.memory_space<vmem>> -> memref<1x2x48xi32, #tpu.memory_space<vmem>>
        %dma_start3A_429 = tpu.memref_squeeze %dma_start3A_428 : memref<1x2x48xi32, #tpu.memory_space<vmem>> -> memref<2x48xi32, #tpu.memory_space<vmem>>
        %dma_start3A_430 = arith.constant 0 : i32
        %dma_start3A_431 = arith.constant 0 : i32
        %dma_start3A_432 = tpu.memref_slice %arg5[%add3A_411, %dma_start3A_430, %dma_start3A_431] : memref<3344x2x48xi32, #tpu.memory_space<hbm>> -> memref<1x2x48xi32, #tpu.memory_space<hbm>>
        %dma_start3A_433 = tpu.memref_squeeze %dma_start3A_432 : memref<1x2x48xi32, #tpu.memory_space<hbm>> -> memref<2x48xi32, #tpu.memory_space<hbm>>
        tpu.enqueue_dma source(%dma_start3A_433 : memref<2x48xi32, #tpu.memory_space<hbm>>) target(%dma_start3A_429 : memref<2x48xi32, #tpu.memory_space<vmem>>) target_semaphore(%dma_start3A_425 : memref<!tpu.dma_semaphore, #tpu.memory_space<semaphore_mem>>)
        %eq3A_434 = arith.constant 0 : i32
        %eq3A_435 = arith.cmpi eq, %arg0, %eq3A_434 : i32
        %convert_element_type3A_436 = arith.extui %eq3A_435 : i1 to i32
        %cond3A_437 = arith.constant 0 : i32
        %cond3A_438 = arith.cmpi ne, %convert_element_type3A_436, %cond3A_437 : i32
        scf.if %cond3A_438 {
          %mul3A_444 = arith.constant 48 : i32
          %mul3A_445 = arith.muli %add3A_411, %mul3A_444 : i32
          %dma_start3A_446 = arith.constant 0 : i32
          %dma_start3A_447 = arith.constant 0 : i32
          %dma_start3A_448 = tpu.memref_slice %arg10[%rem3A_415, %dma_start3A_446, %dma_start3A_447] : memref<3x48x128xf32, #tpu.memory_space<vmem>> -> memref<1x48x128xf32, #tpu.memory_space<vmem>>
          %dma_start3A_449 = tpu.memref_squeeze %dma_start3A_448 : memref<1x48x128xf32, #tpu.memory_space<vmem>> -> memref<48x128xf32, #tpu.memory_space<vmem>>
          %dma_start3A_450 = arith.constant 0 : i32
          %dma_start3A_451 = tpu.memref_slice %arg3[%mul3A_445, %dma_start3A_450] : memref<160512x128xf32, #tpu.memory_space<hbm>> -> memref<48x128xf32, #tpu.memory_space<hbm>>
          %dma_start3A_452 = tpu.memref_slice %arg13[%rem3A_415] : memref<3x!tpu.dma_semaphore, #tpu.memory_space<semaphore_mem>> -> memref<1x!tpu.dma_semaphore, #tpu.memory_space<semaphore_mem>>
          %dma_start3A_453 = tpu.memref_squeeze %dma_start3A_452 : memref<1x!tpu.dma_semaphore, #tpu.memory_space<semaphore_mem>> -> memref<!tpu.dma_semaphore, #tpu.memory_space<semaphore_mem>>
          %dma_start3A_454 = arith.constant 0 : i32
          %dma_start3A_455 = arith.constant 0 : i32
          %dma_start3A_456 = tpu.memref_slice %arg10[%rem3A_415, %dma_start3A_454, %dma_start3A_455] : memref<3x48x128xf32, #tpu.memory_space<vmem>> -> memref<1x48x128xf32, #tpu.memory_space<vmem>>
          %dma_start3A_457 = tpu.memref_squeeze %dma_start3A_456 : memref<1x48x128xf32, #tpu.memory_space<vmem>> -> memref<48x128xf32, #tpu.memory_space<vmem>>
          %dma_start3A_458 = arith.constant 0 : i32
          %dma_start3A_459 = tpu.memref_slice %arg3[%mul3A_445, %dma_start3A_458] : memref<160512x128xf32, #tpu.memory_space<hbm>> -> memref<48x128xf32, #tpu.memory_space<hbm>>
          tpu.enqueue_dma source(%dma_start3A_459 : memref<48x128xf32, #tpu.memory_space<hbm>>) target(%dma_start3A_457 : memref<48x128xf32, #tpu.memory_space<vmem>>) target_semaphore(%dma_start3A_453 : memref<!tpu.dma_semaphore, #tpu.memory_space<semaphore_mem>>)
        } else {
        }
        %eq3A_439 = arith.constant 1 : i32
        %eq3A_440 = arith.cmpi eq, %arg0, %eq3A_439 : i32
        %convert_element_type3A_441 = arith.extui %eq3A_440 : i1 to i32
        %cond3A_442 = arith.constant 0 : i32
        %cond3A_443 = arith.cmpi ne, %convert_element_type3A_441, %cond3A_442 : i32
        scf.if %cond3A_443 {
          %mul3A_444 = arith.constant 48 : i32
          %mul3A_445 = arith.muli %add3A_411, %mul3A_444 : i32
          %dma_start3A_446 = arith.constant 0 : i32
          %dma_start3A_447 = arith.constant 0 : i32
          %dma_start3A_448 = tpu.memref_slice %arg10[%rem3A_415, %dma_start3A_446, %dma_start3A_447] : memref<3x48x128xf32, #tpu.memory_space<vmem>> -> memref<1x48x128xf32, #tpu.memory_space<vmem>>
          %dma_start3A_449 = tpu.memref_squeeze %dma_start3A_448 : memref<1x48x128xf32, #tpu.memory_space<vmem>> -> memref<48x128xf32, #tpu.memory_space<vmem>>
          %dma_start3A_450 = arith.constant 0 : i32
          %dma_start3A_451 = tpu.memref_slice %arg4[%mul3A_445, %dma_start3A_450] : memref<160512x128xf32, #tpu.memory_space<hbm>> -> memref<48x128xf32, #tpu.memory_space<hbm>>
          %dma_start3A_452 = tpu.memref_slice %arg13[%rem3A_415] : memref<3x!tpu.dma_semaphore, #tpu.memory_space<semaphore_mem>> -> memref<1x!tpu.dma_semaphore, #tpu.memory_space<semaphore_mem>>
          %dma_start3A_453 = tpu.memref_squeeze %dma_start3A_452 : memref<1x!tpu.dma_semaphore, #tpu.memory_space<semaphore_mem>> -> memref<!tpu.dma_semaphore, #tpu.memory_space<semaphore_mem>>
          %dma_start3A_454 = arith.constant 0 : i32
          %dma_start3A_455 = arith.constant 0 : i32
          %dma_start3A_456 = tpu.memref_slice %arg10[%rem3A_415, %dma_start3A_454, %dma_start3A_455] : memref<3x48x128xf32, #tpu.memory_space<vmem>> -> memref<1x48x128xf32, #tpu.memory_space<vmem>>
          %dma_start3A_457 = tpu.memref_squeeze %dma_start3A_456 : memref<1x48x128xf32, #tpu.memory_space<vmem>> -> memref<48x128xf32, #tpu.memory_space<vmem>>
          %dma_start3A_458 = arith.constant 0 : i32
          %dma_start3A_459 = tpu.memref_slice %arg4[%mul3A_445, %dma_start3A_458] : memref<160512x128xf32, #tpu.memory_space<hbm>> -> memref<48x128xf32, #tpu.memory_space<hbm>>
          tpu.enqueue_dma source(%dma_start3A_459 : memref<48x128xf32, #tpu.memory_space<hbm>>) target(%dma_start3A_457 : memref<48x128xf32, #tpu.memory_space<vmem>>) target_semaphore(%dma_start3A_453 : memref<!tpu.dma_semaphore, #tpu.memory_space<semaphore_mem>>)
        } else {
        }
      } else {
      }
      %lt3A_377 = arith.constant 208 : i32
      %lt3A_378 = arith.cmpi slt, %scan3A_364, %lt3A_377 : i32
      %convert_element_type3A_379 = arith.extui %lt3A_378 : i1 to i32
      %cond3A_380 = arith.constant 0 : i32
      %cond3A_381 = arith.cmpi ne, %convert_element_type3A_379, %cond3A_380 : i32
      scf.if %cond3A_381 {
        %add3A_409 = arith.constant 1 : i32
        %add3A_410 = arith.addi %scan3A_364, %add3A_409 : i32
        %add3A_411 = arith.addi %mul3A_114, %add3A_410 : i32
        %rem3A_412 = arith.constant 5 : i32
        %rem3A_413 = arith.remsi %add3A_410, %rem3A_412 : i32
        %rem3A_414 = arith.constant 3 : i32
        %rem3A_415 = arith.remsi %add3A_410, %rem3A_414 : i32
        %dma_wait3A_416 = arith.constant 0 : i32
        %dma_wait3A_417 = arith.constant 0 : i32
        %dma_wait3A_418 = tpu.memref_slice %arg9[%rem3A_413, %dma_wait3A_416, %dma_wait3A_417] : memref<5x2x48xi32, #tpu.memory_space<vmem>> -> memref<1x2x48xi32, #tpu.memory_space<vmem>>
        %dma_wait3A_419 = tpu.memref_squeeze %dma_wait3A_418 : memref<1x2x48xi32, #tpu.memory_space<vmem>> -> memref<2x48xi32, #tpu.memory_space<vmem>>
        %dma_wait3A_420 = arith.constant 0 : i32
        %dma_wait3A_421 = arith.constant 0 : i32
        %dma_wait3A_422 = tpu.memref_slice %arg5[%add3A_411, %dma_wait3A_420, %dma_wait3A_421] : memref<3344x2x48xi32, #tpu.memory_space<hbm>> -> memref<1x2x48xi32, #tpu.memory_space<hbm>>
        %dma_wait3A_423 = tpu.memref_squeeze %dma_wait3A_422 : memref<1x2x48xi32, #tpu.memory_space<hbm>> -> memref<2x48xi32, #tpu.memory_space<hbm>>
        %dma_wait3A_424 = tpu.memref_slice %arg13[%rem3A_415] : memref<3x!tpu.dma_semaphore, #tpu.memory_space<semaphore_mem>> -> memref<1x!tpu.dma_semaphore, #tpu.memory_space<semaphore_mem>>
        %dma_wait3A_425 = tpu.memref_squeeze %dma_wait3A_424 : memref<1x!tpu.dma_semaphore, #tpu.memory_space<semaphore_mem>> -> memref<!tpu.dma_semaphore, #tpu.memory_space<semaphore_mem>>
        %dma_wait3A_426 = arith.constant 0 : i32
        %dma_wait3A_427 = arith.constant 0 : i32
        %dma_wait3A_428 = tpu.memref_slice %arg9[%rem3A_413, %dma_wait3A_426, %dma_wait3A_427] : memref<5x2x48xi32, #tpu.memory_space<vmem>> -> memref<1x2x48xi32, #tpu.memory_space<vmem>>
        %dma_wait3A_429 = tpu.memref_squeeze %dma_wait3A_428 : memref<1x2x48xi32, #tpu.memory_space<vmem>> -> memref<2x48xi32, #tpu.memory_space<vmem>>
        %dma_wait3A_430 = arith.constant 0 : i32
        %dma_wait3A_431 = arith.constant 0 : i32
        %dma_wait3A_432 = tpu.memref_slice %arg5[%add3A_411, %dma_wait3A_430, %dma_wait3A_431] : memref<3344x2x48xi32, #tpu.memory_space<hbm>> -> memref<1x2x48xi32, #tpu.memory_space<hbm>>
        %dma_wait3A_433 = tpu.memref_squeeze %dma_wait3A_432 : memref<1x2x48xi32, #tpu.memory_space<hbm>> -> memref<2x48xi32, #tpu.memory_space<hbm>>
        tpu.wait_dma2 semaphore(%dma_wait3A_425 : memref<!tpu.dma_semaphore, #tpu.memory_space<semaphore_mem>>) src(%dma_wait3A_433 : memref<2x48xi32, #tpu.memory_space<hbm>>) dst(%dma_wait3A_429 : memref<2x48xi32, #tpu.memory_space<vmem>>)
        %mul3A_434 = arith.constant 48 : i32
        %mul3A_435 = arith.muli %add3A_411, %mul3A_434 : i32
        %dma_wait3A_436 = arith.constant 0 : i32
        %dma_wait3A_437 = arith.constant 0 : i32
        %dma_wait3A_438 = tpu.memref_slice %arg10[%rem3A_415, %dma_wait3A_436, %dma_wait3A_437] : memref<3x48x128xf32, #tpu.memory_space<vmem>> -> memref<1x48x128xf32, #tpu.memory_space<vmem>>
        %dma_wait3A_439 = tpu.memref_squeeze %dma_wait3A_438 : memref<1x48x128xf32, #tpu.memory_space<vmem>> -> memref<48x128xf32, #tpu.memory_space<vmem>>
        %dma_wait3A_440 = arith.constant 0 : i32
        %dma_wait3A_441 = tpu.memref_slice %arg3[%mul3A_435, %dma_wait3A_440] : memref<160512x128xf32, #tpu.memory_space<hbm>> -> memref<48x128xf32, #tpu.memory_space<hbm>>
        %dma_wait3A_442 = tpu.memref_slice %arg13[%rem3A_415] : memref<3x!tpu.dma_semaphore, #tpu.memory_space<semaphore_mem>> -> memref<1x!tpu.dma_semaphore, #tpu.memory_space<semaphore_mem>>
        %dma_wait3A_443 = tpu.memref_squeeze %dma_wait3A_442 : memref<1x!tpu.dma_semaphore, #tpu.memory_space<semaphore_mem>> -> memref<!tpu.dma_semaphore, #tpu.memory_space<semaphore_mem>>
        %dma_wait3A_444 = arith.constant 0 : i32
        %dma_wait3A_445 = arith.constant 0 : i32
        %dma_wait3A_446 = tpu.memref_slice %arg10[%rem3A_415, %dma_wait3A_444, %dma_wait3A_445] : memref<3x48x128xf32, #tpu.memory_space<vmem>> -> memref<1x48x128xf32, #tpu.memory_space<vmem>>
        %dma_wait3A_447 = tpu.memref_squeeze %dma_wait3A_446 : memref<1x48x128xf32, #tpu.memory_space<vmem>> -> memref<48x128xf32, #tpu.memory_space<vmem>>
        %dma_wait3A_448 = arith.constant 0 : i32
        %dma_wait3A_449 = tpu.memref_slice %arg3[%mul3A_435, %dma_wait3A_448] : memref<160512x128xf32, #tpu.memory_space<hbm>> -> memref<48x128xf32, #tpu.memory_space<hbm>>
        tpu.wait_dma2 semaphore(%dma_wait3A_443 : memref<!tpu.dma_semaphore, #tpu.memory_space<semaphore_mem>>) src(%dma_wait3A_449 : memref<48x128xf32, #tpu.memory_space<hbm>>) dst(%dma_wait3A_447 : memref<48x128xf32, #tpu.memory_space<vmem>>)
        %add3A_450 = arith.constant 1 : i32
        %add3A_451 = arith.addi %scan3A_364, %add3A_450 : i32
        %rem3A_452 = arith.constant 5 : i32
        %rem3A_453 = arith.remsi %add3A_451, %rem3A_452 : i32
        %rem3A_454 = arith.constant 2 : i32
        %rem3A_455 = arith.remsi %add3A_451, %rem3A_454 : i32
        %dma_start3A_456 = arith.constant 0 : i32
        %dma_start3A_457 = arith.constant 0 : i32
        %dma_start3A_458 = arith.constant 0 : i32
        %dma_start3A_459 = tpu.memref_slice %arg11[%rem3A_455, %dma_start3A_457, %dma_start3A_458] : memref<2x48x64xf32, #tpu.memory_space<vmem>> -> memref<1x48x64xf32, #tpu.memory_space<vmem>>
        %dma_start3A_460 = tpu.memref_squeeze %dma_start3A_459 : memref<1x48x64xf32, #tpu.memory_space<vmem>> -> memref<48x64xf32, #tpu.memory_space<vmem>>
        %dma_start3A_461 = arith.constant 0 : i32
        %dma_start3A_462 = tpu.memref_slice %arg9[%rem3A_453, %dma_start3A_456, %dma_start3A_461] : memref<5x2x48xi32, #tpu.memory_space<vmem>> -> memref<1x1x48xi32, #tpu.memory_space<vmem>>
        %dma_start3A_463 = tpu.memref_squeeze %dma_start3A_462 : memref<1x1x48xi32, #tpu.memory_space<vmem>> -> memref<48xi32, #tpu.memory_space<vmem>>
        %dma_start3A_464 = arith.constant 0 : i32
        %dma_start3A_465 = arith.constant 0 : i32
        %dma_start3A_466 = tpu.memref_slice %arg2[%dma_start3A_464, %dma_start3A_465] : memref<10000x64xf32, #tpu.memory_space<hbm>> -> memref<10000x64xf32, #tpu.memory_space<hbm>>
        %dma_start3A_467 = tpu.memref_slice %arg14[%rem3A_455] : memref<2x!tpu.dma_semaphore, #tpu.memory_space<semaphore_mem>> -> memref<1x!tpu.dma_semaphore, #tpu.memory_space<semaphore_mem>>
        %dma_start3A_468 = tpu.memref_squeeze %dma_start3A_467 : memref<1x!tpu.dma_semaphore, #tpu.memory_space<semaphore_mem>> -> memref<!tpu.dma_semaphore, #tpu.memory_space<semaphore_mem>>
        tpu.enqueue_indirect_dma source(%dma_start3A_466 : memref<10000x64xf32, #tpu.memory_space<hbm>>) target(%dma_start3A_460 : memref<48x64xf32, #tpu.memory_space<vmem>>) offsets(%dma_start3A_463 : memref<48xi32, #tpu.memory_space<vmem>>) semaphore(%dma_start3A_468 : memref<!tpu.dma_semaphore, #tpu.memory_space<semaphore_mem>>)
      } else {
      }
      %rem3A_382 = arith.constant 5 : i32
      %rem3A_383 = arith.remsi %scan3A_364, %rem3A_382 : i32
      %rem3A_384 = arith.constant 2 : i32
      %rem3A_385 = arith.remsi %scan3A_364, %rem3A_384 : i32
      %dma_wait3A_386 = arith.constant 0 : i32
      %dma_wait3A_387 = arith.constant 0 : i32
      %dma_wait3A_388 = arith.constant 0 : i32
      %dma_wait3A_389 = tpu.memref_slice %arg11[%rem3A_385, %dma_wait3A_387, %dma_wait3A_388] : memref<2x48x64xf32, #tpu.memory_space<vmem>> -> memref<1x48x64xf32, #tpu.memory_space<vmem>>
      %dma_wait3A_390 = tpu.memref_squeeze %dma_wait3A_389 : memref<1x48x64xf32, #tpu.memory_space<vmem>> -> memref<48x64xf32, #tpu.memory_space<vmem>>
      %dma_wait3A_391 = arith.constant 0 : i32
      %dma_wait3A_392 = tpu.memref_slice %arg9[%rem3A_383, %dma_wait3A_386, %dma_wait3A_391] : memref<5x2x48xi32, #tpu.memory_space<vmem>> -> memref<1x1x48xi32, #tpu.memory_space<vmem>>
      %dma_wait3A_393 = tpu.memref_squeeze %dma_wait3A_392 : memref<1x1x48xi32, #tpu.memory_space<vmem>> -> memref<48xi32, #tpu.memory_space<vmem>>
      %dma_wait3A_394 = arith.constant 0 : i32
      %dma_wait3A_395 = arith.constant 0 : i32
      %dma_wait3A_396 = tpu.memref_slice %arg2[%dma_wait3A_394, %dma_wait3A_395] : memref<10000x64xf32, #tpu.memory_space<hbm>> -> memref<10000x64xf32, #tpu.memory_space<hbm>>
      %dma_wait3A_397 = tpu.memref_slice %arg14[%rem3A_385] : memref<2x!tpu.dma_semaphore, #tpu.memory_space<semaphore_mem>> -> memref<1x!tpu.dma_semaphore, #tpu.memory_space<semaphore_mem>>
      %dma_wait3A_398 = tpu.memref_squeeze %dma_wait3A_397 : memref<1x!tpu.dma_semaphore, #tpu.memory_space<semaphore_mem>> -> memref<!tpu.dma_semaphore, #tpu.memory_space<semaphore_mem>>
      tpu.wait_indirect_dma semaphore(%dma_wait3A_398 : memref<!tpu.dma_semaphore, #tpu.memory_space<semaphore_mem>>) src(%dma_wait3A_396 : memref<10000x64xf32, #tpu.memory_space<hbm>>) dst(%dma_wait3A_390 : memref<48x64xf32, #tpu.memory_space<vmem>>)
      %scan3A_399 = arith.constant 0 : i32
      %scan3A_400 = arith.constant 0 : i32
      %scan3A_401 = arith.constant 48 : i32
      %scan3A_402 = arith.addi %scan3A_400, %scan3A_401 : i32
      %scan3A_403 = arith.constant 1 : i32
      %scan3A_404 = scf.for %scan3A_409 = %scan3A_400 to %scan3A_402 step %scan3A_403 iter_args(%scan3A_410 = %scan3A_399) -> (i32)  : i32 {
        %get3A = arith.index_cast %rem3A_369 : i32 to index
        %get3A_411 = arith.index_cast %scan3A_409 : i32 to index
        %get3A_412 = arith.constant 0 : index
        %get3A_413 = tpu.vector_load %arg11[%get3A, %get3A_411, %get3A_412] {strides = array<i32>} : memref<2x48x64xf32, #tpu.memory_space<vmem>>, vector<1x1x16xf32>,
        %get3A_414 = vector.shape_cast %get3A_413 : vector<1x1x16xf32> to vector<16xf32>
        %get3A_415 = arith.index_cast %rem3A_367 : i32 to index
        %get3A_416 = arith.index_cast %scan3A_409 : i32 to index
        %get3A_417 = arith.constant 0 : index
        %get3A_418 = tpu.vector_load %arg10[%get3A_415, %get3A_416, %get3A_417] {strides = array<i32>} : memref<3x48x128xf32, #tpu.memory_space<vmem>>, vector<1x1x16xf32>,
        %get3A_419 = vector.shape_cast %get3A_418 : vector<1x1x16xf32> to vector<16xf32>
        %get3A_420 = arith.index_cast %rem3A_367 : i32 to index
        %get3A_421 = arith.index_cast %scan3A_409 : i32 to index
        %get3A_422 = arith.constant 64 : index
        %get3A_423 = tpu.vector_load %arg10[%get3A_420, %get3A_421, %get3A_422] {strides = array<i32>} : memref<3x48x128xf32, #tpu.memory_space<vmem>>, vector<1x1x16xf32>,
        %get3A_424 = vector.shape_cast %get3A_423 : vector<1x1x16xf32> to vector<16xf32>
        %mul3A_425 = arith.mulf %get3A_414, %get3A_419 : vector<16xf32>
        %swap3A = arith.index_cast %rem3A_371 : i32 to index
        %swap3A_426 = arith.index_cast %scan3A_409 : i32 to index
        %swap3A_427 = arith.constant 0 : index
        %swap3A_428 = tpu.vector_load %arg12[%swap3A, %swap3A_426, %swap3A_427] {strides = array<i32>} : memref<2x48x128xf32, #tpu.memory_space<vmem>>, vector<1x1x16xf32>,
        %swap3A_429 = vector.shape_cast %swap3A_428 : vector<1x1x16xf32> to vector<16xf32>
        %swap3A_430 = vector.shape_cast %mul3A_425 : vector<16xf32> to vector<1x1x16xf32>
        tpu.vector_store %arg12[%swap3A, %swap3A_426, %swap3A_427], %swap3A_430 {strides = array<i32>} : memref<2x48x128xf32, #tpu.memory_space<vmem>>, vector<1x1x16xf32>,
        %mul3A_431 = arith.mulf %get3A_414, %get3A_424 : vector<16xf32>
        %swap3A_432 = arith.index_cast %rem3A_371 : i32 to index
        %swap3A_433 = arith.index_cast %scan3A_409 : i32 to index
        %swap3A_434 = arith.constant 64 : index
        %swap3A_435 = tpu.vector_load %arg12[%swap3A_432, %swap3A_433, %swap3A_434] {strides = array<i32>} : memref<2x48x128xf32, #tpu.memory_space<vmem>>, vector<1x1x16xf32>,
        %swap3A_436 = vector.shape_cast %swap3A_435 : vector<1x1x16xf32> to vector<16xf32>
        %swap3A_437 = vector.shape_cast %mul3A_431 : vector<16xf32> to vector<1x1x16xf32>
        tpu.vector_store %arg12[%swap3A_432, %swap3A_433, %swap3A_434], %swap3A_437 {strides = array<i32>} : memref<2x48x128xf32, #tpu.memory_space<vmem>>, vector<1x1x16xf32>,
        %get3A_438 = arith.index_cast %rem3A_369 : i32 to index
        %get3A_439 = arith.index_cast %scan3A_409 : i32 to index
        %get3A_440 = arith.constant 16 : index
        %get3A_441 = tpu.vector_load %arg11[%get3A_438, %get3A_439, %get3A_440] {strides = array<i32>} : memref<2x48x64xf32, #tpu.memory_space<vmem>>, vector<1x1x16xf32>,
        %get3A_442 = vector.shape_cast %get3A_441 : vector<1x1x16xf32> to vector<16xf32>
        %get3A_443 = arith.index_cast %rem3A_367 : i32 to index
        %get3A_444 = arith.index_cast %scan3A_409 : i32 to index
        %get3A_445 = arith.constant 16 : index
        %get3A_446 = tpu.vector_load %arg10[%get3A_443, %get3A_444, %get3A_445] {strides = array<i32>} : memref<3x48x128xf32, #tpu.memory_space<vmem>>, vector<1x1x16xf32>,
        %get3A_447 = vector.shape_cast %get3A_446 : vector<1x1x16xf32> to vector<16xf32>
        %get3A_448 = arith.index_cast %rem3A_367 : i32 to index
        %get3A_449 = arith.index_cast %scan3A_409 : i32 to index
        %get3A_450 = arith.constant 80 : index
        %get3A_451 = tpu.vector_load %arg10[%get3A_448, %get3A_449, %get3A_450] {strides = array<i32>} : memref<3x48x128xf32, #tpu.memory_space<vmem>>, vector<1x1x16xf32>,
        %get3A_452 = vector.shape_cast %get3A_451 : vector<1x1x16xf32> to vector<16xf32>
        %mul3A_453 = arith.mulf %get3A_442, %get3A_447 : vector<16xf32>
        %swap3A_454 = arith.index_cast %rem3A_371 : i32 to index
        %swap3A_455 = arith.index_cast %scan3A_409 : i32 to index
        %swap3A_456 = arith.constant 16 : index
        %swap3A_457 = tpu.vector_load %arg12[%swap3A_454, %swap3A_455, %swap3A_456] {strides = array<i32>} : memref<2x48x128xf32, #tpu.memory_space<vmem>>, vector<1x1x16xf32>,
        %swap3A_458 = vector.shape_cast %swap3A_457 : vector<1x1x16xf32> to vector<16xf32>
        %swap3A_459 = vector.shape_cast %mul3A_453 : vector<16xf32> to vector<1x1x16xf32>
        tpu.vector_store %arg12[%swap3A_454, %swap3A_455, %swap3A_456], %swap3A_459 {strides = array<i32>} : memref<2x48x128xf32, #tpu.memory_space<vmem>>, vector<1x1x16xf32>,
        %mul3A_460 = arith.mulf %get3A_442, %get3A_452 : vector<16xf32>
        %swap3A_461 = arith.index_cast %rem3A_371 : i32 to index
        %swap3A_462 = arith.index_cast %scan3A_409 : i32 to index
        %swap3A_463 = arith.constant 80 : index
        %swap3A_464 = tpu.vector_load %arg12[%swap3A_461, %swap3A_462, %swap3A_463] {strides = array<i32>} : memref<2x48x128xf32, #tpu.memory_space<vmem>>, vector<1x1x16xf32>,
        %swap3A_465 = vector.shape_cast %swap3A_464 : vector<1x1x16xf32> to vector<16xf32>
        %swap3A_466 = vector.shape_cast %mul3A_460 : vector<16xf32> to vector<1x1x16xf32>
        tpu.vector_store %arg12[%swap3A_461, %swap3A_462, %swap3A_463], %swap3A_466 {strides = array<i32>} : memref<2x48x128xf32, #tpu.memory_space<vmem>>, vector<1x1x16xf32>,
        %get3A_467 = arith.index_cast %rem3A_369 : i32 to index
        %get3A_468 = arith.index_cast %scan3A_409 : i32 to index
        %get3A_469 = arith.constant 32 : index
        %get3A_470 = tpu.vector_load %arg11[%get3A_467, %get3A_468, %get3A_469] {strides = array<i32>} : memref<2x48x64xf32, #tpu.memory_space<vmem>>, vector<1x1x16xf32>,
        %get3A_471 = vector.shape_cast %get3A_470 : vector<1x1x16xf32> to vector<16xf32>
        %get3A_472 = arith.index_cast %rem3A_367 : i32 to index
        %get3A_473 = arith.index_cast %scan3A_409 : i32 to index
        %get3A_474 = arith.constant 32 : index
        %get3A_475 = tpu.vector_load %arg10[%get3A_472, %get3A_473, %get3A_474] {strides = array<i32>} : memref<3x48x128xf32, #tpu.memory_space<vmem>>, vector<1x1x16xf32>,
        %get3A_476 = vector.shape_cast %get3A_475 : vector<1x1x16xf32> to vector<16xf32>
        %get3A_477 = arith.index_cast %rem3A_367 : i32 to index
        %get3A_478 = arith.index_cast %scan3A_409 : i32 to index
        %get3A_479 = arith.constant 96 : index
        %get3A_480 = tpu.vector_load %arg10[%get3A_477, %get3A_478, %get3A_479] {strides = array<i32>} : memref<3x48x128xf32, #tpu.memory_space<vmem>>, vector<1x1x16xf32>,
        %get3A_481 = vector.shape_cast %get3A_480 : vector<1x1x16xf32> to vector<16xf32>
        %mul3A_482 = arith.mulf %get3A_471, %get3A_476 : vector<16xf32>
        %swap3A_483 = arith.index_cast %rem3A_371 : i32 to index
        %swap3A_484 = arith.index_cast %scan3A_409 : i32 to index
        %swap3A_485 = arith.constant 32 : index
        %swap3A_486 = tpu.vector_load %arg12[%swap3A_483, %swap3A_484, %swap3A_485] {strides = array<i32>} : memref<2x48x128xf32, #tpu.memory_space<vmem>>, vector<1x1x16xf32>,
        %swap3A_487 = vector.shape_cast %swap3A_486 : vector<1x1x16xf32> to vector<16xf32>
        %swap3A_488 = vector.shape_cast %mul3A_482 : vector<16xf32> to vector<1x1x16xf32>
        tpu.vector_store %arg12[%swap3A_483, %swap3A_484, %swap3A_485], %swap3A_488 {strides = array<i32>} : memref<2x48x128xf32, #tpu.memory_space<vmem>>, vector<1x1x16xf32>,
        %mul3A_489 = arith.mulf %get3A_471, %get3A_481 : vector<16xf32>
        %swap3A_490 = arith.index_cast %rem3A_371 : i32 to index
        %swap3A_491 = arith.index_cast %scan3A_409 : i32 to index
        %swap3A_492 = arith.constant 96 : index
        %swap3A_493 = tpu.vector_load %arg12[%swap3A_490, %swap3A_491, %swap3A_492] {strides = array<i32>} : memref<2x48x128xf32, #tpu.memory_space<vmem>>, vector<1x1x16xf32>,
        %swap3A_494 = vector.shape_cast %swap3A_493 : vector<1x1x16xf32> to vector<16xf32>
        %swap3A_495 = vector.shape_cast %mul3A_489 : vector<16xf32> to vector<1x1x16xf32>
        tpu.vector_store %arg12[%swap3A_490, %swap3A_491, %swap3A_492], %swap3A_495 {strides = array<i32>} : memref<2x48x128xf32, #tpu.memory_space<vmem>>, vector<1x1x16xf32>,
        %get3A_496 = arith.index_cast %rem3A_369 : i32 to index
        %get3A_497 = arith.index_cast %scan3A_409 : i32 to index
        %get3A_498 = arith.constant 48 : index
        %get3A_499 = tpu.vector_load %arg11[%get3A_496, %get3A_497, %get3A_498] {strides = array<i32>} : memref<2x48x64xf32, #tpu.memory_space<vmem>>, vector<1x1x16xf32>,
        %get3A_500 = vector.shape_cast %get3A_499 : vector<1x1x16xf32> to vector<16xf32>
        %get3A_501 = arith.index_cast %rem3A_367 : i32 to index
        %get3A_502 = arith.index_cast %scan3A_409 : i32 to index
        %get3A_503 = arith.constant 48 : index
        %get3A_504 = tpu.vector_load %arg10[%get3A_501, %get3A_502, %get3A_503] {strides = array<i32>} : memref<3x48x128xf32, #tpu.memory_space<vmem>>, vector<1x1x16xf32>,
        %get3A_505 = vector.shape_cast %get3A_504 : vector<1x1x16xf32> to vector<16xf32>
        %get3A_506 = arith.index_cast %rem3A_367 : i32 to index
        %get3A_507 = arith.index_cast %scan3A_409 : i32 to index
        %get3A_508 = arith.constant 112 : index
        %get3A_509 = tpu.vector_load %arg10[%get3A_506, %get3A_507, %get3A_508] {strides = array<i32>} : memref<3x48x128xf32, #tpu.memory_space<vmem>>, vector<1x1x16xf32>,
        %get3A_510 = vector.shape_cast %get3A_509 : vector<1x1x16xf32> to vector<16xf32>
        %mul3A_511 = arith.mulf %get3A_500, %get3A_505 : vector<16xf32>
        %swap3A_512 = arith.index_cast %rem3A_371 : i32 to index
        %swap3A_513 = arith.index_cast %scan3A_409 : i32 to index
        %swap3A_514 = arith.constant 48 : index
        %swap3A_515 = tpu.vector_load %arg12[%swap3A_512, %swap3A_513, %swap3A_514] {strides = array<i32>} : memref<2x48x128xf32, #tpu.memory_space<vmem>>, vector<1x1x16xf32>,
        %swap3A_516 = vector.shape_cast %swap3A_515 : vector<1x1x16xf32> to vector<16xf32>
        %swap3A_517 = vector.shape_cast %mul3A_511 : vector<16xf32> to vector<1x1x16xf32>
        tpu.vector_store %arg12[%swap3A_512, %swap3A_513, %swap3A_514], %swap3A_517 {strides = array<i32>} : memref<2x48x128xf32, #tpu.memory_space<vmem>>, vector<1x1x16xf32>,
        %mul3A_518 = arith.mulf %get3A_500, %get3A_510 : vector<16xf32>
        %swap3A_519 = arith.index_cast %rem3A_371 : i32 to index
        %swap3A_520 = arith.index_cast %scan3A_409 : i32 to index
        %swap3A_521 = arith.constant 112 : index
        %swap3A_522 = tpu.vector_load %arg12[%swap3A_519, %swap3A_520, %swap3A_521] {strides = array<i32>} : memref<2x48x128xf32, #tpu.memory_space<vmem>>, vector<1x1x16xf32>,
        %swap3A_523 = vector.shape_cast %swap3A_522 : vector<1x1x16xf32> to vector<16xf32>
        %swap3A_524 = vector.shape_cast %mul3A_518 : vector<16xf32> to vector<1x1x16xf32>
        tpu.vector_store %arg12[%swap3A_519, %swap3A_520, %swap3A_521], %swap3A_524 {strides = array<i32>} : memref<2x48x128xf32, #tpu.memory_space<vmem>>, vector<1x1x16xf32>,
        %scan3A_525 = arith.constant 0 : i32
        scf.yield %scan3A_525 : i32
      }
      %scan3A_405 = arith.constant 48 : i32
      %rem3A_406 = arith.constant 5 : i32
      %rem3A_407 = arith.remsi %scan3A_364, %rem3A_406 : i32
      %run_scoped3A = arith.constant 1 : i32
      "tpu.region"() ({
        %run_scoped3A_409 = tpu.sem_alloc : memref<!tpu.dma_semaphore, #tpu.memory_space<semaphore_mem>>
        %dma_start3A_410 = arith.constant 0 : i32
        %dma_start3A_411 = arith.constant 0 : i32
        %dma_start3A_412 = tpu.memref_slice %arg12[%rem3A_371, %dma_start3A_410, %dma_start3A_411] : memref<2x48x128xf32, #tpu.memory_space<vmem>> -> memref<1x48x128xf32, #tpu.memory_space<vmem>>
        %dma_start3A_413 = tpu.memref_squeeze %dma_start3A_412 : memref<1x48x128xf32, #tpu.memory_space<vmem>> -> memref<48x128xf32, #tpu.memory_space<vmem>>
        %dma_start3A_414 = arith.constant 0 : i32
        %dma_start3A_415 = tpu.memref_slice %arg9[%rem3A_407, %run_scoped3A, %dma_start3A_414] : memref<5x2x48xi32, #tpu.memory_space<vmem>> -> memref<1x1x48xi32, #tpu.memory_space<vmem>>
        %dma_start3A_416 = tpu.memref_squeeze %dma_start3A_415 : memref<1x1x48xi32, #tpu.memory_space<vmem>> -> memref<48xi32, #tpu.memory_space<vmem>>
        %dma_start3A_417 = arith.constant 0 : i32
        %dma_start3A_418 = arith.constant 0 : i32
        %dma_start3A_419 = tpu.memref_slice %arg7[%dma_start3A_417, %dma_start3A_418] : memref<10000x128xf32, #tpu.memory_space<vmem_shared>> -> memref<10000x128xf32, #tpu.memory_space<vmem_shared>>
        tpu.enqueue_indirect_dma source(%dma_start3A_413 : memref<48x128xf32, #tpu.memory_space<vmem>>) target(%dma_start3A_419 : memref<10000x128xf32, #tpu.memory_space<vmem_shared>>) offsets(%dma_start3A_416 : memref<48xi32, #tpu.memory_space<vmem>>) semaphore(%run_scoped3A_409 : memref<!tpu.dma_semaphore, #tpu.memory_space<semaphore_mem>>) {add = true}
        %dma_wait3A_420 = arith.constant 0 : i32
        %dma_wait3A_421 = arith.constant 0 : i32
        %dma_wait3A_422 = tpu.memref_slice %arg12[%rem3A_371, %dma_wait3A_420, %dma_wait3A_421] : memref<2x48x128xf32, #tpu.memory_space<vmem>> -> memref<1x48x128xf32, #tpu.memory_space<vmem>>
        %dma_wait3A_423 = tpu.memref_squeeze %dma_wait3A_422 : memref<1x48x128xf32, #tpu.memory_space<vmem>> -> memref<48x128xf32, #tpu.memory_space<vmem>>
        %dma_wait3A_424 = arith.constant 0 : i32
        %dma_wait3A_425 = tpu.memref_slice %arg9[%rem3A_407, %run_scoped3A, %dma_wait3A_424] : memref<5x2x48xi32, #tpu.memory_space<vmem>> -> memref<1x1x48xi32, #tpu.memory_space<vmem>>
        %dma_wait3A_426 = tpu.memref_squeeze %dma_wait3A_425 : memref<1x1x48xi32, #tpu.memory_space<vmem>> -> memref<48xi32, #tpu.memory_space<vmem>>
        %dma_wait3A_427 = arith.constant 0 : i32
        %dma_wait3A_428 = arith.constant 0 : i32
        %dma_wait3A_429 = tpu.memref_slice %arg7[%dma_wait3A_427, %dma_wait3A_428] : memref<10000x128xf32, #tpu.memory_space<vmem_shared>> -> memref<10000x128xf32, #tpu.memory_space<vmem_shared>>
        tpu.wait_indirect_dma semaphore(%run_scoped3A_409 : memref<!tpu.dma_semaphore, #tpu.memory_space<semaphore_mem>>) src(%dma_wait3A_423 : memref<48x128xf32, #tpu.memory_space<vmem>>) dst(%dma_wait3A_429 : memref<10000x128xf32, #tpu.memory_space<vmem_shared>>)
        tpu.yield
      }) : () -> ()
      %scan3A_408 = arith.constant 0 : i32
      scf.yield %scan3A_408 : i32
    }
    %scan3A_250 = arith.constant 209 : i32
    %barrier3A_251 = arith.constant 0 : index
    tpu.barrier barrier_id(%barrier3A_251)
    %add3A_252 = arith.constant 0 : i32
    %add3A_253 = arith.addi %arg1, %add3A_252 : i32
    %lt3A_254 = arith.constant 250 : i32
    %lt3A_255 = arith.cmpi slt, %add3A_253, %lt3A_254 : i32
    %convert_element_type3A_256 = arith.extui %lt3A_255 : i1 to i32
    %cond3A_257 = arith.constant 0 : i32
    %cond3A_258 = arith.cmpi ne, %convert_element_type3A_256, %cond3A_257 : i32
    scf.if %cond3A_258 {
      %mul3A_364 = arith.constant 40 : i32
      %mul3A_365 = arith.muli %add3A_253, %mul3A_364 : i32
      "tpu.region"() ({
        %run_scoped3A = tpu.sem_alloc : memref<!tpu.dma_semaphore, #tpu.memory_space<semaphore_mem>>
        %dma_start3A_368 = arith.constant 0 : i32
        %dma_start3A_369 = tpu.memref_slice %arg7[%mul3A_365, %dma_start3A_368] : memref<10000x128xf32, #tpu.memory_space<vmem_shared>> -> memref<40x128xf32, #tpu.memory_space<vmem_shared>>
        %dma_start3A_370 = arith.constant 0 : i32
        %dma_start3A_371 = tpu.memref_slice %arg7[%mul3A_365, %dma_start3A_370] : memref<10000x128xf32, #tpu.memory_space<vmem_shared>> -> memref<40x128xf32, #tpu.memory_space<vmem_shared>>
        tpu.enqueue_dma source(%dma_start3A_371 : memref<40x128xf32, #tpu.memory_space<vmem_shared>>) target(%arg8 : memref<40x128xf32, #tpu.memory_space<vmem>>) target_semaphore(%run_scoped3A : memref<!tpu.dma_semaphore, #tpu.memory_space<semaphore_mem>>)
        %dma_wait3A_372 = arith.constant 0 : i32
        %dma_wait3A_373 = tpu.memref_slice %arg7[%mul3A_365, %dma_wait3A_372] : memref<10000x128xf32, #tpu.memory_space<vmem_shared>> -> memref<40x128xf32, #tpu.memory_space<vmem_shared>>
        %dma_wait3A_374 = arith.constant 0 : i32
        %dma_wait3A_375 = tpu.memref_slice %arg7[%mul3A_365, %dma_wait3A_374] : memref<10000x128xf32, #tpu.memory_space<vmem_shared>> -> memref<40x128xf32, #tpu.memory_space<vmem_shared>>
        tpu.wait_dma2 semaphore(%run_scoped3A : memref<!tpu.dma_semaphore, #tpu.memory_space<semaphore_mem>>) src(%dma_wait3A_375 : memref<40x128xf32, #tpu.memory_space<vmem_shared>>) dst(%arg8 : memref<40x128xf32, #tpu.memory_space<vmem>>)
        tpu.yield
      }) : () -> ()
      %mul3A_366 = arith.constant 128 : i32
      %mul3A_367 = arith.muli %arg0, %mul3A_366 : i32
      "tpu.region"() ({
        %run_scoped3A = tpu.sem_alloc : memref<!tpu.dma_semaphore, #tpu.memory_space<semaphore_mem>>
        %dma_start3A_368 = tpu.memref_slice %arg6[%mul3A_365, %mul3A_367] : memref<10000x256xf32, #tpu.memory_space<hbm>> -> memref<40x128xf32, #tpu.memory_space<hbm>>
        %dma_start3A_369 = tpu.memref_slice %arg6[%mul3A_365, %mul3A_367] : memref<10000x256xf32, #tpu.memory_space<hbm>> -> memref<40x128xf32, #tpu.memory_space<hbm>>
        tpu.enqueue_dma source(%arg8 : memref<40x128xf32, #tpu.memory_space<vmem>>) target(%dma_start3A_369 : memref<40x128xf32, #tpu.memory_space<hbm>>) target_semaphore(%run_scoped3A : memref<!tpu.dma_semaphore, #tpu.memory_space<semaphore_mem>>)
        %dma_wait3A_370 = tpu.memref_slice %arg6[%mul3A_365, %mul3A_367] : memref<10000x256xf32, #tpu.memory_space<hbm>> -> memref<40x128xf32, #tpu.memory_space<hbm>>
        %dma_wait3A_371 = tpu.memref_slice %arg6[%mul3A_365, %mul3A_367] : memref<10000x256xf32, #tpu.memory_space<hbm>> -> memref<40x128xf32, #tpu.memory_space<hbm>>
        tpu.wait_dma2 semaphore(%run_scoped3A : memref<!tpu.dma_semaphore, #tpu.memory_space<semaphore_mem>>) src(%arg8 : memref<40x128xf32, #tpu.memory_space<vmem>>) dst(%dma_wait3A_371 : memref<40x128xf32, #tpu.memory_space<hbm>>)
        tpu.yield
      }) : () -> ()
    } else {
    }
    %add3A_259 = arith.constant 16 : i32
    %add3A_260 = arith.addi %arg1, %add3A_259 : i32
    %lt3A_261 = arith.constant 250 : i32
    %lt3A_262 = arith.cmpi slt, %add3A_260, %lt3A_261 : i32
    %convert_element_type3A_263 = arith.extui %lt3A_262 : i1 to i32
    %cond3A_264 = arith.constant 0 : i32
    %cond3A_265 = arith.cmpi ne, %convert_element_type3A_263, %cond3A_264 : i32
    scf.if %cond3A_265 {
      %mul3A_364 = arith.constant 40 : i32
      %mul3A_365 = arith.muli %add3A_260, %mul3A_364 : i32
      "tpu.region"() ({
        %run_scoped3A = tpu.sem_alloc : memref<!tpu.dma_semaphore, #tpu.memory_space<semaphore_mem>>
        %dma_start3A_368 = arith.constant 0 : i32
        %dma_start3A_369 = tpu.memref_slice %arg7[%mul3A_365, %dma_start3A_368] : memref<10000x128xf32, #tpu.memory_space<vmem_shared>> -> memref<40x128xf32, #tpu.memory_space<vmem_shared>>
        %dma_start3A_370 = arith.constant 0 : i32
        %dma_start3A_371 = tpu.memref_slice %arg7[%mul3A_365, %dma_start3A_370] : memref<10000x128xf32, #tpu.memory_space<vmem_shared>> -> memref<40x128xf32, #tpu.memory_space<vmem_shared>>
        tpu.enqueue_dma source(%dma_start3A_371 : memref<40x128xf32, #tpu.memory_space<vmem_shared>>) target(%arg8 : memref<40x128xf32, #tpu.memory_space<vmem>>) target_semaphore(%run_scoped3A : memref<!tpu.dma_semaphore, #tpu.memory_space<semaphore_mem>>)
        %dma_wait3A_372 = arith.constant 0 : i32
        %dma_wait3A_373 = tpu.memref_slice %arg7[%mul3A_365, %dma_wait3A_372] : memref<10000x128xf32, #tpu.memory_space<vmem_shared>> -> memref<40x128xf32, #tpu.memory_space<vmem_shared>>
        %dma_wait3A_374 = arith.constant 0 : i32
        %dma_wait3A_375 = tpu.memref_slice %arg7[%mul3A_365, %dma_wait3A_374] : memref<10000x128xf32, #tpu.memory_space<vmem_shared>> -> memref<40x128xf32, #tpu.memory_space<vmem_shared>>
        tpu.wait_dma2 semaphore(%run_scoped3A : memref<!tpu.dma_semaphore, #tpu.memory_space<semaphore_mem>>) src(%dma_wait3A_375 : memref<40x128xf32, #tpu.memory_space<vmem_shared>>) dst(%arg8 : memref<40x128xf32, #tpu.memory_space<vmem>>)
        tpu.yield
      }) : () -> ()
      %mul3A_366 = arith.constant 128 : i32
      %mul3A_367 = arith.muli %arg0, %mul3A_366 : i32
      "tpu.region"() ({
        %run_scoped3A = tpu.sem_alloc : memref<!tpu.dma_semaphore, #tpu.memory_space<semaphore_mem>>
        %dma_start3A_368 = tpu.memref_slice %arg6[%mul3A_365, %mul3A_367] : memref<10000x256xf32, #tpu.memory_space<hbm>> -> memref<40x128xf32, #tpu.memory_space<hbm>>
        %dma_start3A_369 = tpu.memref_slice %arg6[%mul3A_365, %mul3A_367] : memref<10000x256xf32, #tpu.memory_space<hbm>> -> memref<40x128xf32, #tpu.memory_space<hbm>>
        tpu.enqueue_dma source(%arg8 : memref<40x128xf32, #tpu.memory_space<vmem>>) target(%dma_start3A_369 : memref<40x128xf32, #tpu.memory_space<hbm>>) target_semaphore(%run_scoped3A : memref<!tpu.dma_semaphore, #tpu.memory_space<semaphore_mem>>)
        %dma_wait3A_370 = tpu.memref_slice %arg6[%mul3A_365, %mul3A_367] : memref<10000x256xf32, #tpu.memory_space<hbm>> -> memref<40x128xf32, #tpu.memory_space<hbm>>
        %dma_wait3A_371 = tpu.memref_slice %arg6[%mul3A_365, %mul3A_367] : memref<10000x256xf32, #tpu.memory_space<hbm>> -> memref<40x128xf32, #tpu.memory_space<hbm>>
        tpu.wait_dma2 semaphore(%run_scoped3A : memref<!tpu.dma_semaphore, #tpu.memory_space<semaphore_mem>>) src(%arg8 : memref<40x128xf32, #tpu.memory_space<vmem>>) dst(%dma_wait3A_371 : memref<40x128xf32, #tpu.memory_space<hbm>>)
        tpu.yield
      }) : () -> ()
    } else {
    }
    %add3A_266 = arith.constant 32 : i32
    %add3A_267 = arith.addi %arg1, %add3A_266 : i32
    %lt3A_268 = arith.constant 250 : i32
    %lt3A_269 = arith.cmpi slt, %add3A_267, %lt3A_268 : i32
    %convert_element_type3A_270 = arith.extui %lt3A_269 : i1 to i32
    %cond3A_271 = arith.constant 0 : i32
    %cond3A_272 = arith.cmpi ne, %convert_element_type3A_270, %cond3A_271 : i32
    scf.if %cond3A_272 {
      %mul3A_364 = arith.constant 40 : i32
      %mul3A_365 = arith.muli %add3A_267, %mul3A_364 : i32
      "tpu.region"() ({
        %run_scoped3A = tpu.sem_alloc : memref<!tpu.dma_semaphore, #tpu.memory_space<semaphore_mem>>
        %dma_start3A_368 = arith.constant 0 : i32
        %dma_start3A_369 = tpu.memref_slice %arg7[%mul3A_365, %dma_start3A_368] : memref<10000x128xf32, #tpu.memory_space<vmem_shared>> -> memref<40x128xf32, #tpu.memory_space<vmem_shared>>
        %dma_start3A_370 = arith.constant 0 : i32
        %dma_start3A_371 = tpu.memref_slice %arg7[%mul3A_365, %dma_start3A_370] : memref<10000x128xf32, #tpu.memory_space<vmem_shared>> -> memref<40x128xf32, #tpu.memory_space<vmem_shared>>
        tpu.enqueue_dma source(%dma_start3A_371 : memref<40x128xf32, #tpu.memory_space<vmem_shared>>) target(%arg8 : memref<40x128xf32, #tpu.memory_space<vmem>>) target_semaphore(%run_scoped3A : memref<!tpu.dma_semaphore, #tpu.memory_space<semaphore_mem>>)
        %dma_wait3A_372 = arith.constant 0 : i32
        %dma_wait3A_373 = tpu.memref_slice %arg7[%mul3A_365, %dma_wait3A_372] : memref<10000x128xf32, #tpu.memory_space<vmem_shared>> -> memref<40x128xf32, #tpu.memory_space<vmem_shared>>
        %dma_wait3A_374 = arith.constant 0 : i32
        %dma_wait3A_375 = tpu.memref_slice %arg7[%mul3A_365, %dma_wait3A_374] : memref<10000x128xf32, #tpu.memory_space<vmem_shared>> -> memref<40x128xf32, #tpu.memory_space<vmem_shared>>
        tpu.wait_dma2 semaphore(%run_scoped3A : memref<!tpu.dma_semaphore, #tpu.memory_space<semaphore_mem>>) src(%dma_wait3A_375 : memref<40x128xf32, #tpu.memory_space<vmem_shared>>) dst(%arg8 : memref<40x128xf32, #tpu.memory_space<vmem>>)
        tpu.yield
      }) : () -> ()
      %mul3A_366 = arith.constant 128 : i32
      %mul3A_367 = arith.muli %arg0, %mul3A_366 : i32
      "tpu.region"() ({
        %run_scoped3A = tpu.sem_alloc : memref<!tpu.dma_semaphore, #tpu.memory_space<semaphore_mem>>
        %dma_start3A_368 = tpu.memref_slice %arg6[%mul3A_365, %mul3A_367] : memref<10000x256xf32, #tpu.memory_space<hbm>> -> memref<40x128xf32, #tpu.memory_space<hbm>>
        %dma_start3A_369 = tpu.memref_slice %arg6[%mul3A_365, %mul3A_367] : memref<10000x256xf32, #tpu.memory_space<hbm>> -> memref<40x128xf32, #tpu.memory_space<hbm>>
        tpu.enqueue_dma source(%arg8 : memref<40x128xf32, #tpu.memory_space<vmem>>) target(%dma_start3A_369 : memref<40x128xf32, #tpu.memory_space<hbm>>) target_semaphore(%run_scoped3A : memref<!tpu.dma_semaphore, #tpu.memory_space<semaphore_mem>>)
        %dma_wait3A_370 = tpu.memref_slice %arg6[%mul3A_365, %mul3A_367] : memref<10000x256xf32, #tpu.memory_space<hbm>> -> memref<40x128xf32, #tpu.memory_space<hbm>>
        %dma_wait3A_371 = tpu.memref_slice %arg6[%mul3A_365, %mul3A_367] : memref<10000x256xf32, #tpu.memory_space<hbm>> -> memref<40x128xf32, #tpu.memory_space<hbm>>
        tpu.wait_dma2 semaphore(%run_scoped3A : memref<!tpu.dma_semaphore, #tpu.memory_space<semaphore_mem>>) src(%arg8 : memref<40x128xf32, #tpu.memory_space<vmem>>) dst(%dma_wait3A_371 : memref<40x128xf32, #tpu.memory_space<hbm>>)
        tpu.yield
      }) : () -> ()
    } else {
    }
    %add3A_273 = arith.constant 48 : i32
    %add3A_274 = arith.addi %arg1, %add3A_273 : i32
    %lt3A_275 = arith.constant 250 : i32
    %lt3A_276 = arith.cmpi slt, %add3A_274, %lt3A_275 : i32
    %convert_element_type3A_277 = arith.extui %lt3A_276 : i1 to i32
    %cond3A_278 = arith.constant 0 : i32
    %cond3A_279 = arith.cmpi ne, %convert_element_type3A_277, %cond3A_278 : i32
    scf.if %cond3A_279 {
      %mul3A_364 = arith.constant 40 : i32
      %mul3A_365 = arith.muli %add3A_274, %mul3A_364 : i32
      "tpu.region"() ({
        %run_scoped3A = tpu.sem_alloc : memref<!tpu.dma_semaphore, #tpu.memory_space<semaphore_mem>>
        %dma_start3A_368 = arith.constant 0 : i32
        %dma_start3A_369 = tpu.memref_slice %arg7[%mul3A_365, %dma_start3A_368] : memref<10000x128xf32, #tpu.memory_space<vmem_shared>> -> memref<40x128xf32, #tpu.memory_space<vmem_shared>>
        %dma_start3A_370 = arith.constant 0 : i32
        %dma_start3A_371 = tpu.memref_slice %arg7[%mul3A_365, %dma_start3A_370] : memref<10000x128xf32, #tpu.memory_space<vmem_shared>> -> memref<40x128xf32, #tpu.memory_space<vmem_shared>>
        tpu.enqueue_dma source(%dma_start3A_371 : memref<40x128xf32, #tpu.memory_space<vmem_shared>>) target(%arg8 : memref<40x128xf32, #tpu.memory_space<vmem>>) target_semaphore(%run_scoped3A : memref<!tpu.dma_semaphore, #tpu.memory_space<semaphore_mem>>)
        %dma_wait3A_372 = arith.constant 0 : i32
        %dma_wait3A_373 = tpu.memref_slice %arg7[%mul3A_365, %dma_wait3A_372] : memref<10000x128xf32, #tpu.memory_space<vmem_shared>> -> memref<40x128xf32, #tpu.memory_space<vmem_shared>>
        %dma_wait3A_374 = arith.constant 0 : i32
        %dma_wait3A_375 = tpu.memref_slice %arg7[%mul3A_365, %dma_wait3A_374] : memref<10000x128xf32, #tpu.memory_space<vmem_shared>> -> memref<40x128xf32, #tpu.memory_space<vmem_shared>>
        tpu.wait_dma2 semaphore(%run_scoped3A : memref<!tpu.dma_semaphore, #tpu.memory_space<semaphore_mem>>) src(%dma_wait3A_375 : memref<40x128xf32, #tpu.memory_space<vmem_shared>>) dst(%arg8 : memref<40x128xf32, #tpu.memory_space<vmem>>)
        tpu.yield
      }) : () -> ()
      %mul3A_366 = arith.constant 128 : i32
      %mul3A_367 = arith.muli %arg0, %mul3A_366 : i32
      "tpu.region"() ({
        %run_scoped3A = tpu.sem_alloc : memref<!tpu.dma_semaphore, #tpu.memory_space<semaphore_mem>>
        %dma_start3A_368 = tpu.memref_slice %arg6[%mul3A_365, %mul3A_367] : memref<10000x256xf32, #tpu.memory_space<hbm>> -> memref<40x128xf32, #tpu.memory_space<hbm>>
        %dma_start3A_369 = tpu.memref_slice %arg6[%mul3A_365, %mul3A_367] : memref<10000x256xf32, #tpu.memory_space<hbm>> -> memref<40x128xf32, #tpu.memory_space<hbm>>
        tpu.enqueue_dma source(%arg8 : memref<40x128xf32, #tpu.memory_space<vmem>>) target(%dma_start3A_369 : memref<40x128xf32, #tpu.memory_space<hbm>>) target_semaphore(%run_scoped3A : memref<!tpu.dma_semaphore, #tpu.memory_space<semaphore_mem>>)
        %dma_wait3A_370 = tpu.memref_slice %arg6[%mul3A_365, %mul3A_367] : memref<10000x256xf32, #tpu.memory_space<hbm>> -> memref<40x128xf32, #tpu.memory_space<hbm>>
        %dma_wait3A_371 = tpu.memref_slice %arg6[%mul3A_365, %mul3A_367] : memref<10000x256xf32, #tpu.memory_space<hbm>> -> memref<40x128xf32, #tpu.memory_space<hbm>>
        tpu.wait_dma2 semaphore(%run_scoped3A : memref<!tpu.dma_semaphore, #tpu.memory_space<semaphore_mem>>) src(%arg8 : memref<40x128xf32, #tpu.memory_space<vmem>>) dst(%dma_wait3A_371 : memref<40x128xf32, #tpu.memory_space<hbm>>)
        tpu.yield
      }) : () -> ()
    } else {
    }
    %add3A_280 = arith.constant 64 : i32
    %add3A_281 = arith.addi %arg1, %add3A_280 : i32
    %lt3A_282 = arith.constant 250 : i32
    %lt3A_283 = arith.cmpi slt, %add3A_281, %lt3A_282 : i32
    %convert_element_type3A_284 = arith.extui %lt3A_283 : i1 to i32
    %cond3A_285 = arith.constant 0 : i32
    %cond3A_286 = arith.cmpi ne, %convert_element_type3A_284, %cond3A_285 : i32
    scf.if %cond3A_286 {
      %mul3A_364 = arith.constant 40 : i32
      %mul3A_365 = arith.muli %add3A_281, %mul3A_364 : i32
      "tpu.region"() ({
        %run_scoped3A = tpu.sem_alloc : memref<!tpu.dma_semaphore, #tpu.memory_space<semaphore_mem>>
        %dma_start3A_368 = arith.constant 0 : i32
        %dma_start3A_369 = tpu.memref_slice %arg7[%mul3A_365, %dma_start3A_368] : memref<10000x128xf32, #tpu.memory_space<vmem_shared>> -> memref<40x128xf32, #tpu.memory_space<vmem_shared>>
        %dma_start3A_370 = arith.constant 0 : i32
        %dma_start3A_371 = tpu.memref_slice %arg7[%mul3A_365, %dma_start3A_370] : memref<10000x128xf32, #tpu.memory_space<vmem_shared>> -> memref<40x128xf32, #tpu.memory_space<vmem_shared>>
        tpu.enqueue_dma source(%dma_start3A_371 : memref<40x128xf32, #tpu.memory_space<vmem_shared>>) target(%arg8 : memref<40x128xf32, #tpu.memory_space<vmem>>) target_semaphore(%run_scoped3A : memref<!tpu.dma_semaphore, #tpu.memory_space<semaphore_mem>>)
        %dma_wait3A_372 = arith.constant 0 : i32
        %dma_wait3A_373 = tpu.memref_slice %arg7[%mul3A_365, %dma_wait3A_372] : memref<10000x128xf32, #tpu.memory_space<vmem_shared>> -> memref<40x128xf32, #tpu.memory_space<vmem_shared>>
        %dma_wait3A_374 = arith.constant 0 : i32
        %dma_wait3A_375 = tpu.memref_slice %arg7[%mul3A_365, %dma_wait3A_374] : memref<10000x128xf32, #tpu.memory_space<vmem_shared>> -> memref<40x128xf32, #tpu.memory_space<vmem_shared>>
        tpu.wait_dma2 semaphore(%run_scoped3A : memref<!tpu.dma_semaphore, #tpu.memory_space<semaphore_mem>>) src(%dma_wait3A_375 : memref<40x128xf32, #tpu.memory_space<vmem_shared>>) dst(%arg8 : memref<40x128xf32, #tpu.memory_space<vmem>>)
        tpu.yield
      }) : () -> ()
      %mul3A_366 = arith.constant 128 : i32
      %mul3A_367 = arith.muli %arg0, %mul3A_366 : i32
      "tpu.region"() ({
        %run_scoped3A = tpu.sem_alloc : memref<!tpu.dma_semaphore, #tpu.memory_space<semaphore_mem>>
        %dma_start3A_368 = tpu.memref_slice %arg6[%mul3A_365, %mul3A_367] : memref<10000x256xf32, #tpu.memory_space<hbm>> -> memref<40x128xf32, #tpu.memory_space<hbm>>
        %dma_start3A_369 = tpu.memref_slice %arg6[%mul3A_365, %mul3A_367] : memref<10000x256xf32, #tpu.memory_space<hbm>> -> memref<40x128xf32, #tpu.memory_space<hbm>>
        tpu.enqueue_dma source(%arg8 : memref<40x128xf32, #tpu.memory_space<vmem>>) target(%dma_start3A_369 : memref<40x128xf32, #tpu.memory_space<hbm>>) target_semaphore(%run_scoped3A : memref<!tpu.dma_semaphore, #tpu.memory_space<semaphore_mem>>)
        %dma_wait3A_370 = tpu.memref_slice %arg6[%mul3A_365, %mul3A_367] : memref<10000x256xf32, #tpu.memory_space<hbm>> -> memref<40x128xf32, #tpu.memory_space<hbm>>
        %dma_wait3A_371 = tpu.memref_slice %arg6[%mul3A_365, %mul3A_367] : memref<10000x256xf32, #tpu.memory_space<hbm>> -> memref<40x128xf32, #tpu.memory_space<hbm>>
        tpu.wait_dma2 semaphore(%run_scoped3A : memref<!tpu.dma_semaphore, #tpu.memory_space<semaphore_mem>>) src(%arg8 : memref<40x128xf32, #tpu.memory_space<vmem>>) dst(%dma_wait3A_371 : memref<40x128xf32, #tpu.memory_space<hbm>>)
        tpu.yield
      }) : () -> ()
    } else {
    }
    %add3A_287 = arith.constant 80 : i32
    %add3A_288 = arith.addi %arg1, %add3A_287 : i32
    %lt3A_289 = arith.constant 250 : i32
    %lt3A_290 = arith.cmpi slt, %add3A_288, %lt3A_289 : i32
    %convert_element_type3A_291 = arith.extui %lt3A_290 : i1 to i32
    %cond3A_292 = arith.constant 0 : i32
    %cond3A_293 = arith.cmpi ne, %convert_element_type3A_291, %cond3A_292 : i32
    scf.if %cond3A_293 {
      %mul3A_364 = arith.constant 40 : i32
      %mul3A_365 = arith.muli %add3A_288, %mul3A_364 : i32
      "tpu.region"() ({
        %run_scoped3A = tpu.sem_alloc : memref<!tpu.dma_semaphore, #tpu.memory_space<semaphore_mem>>
        %dma_start3A_368 = arith.constant 0 : i32
        %dma_start3A_369 = tpu.memref_slice %arg7[%mul3A_365, %dma_start3A_368] : memref<10000x128xf32, #tpu.memory_space<vmem_shared>> -> memref<40x128xf32, #tpu.memory_space<vmem_shared>>
        %dma_start3A_370 = arith.constant 0 : i32
        %dma_start3A_371 = tpu.memref_slice %arg7[%mul3A_365, %dma_start3A_370] : memref<10000x128xf32, #tpu.memory_space<vmem_shared>> -> memref<40x128xf32, #tpu.memory_space<vmem_shared>>
        tpu.enqueue_dma source(%dma_start3A_371 : memref<40x128xf32, #tpu.memory_space<vmem_shared>>) target(%arg8 : memref<40x128xf32, #tpu.memory_space<vmem>>) target_semaphore(%run_scoped3A : memref<!tpu.dma_semaphore, #tpu.memory_space<semaphore_mem>>)
        %dma_wait3A_372 = arith.constant 0 : i32
        %dma_wait3A_373 = tpu.memref_slice %arg7[%mul3A_365, %dma_wait3A_372] : memref<10000x128xf32, #tpu.memory_space<vmem_shared>> -> memref<40x128xf32, #tpu.memory_space<vmem_shared>>
        %dma_wait3A_374 = arith.constant 0 : i32
        %dma_wait3A_375 = tpu.memref_slice %arg7[%mul3A_365, %dma_wait3A_374] : memref<10000x128xf32, #tpu.memory_space<vmem_shared>> -> memref<40x128xf32, #tpu.memory_space<vmem_shared>>
        tpu.wait_dma2 semaphore(%run_scoped3A : memref<!tpu.dma_semaphore, #tpu.memory_space<semaphore_mem>>) src(%dma_wait3A_375 : memref<40x128xf32, #tpu.memory_space<vmem_shared>>) dst(%arg8 : memref<40x128xf32, #tpu.memory_space<vmem>>)
        tpu.yield
      }) : () -> ()
      %mul3A_366 = arith.constant 128 : i32
      %mul3A_367 = arith.muli %arg0, %mul3A_366 : i32
      "tpu.region"() ({
        %run_scoped3A = tpu.sem_alloc : memref<!tpu.dma_semaphore, #tpu.memory_space<semaphore_mem>>
        %dma_start3A_368 = tpu.memref_slice %arg6[%mul3A_365, %mul3A_367] : memref<10000x256xf32, #tpu.memory_space<hbm>> -> memref<40x128xf32, #tpu.memory_space<hbm>>
        %dma_start3A_369 = tpu.memref_slice %arg6[%mul3A_365, %mul3A_367] : memref<10000x256xf32, #tpu.memory_space<hbm>> -> memref<40x128xf32, #tpu.memory_space<hbm>>
        tpu.enqueue_dma source(%arg8 : memref<40x128xf32, #tpu.memory_space<vmem>>) target(%dma_start3A_369 : memref<40x128xf32, #tpu.memory_space<hbm>>) target_semaphore(%run_scoped3A : memref<!tpu.dma_semaphore, #tpu.memory_space<semaphore_mem>>)
        %dma_wait3A_370 = tpu.memref_slice %arg6[%mul3A_365, %mul3A_367] : memref<10000x256xf32, #tpu.memory_space<hbm>> -> memref<40x128xf32, #tpu.memory_space<hbm>>
        %dma_wait3A_371 = tpu.memref_slice %arg6[%mul3A_365, %mul3A_367] : memref<10000x256xf32, #tpu.memory_space<hbm>> -> memref<40x128xf32, #tpu.memory_space<hbm>>
        tpu.wait_dma2 semaphore(%run_scoped3A : memref<!tpu.dma_semaphore, #tpu.memory_space<semaphore_mem>>) src(%arg8 : memref<40x128xf32, #tpu.memory_space<vmem>>) dst(%dma_wait3A_371 : memref<40x128xf32, #tpu.memory_space<hbm>>)
        tpu.yield
      }) : () -> ()
    } else {
    }
    %add3A_294 = arith.constant 96 : i32
    %add3A_295 = arith.addi %arg1, %add3A_294 : i32
    %lt3A_296 = arith.constant 250 : i32
    %lt3A_297 = arith.cmpi slt, %add3A_295, %lt3A_296 : i32
    %convert_element_type3A_298 = arith.extui %lt3A_297 : i1 to i32
    %cond3A_299 = arith.constant 0 : i32
    %cond3A_300 = arith.cmpi ne, %convert_element_type3A_298, %cond3A_299 : i32
    scf.if %cond3A_300 {
      %mul3A_364 = arith.constant 40 : i32
      %mul3A_365 = arith.muli %add3A_295, %mul3A_364 : i32
      "tpu.region"() ({
        %run_scoped3A = tpu.sem_alloc : memref<!tpu.dma_semaphore, #tpu.memory_space<semaphore_mem>>
        %dma_start3A_368 = arith.constant 0 : i32
        %dma_start3A_369 = tpu.memref_slice %arg7[%mul3A_365, %dma_start3A_368] : memref<10000x128xf32, #tpu.memory_space<vmem_shared>> -> memref<40x128xf32, #tpu.memory_space<vmem_shared>>
        %dma_start3A_370 = arith.constant 0 : i32
        %dma_start3A_371 = tpu.memref_slice %arg7[%mul3A_365, %dma_start3A_370] : memref<10000x128xf32, #tpu.memory_space<vmem_shared>> -> memref<40x128xf32, #tpu.memory_space<vmem_shared>>
        tpu.enqueue_dma source(%dma_start3A_371 : memref<40x128xf32, #tpu.memory_space<vmem_shared>>) target(%arg8 : memref<40x128xf32, #tpu.memory_space<vmem>>) target_semaphore(%run_scoped3A : memref<!tpu.dma_semaphore, #tpu.memory_space<semaphore_mem>>)
        %dma_wait3A_372 = arith.constant 0 : i32
        %dma_wait3A_373 = tpu.memref_slice %arg7[%mul3A_365, %dma_wait3A_372] : memref<10000x128xf32, #tpu.memory_space<vmem_shared>> -> memref<40x128xf32, #tpu.memory_space<vmem_shared>>
        %dma_wait3A_374 = arith.constant 0 : i32
        %dma_wait3A_375 = tpu.memref_slice %arg7[%mul3A_365, %dma_wait3A_374] : memref<10000x128xf32, #tpu.memory_space<vmem_shared>> -> memref<40x128xf32, #tpu.memory_space<vmem_shared>>
        tpu.wait_dma2 semaphore(%run_scoped3A : memref<!tpu.dma_semaphore, #tpu.memory_space<semaphore_mem>>) src(%dma_wait3A_375 : memref<40x128xf32, #tpu.memory_space<vmem_shared>>) dst(%arg8 : memref<40x128xf32, #tpu.memory_space<vmem>>)
        tpu.yield
      }) : () -> ()
      %mul3A_366 = arith.constant 128 : i32
      %mul3A_367 = arith.muli %arg0, %mul3A_366 : i32
      "tpu.region"() ({
        %run_scoped3A = tpu.sem_alloc : memref<!tpu.dma_semaphore, #tpu.memory_space<semaphore_mem>>
        %dma_start3A_368 = tpu.memref_slice %arg6[%mul3A_365, %mul3A_367] : memref<10000x256xf32, #tpu.memory_space<hbm>> -> memref<40x128xf32, #tpu.memory_space<hbm>>
        %dma_start3A_369 = tpu.memref_slice %arg6[%mul3A_365, %mul3A_367] : memref<10000x256xf32, #tpu.memory_space<hbm>> -> memref<40x128xf32, #tpu.memory_space<hbm>>
        tpu.enqueue_dma source(%arg8 : memref<40x128xf32, #tpu.memory_space<vmem>>) target(%dma_start3A_369 : memref<40x128xf32, #tpu.memory_space<hbm>>) target_semaphore(%run_scoped3A : memref<!tpu.dma_semaphore, #tpu.memory_space<semaphore_mem>>)
        %dma_wait3A_370 = tpu.memref_slice %arg6[%mul3A_365, %mul3A_367] : memref<10000x256xf32, #tpu.memory_space<hbm>> -> memref<40x128xf32, #tpu.memory_space<hbm>>
        %dma_wait3A_371 = tpu.memref_slice %arg6[%mul3A_365, %mul3A_367] : memref<10000x256xf32, #tpu.memory_space<hbm>> -> memref<40x128xf32, #tpu.memory_space<hbm>>
        tpu.wait_dma2 semaphore(%run_scoped3A : memref<!tpu.dma_semaphore, #tpu.memory_space<semaphore_mem>>) src(%arg8 : memref<40x128xf32, #tpu.memory_space<vmem>>) dst(%dma_wait3A_371 : memref<40x128xf32, #tpu.memory_space<hbm>>)
        tpu.yield
      }) : () -> ()
    } else {
    }
    %add3A_301 = arith.constant 112 : i32
    %add3A_302 = arith.addi %arg1, %add3A_301 : i32
    %lt3A_303 = arith.constant 250 : i32
    %lt3A_304 = arith.cmpi slt, %add3A_302, %lt3A_303 : i32
    %convert_element_type3A_305 = arith.extui %lt3A_304 : i1 to i32
    %cond3A_306 = arith.constant 0 : i32
    %cond3A_307 = arith.cmpi ne, %convert_element_type3A_305, %cond3A_306 : i32
    scf.if %cond3A_307 {
      %mul3A_364 = arith.constant 40 : i32
      %mul3A_365 = arith.muli %add3A_302, %mul3A_364 : i32
      "tpu.region"() ({
        %run_scoped3A = tpu.sem_alloc : memref<!tpu.dma_semaphore, #tpu.memory_space<semaphore_mem>>
        %dma_start3A_368 = arith.constant 0 : i32
        %dma_start3A_369 = tpu.memref_slice %arg7[%mul3A_365, %dma_start3A_368] : memref<10000x128xf32, #tpu.memory_space<vmem_shared>> -> memref<40x128xf32, #tpu.memory_space<vmem_shared>>
        %dma_start3A_370 = arith.constant 0 : i32
        %dma_start3A_371 = tpu.memref_slice %arg7[%mul3A_365, %dma_start3A_370] : memref<10000x128xf32, #tpu.memory_space<vmem_shared>> -> memref<40x128xf32, #tpu.memory_space<vmem_shared>>
        tpu.enqueue_dma source(%dma_start3A_371 : memref<40x128xf32, #tpu.memory_space<vmem_shared>>) target(%arg8 : memref<40x128xf32, #tpu.memory_space<vmem>>) target_semaphore(%run_scoped3A : memref<!tpu.dma_semaphore, #tpu.memory_space<semaphore_mem>>)
        %dma_wait3A_372 = arith.constant 0 : i32
        %dma_wait3A_373 = tpu.memref_slice %arg7[%mul3A_365, %dma_wait3A_372] : memref<10000x128xf32, #tpu.memory_space<vmem_shared>> -> memref<40x128xf32, #tpu.memory_space<vmem_shared>>
        %dma_wait3A_374 = arith.constant 0 : i32
        %dma_wait3A_375 = tpu.memref_slice %arg7[%mul3A_365, %dma_wait3A_374] : memref<10000x128xf32, #tpu.memory_space<vmem_shared>> -> memref<40x128xf32, #tpu.memory_space<vmem_shared>>
        tpu.wait_dma2 semaphore(%run_scoped3A : memref<!tpu.dma_semaphore, #tpu.memory_space<semaphore_mem>>) src(%dma_wait3A_375 : memref<40x128xf32, #tpu.memory_space<vmem_shared>>) dst(%arg8 : memref<40x128xf32, #tpu.memory_space<vmem>>)
        tpu.yield
      }) : () -> ()
      %mul3A_366 = arith.constant 128 : i32
      %mul3A_367 = arith.muli %arg0, %mul3A_366 : i32
      "tpu.region"() ({
        %run_scoped3A = tpu.sem_alloc : memref<!tpu.dma_semaphore, #tpu.memory_space<semaphore_mem>>
        %dma_start3A_368 = tpu.memref_slice %arg6[%mul3A_365, %mul3A_367] : memref<10000x256xf32, #tpu.memory_space<hbm>> -> memref<40x128xf32, #tpu.memory_space<hbm>>
        %dma_start3A_369 = tpu.memref_slice %arg6[%mul3A_365, %mul3A_367] : memref<10000x256xf32, #tpu.memory_space<hbm>> -> memref<40x128xf32, #tpu.memory_space<hbm>>
        tpu.enqueue_dma source(%arg8 : memref<40x128xf32, #tpu.memory_space<vmem>>) target(%dma_start3A_369 : memref<40x128xf32, #tpu.memory_space<hbm>>) target_semaphore(%run_scoped3A : memref<!tpu.dma_semaphore, #tpu.memory_space<semaphore_mem>>)
        %dma_wait3A_370 = tpu.memref_slice %arg6[%mul3A_365, %mul3A_367] : memref<10000x256xf32, #tpu.memory_space<hbm>> -> memref<40x128xf32, #tpu.memory_space<hbm>>
        %dma_wait3A_371 = tpu.memref_slice %arg6[%mul3A_365, %mul3A_367] : memref<10000x256xf32, #tpu.memory_space<hbm>> -> memref<40x128xf32, #tpu.memory_space<hbm>>
        tpu.wait_dma2 semaphore(%run_scoped3A : memref<!tpu.dma_semaphore, #tpu.memory_space<semaphore_mem>>) src(%arg8 : memref<40x128xf32, #tpu.memory_space<vmem>>) dst(%dma_wait3A_371 : memref<40x128xf32, #tpu.memory_space<hbm>>)
        tpu.yield
      }) : () -> ()
    } else {
    }
    %add3A_308 = arith.constant 128 : i32
    %add3A_309 = arith.addi %arg1, %add3A_308 : i32
    %lt3A_310 = arith.constant 250 : i32
    %lt3A_311 = arith.cmpi slt, %add3A_309, %lt3A_310 : i32
    %convert_element_type3A_312 = arith.extui %lt3A_311 : i1 to i32
    %cond3A_313 = arith.constant 0 : i32
    %cond3A_314 = arith.cmpi ne, %convert_element_type3A_312, %cond3A_313 : i32
    scf.if %cond3A_314 {
      %mul3A_364 = arith.constant 40 : i32
      %mul3A_365 = arith.muli %add3A_309, %mul3A_364 : i32
      "tpu.region"() ({
        %run_scoped3A = tpu.sem_alloc : memref<!tpu.dma_semaphore, #tpu.memory_space<semaphore_mem>>
        %dma_start3A_368 = arith.constant 0 : i32
        %dma_start3A_369 = tpu.memref_slice %arg7[%mul3A_365, %dma_start3A_368] : memref<10000x128xf32, #tpu.memory_space<vmem_shared>> -> memref<40x128xf32, #tpu.memory_space<vmem_shared>>
        %dma_start3A_370 = arith.constant 0 : i32
        %dma_start3A_371 = tpu.memref_slice %arg7[%mul3A_365, %dma_start3A_370] : memref<10000x128xf32, #tpu.memory_space<vmem_shared>> -> memref<40x128xf32, #tpu.memory_space<vmem_shared>>
        tpu.enqueue_dma source(%dma_start3A_371 : memref<40x128xf32, #tpu.memory_space<vmem_shared>>) target(%arg8 : memref<40x128xf32, #tpu.memory_space<vmem>>) target_semaphore(%run_scoped3A : memref<!tpu.dma_semaphore, #tpu.memory_space<semaphore_mem>>)
        %dma_wait3A_372 = arith.constant 0 : i32
        %dma_wait3A_373 = tpu.memref_slice %arg7[%mul3A_365, %dma_wait3A_372] : memref<10000x128xf32, #tpu.memory_space<vmem_shared>> -> memref<40x128xf32, #tpu.memory_space<vmem_shared>>
        %dma_wait3A_374 = arith.constant 0 : i32
        %dma_wait3A_375 = tpu.memref_slice %arg7[%mul3A_365, %dma_wait3A_374] : memref<10000x128xf32, #tpu.memory_space<vmem_shared>> -> memref<40x128xf32, #tpu.memory_space<vmem_shared>>
        tpu.wait_dma2 semaphore(%run_scoped3A : memref<!tpu.dma_semaphore, #tpu.memory_space<semaphore_mem>>) src(%dma_wait3A_375 : memref<40x128xf32, #tpu.memory_space<vmem_shared>>) dst(%arg8 : memref<40x128xf32, #tpu.memory_space<vmem>>)
        tpu.yield
      }) : () -> ()
      %mul3A_366 = arith.constant 128 : i32
      %mul3A_367 = arith.muli %arg0, %mul3A_366 : i32
      "tpu.region"() ({
        %run_scoped3A = tpu.sem_alloc : memref<!tpu.dma_semaphore, #tpu.memory_space<semaphore_mem>>
        %dma_start3A_368 = tpu.memref_slice %arg6[%mul3A_365, %mul3A_367] : memref<10000x256xf32, #tpu.memory_space<hbm>> -> memref<40x128xf32, #tpu.memory_space<hbm>>
        %dma_start3A_369 = tpu.memref_slice %arg6[%mul3A_365, %mul3A_367] : memref<10000x256xf32, #tpu.memory_space<hbm>> -> memref<40x128xf32, #tpu.memory_space<hbm>>
        tpu.enqueue_dma source(%arg8 : memref<40x128xf32, #tpu.memory_space<vmem>>) target(%dma_start3A_369 : memref<40x128xf32, #tpu.memory_space<hbm>>) target_semaphore(%run_scoped3A : memref<!tpu.dma_semaphore, #tpu.memory_space<semaphore_mem>>)
        %dma_wait3A_370 = tpu.memref_slice %arg6[%mul3A_365, %mul3A_367] : memref<10000x256xf32, #tpu.memory_space<hbm>> -> memref<40x128xf32, #tpu.memory_space<hbm>>
        %dma_wait3A_371 = tpu.memref_slice %arg6[%mul3A_365, %mul3A_367] : memref<10000x256xf32, #tpu.memory_space<hbm>> -> memref<40x128xf32, #tpu.memory_space<hbm>>
        tpu.wait_dma2 semaphore(%run_scoped3A : memref<!tpu.dma_semaphore, #tpu.memory_space<semaphore_mem>>) src(%arg8 : memref<40x128xf32, #tpu.memory_space<vmem>>) dst(%dma_wait3A_371 : memref<40x128xf32, #tpu.memory_space<hbm>>)
        tpu.yield
      }) : () -> ()
    } else {
    }
    %add3A_315 = arith.constant 144 : i32
    %add3A_316 = arith.addi %arg1, %add3A_315 : i32
    %lt3A_317 = arith.constant 250 : i32
    %lt3A_318 = arith.cmpi slt, %add3A_316, %lt3A_317 : i32
    %convert_element_type3A_319 = arith.extui %lt3A_318 : i1 to i32
    %cond3A_320 = arith.constant 0 : i32
    %cond3A_321 = arith.cmpi ne, %convert_element_type3A_319, %cond3A_320 : i32
    scf.if %cond3A_321 {
      %mul3A_364 = arith.constant 40 : i32
      %mul3A_365 = arith.muli %add3A_316, %mul3A_364 : i32
      "tpu.region"() ({
        %run_scoped3A = tpu.sem_alloc : memref<!tpu.dma_semaphore, #tpu.memory_space<semaphore_mem>>
        %dma_start3A_368 = arith.constant 0 : i32
        %dma_start3A_369 = tpu.memref_slice %arg7[%mul3A_365, %dma_start3A_368] : memref<10000x128xf32, #tpu.memory_space<vmem_shared>> -> memref<40x128xf32, #tpu.memory_space<vmem_shared>>
        %dma_start3A_370 = arith.constant 0 : i32
        %dma_start3A_371 = tpu.memref_slice %arg7[%mul3A_365, %dma_start3A_370] : memref<10000x128xf32, #tpu.memory_space<vmem_shared>> -> memref<40x128xf32, #tpu.memory_space<vmem_shared>>
        tpu.enqueue_dma source(%dma_start3A_371 : memref<40x128xf32, #tpu.memory_space<vmem_shared>>) target(%arg8 : memref<40x128xf32, #tpu.memory_space<vmem>>) target_semaphore(%run_scoped3A : memref<!tpu.dma_semaphore, #tpu.memory_space<semaphore_mem>>)
        %dma_wait3A_372 = arith.constant 0 : i32
        %dma_wait3A_373 = tpu.memref_slice %arg7[%mul3A_365, %dma_wait3A_372] : memref<10000x128xf32, #tpu.memory_space<vmem_shared>> -> memref<40x128xf32, #tpu.memory_space<vmem_shared>>
        %dma_wait3A_374 = arith.constant 0 : i32
        %dma_wait3A_375 = tpu.memref_slice %arg7[%mul3A_365, %dma_wait3A_374] : memref<10000x128xf32, #tpu.memory_space<vmem_shared>> -> memref<40x128xf32, #tpu.memory_space<vmem_shared>>
        tpu.wait_dma2 semaphore(%run_scoped3A : memref<!tpu.dma_semaphore, #tpu.memory_space<semaphore_mem>>) src(%dma_wait3A_375 : memref<40x128xf32, #tpu.memory_space<vmem_shared>>) dst(%arg8 : memref<40x128xf32, #tpu.memory_space<vmem>>)
        tpu.yield
      }) : () -> ()
      %mul3A_366 = arith.constant 128 : i32
      %mul3A_367 = arith.muli %arg0, %mul3A_366 : i32
      "tpu.region"() ({
        %run_scoped3A = tpu.sem_alloc : memref<!tpu.dma_semaphore, #tpu.memory_space<semaphore_mem>>
        %dma_start3A_368 = tpu.memref_slice %arg6[%mul3A_365, %mul3A_367] : memref<10000x256xf32, #tpu.memory_space<hbm>> -> memref<40x128xf32, #tpu.memory_space<hbm>>
        %dma_start3A_369 = tpu.memref_slice %arg6[%mul3A_365, %mul3A_367] : memref<10000x256xf32, #tpu.memory_space<hbm>> -> memref<40x128xf32, #tpu.memory_space<hbm>>
        tpu.enqueue_dma source(%arg8 : memref<40x128xf32, #tpu.memory_space<vmem>>) target(%dma_start3A_369 : memref<40x128xf32, #tpu.memory_space<hbm>>) target_semaphore(%run_scoped3A : memref<!tpu.dma_semaphore, #tpu.memory_space<semaphore_mem>>)
        %dma_wait3A_370 = tpu.memref_slice %arg6[%mul3A_365, %mul3A_367] : memref<10000x256xf32, #tpu.memory_space<hbm>> -> memref<40x128xf32, #tpu.memory_space<hbm>>
        %dma_wait3A_371 = tpu.memref_slice %arg6[%mul3A_365, %mul3A_367] : memref<10000x256xf32, #tpu.memory_space<hbm>> -> memref<40x128xf32, #tpu.memory_space<hbm>>
        tpu.wait_dma2 semaphore(%run_scoped3A : memref<!tpu.dma_semaphore, #tpu.memory_space<semaphore_mem>>) src(%arg8 : memref<40x128xf32, #tpu.memory_space<vmem>>) dst(%dma_wait3A_371 : memref<40x128xf32, #tpu.memory_space<hbm>>)
        tpu.yield
      }) : () -> ()
    } else {
    }
    %add3A_322 = arith.constant 160 : i32
    %add3A_323 = arith.addi %arg1, %add3A_322 : i32
    %lt3A_324 = arith.constant 250 : i32
    %lt3A_325 = arith.cmpi slt, %add3A_323, %lt3A_324 : i32
    %convert_element_type3A_326 = arith.extui %lt3A_325 : i1 to i32
    %cond3A_327 = arith.constant 0 : i32
    %cond3A_328 = arith.cmpi ne, %convert_element_type3A_326, %cond3A_327 : i32
    scf.if %cond3A_328 {
      %mul3A_364 = arith.constant 40 : i32
      %mul3A_365 = arith.muli %add3A_323, %mul3A_364 : i32
      "tpu.region"() ({
        %run_scoped3A = tpu.sem_alloc : memref<!tpu.dma_semaphore, #tpu.memory_space<semaphore_mem>>
        %dma_start3A_368 = arith.constant 0 : i32
        %dma_start3A_369 = tpu.memref_slice %arg7[%mul3A_365, %dma_start3A_368] : memref<10000x128xf32, #tpu.memory_space<vmem_shared>> -> memref<40x128xf32, #tpu.memory_space<vmem_shared>>
        %dma_start3A_370 = arith.constant 0 : i32
        %dma_start3A_371 = tpu.memref_slice %arg7[%mul3A_365, %dma_start3A_370] : memref<10000x128xf32, #tpu.memory_space<vmem_shared>> -> memref<40x128xf32, #tpu.memory_space<vmem_shared>>
        tpu.enqueue_dma source(%dma_start3A_371 : memref<40x128xf32, #tpu.memory_space<vmem_shared>>) target(%arg8 : memref<40x128xf32, #tpu.memory_space<vmem>>) target_semaphore(%run_scoped3A : memref<!tpu.dma_semaphore, #tpu.memory_space<semaphore_mem>>)
        %dma_wait3A_372 = arith.constant 0 : i32
        %dma_wait3A_373 = tpu.memref_slice %arg7[%mul3A_365, %dma_wait3A_372] : memref<10000x128xf32, #tpu.memory_space<vmem_shared>> -> memref<40x128xf32, #tpu.memory_space<vmem_shared>>
        %dma_wait3A_374 = arith.constant 0 : i32
        %dma_wait3A_375 = tpu.memref_slice %arg7[%mul3A_365, %dma_wait3A_374] : memref<10000x128xf32, #tpu.memory_space<vmem_shared>> -> memref<40x128xf32, #tpu.memory_space<vmem_shared>>
        tpu.wait_dma2 semaphore(%run_scoped3A : memref<!tpu.dma_semaphore, #tpu.memory_space<semaphore_mem>>) src(%dma_wait3A_375 : memref<40x128xf32, #tpu.memory_space<vmem_shared>>) dst(%arg8 : memref<40x128xf32, #tpu.memory_space<vmem>>)
        tpu.yield
      }) : () -> ()
      %mul3A_366 = arith.constant 128 : i32
      %mul3A_367 = arith.muli %arg0, %mul3A_366 : i32
      "tpu.region"() ({
        %run_scoped3A = tpu.sem_alloc : memref<!tpu.dma_semaphore, #tpu.memory_space<semaphore_mem>>
        %dma_start3A_368 = tpu.memref_slice %arg6[%mul3A_365, %mul3A_367] : memref<10000x256xf32, #tpu.memory_space<hbm>> -> memref<40x128xf32, #tpu.memory_space<hbm>>
        %dma_start3A_369 = tpu.memref_slice %arg6[%mul3A_365, %mul3A_367] : memref<10000x256xf32, #tpu.memory_space<hbm>> -> memref<40x128xf32, #tpu.memory_space<hbm>>
        tpu.enqueue_dma source(%arg8 : memref<40x128xf32, #tpu.memory_space<vmem>>) target(%dma_start3A_369 : memref<40x128xf32, #tpu.memory_space<hbm>>) target_semaphore(%run_scoped3A : memref<!tpu.dma_semaphore, #tpu.memory_space<semaphore_mem>>)
        %dma_wait3A_370 = tpu.memref_slice %arg6[%mul3A_365, %mul3A_367] : memref<10000x256xf32, #tpu.memory_space<hbm>> -> memref<40x128xf32, #tpu.memory_space<hbm>>
        %dma_wait3A_371 = tpu.memref_slice %arg6[%mul3A_365, %mul3A_367] : memref<10000x256xf32, #tpu.memory_space<hbm>> -> memref<40x128xf32, #tpu.memory_space<hbm>>
        tpu.wait_dma2 semaphore(%run_scoped3A : memref<!tpu.dma_semaphore, #tpu.memory_space<semaphore_mem>>) src(%arg8 : memref<40x128xf32, #tpu.memory_space<vmem>>) dst(%dma_wait3A_371 : memref<40x128xf32, #tpu.memory_space<hbm>>)
        tpu.yield
      }) : () -> ()
    } else {
    }
    %add3A_329 = arith.constant 176 : i32
    %add3A_330 = arith.addi %arg1, %add3A_329 : i32
    %lt3A_331 = arith.constant 250 : i32
    %lt3A_332 = arith.cmpi slt, %add3A_330, %lt3A_331 : i32
    %convert_element_type3A_333 = arith.extui %lt3A_332 : i1 to i32
    %cond3A_334 = arith.constant 0 : i32
    %cond3A_335 = arith.cmpi ne, %convert_element_type3A_333, %cond3A_334 : i32
    scf.if %cond3A_335 {
      %mul3A_364 = arith.constant 40 : i32
      %mul3A_365 = arith.muli %add3A_330, %mul3A_364 : i32
      "tpu.region"() ({
        %run_scoped3A = tpu.sem_alloc : memref<!tpu.dma_semaphore, #tpu.memory_space<semaphore_mem>>
        %dma_start3A_368 = arith.constant 0 : i32
        %dma_start3A_369 = tpu.memref_slice %arg7[%mul3A_365, %dma_start3A_368] : memref<10000x128xf32, #tpu.memory_space<vmem_shared>> -> memref<40x128xf32, #tpu.memory_space<vmem_shared>>
        %dma_start3A_370 = arith.constant 0 : i32
        %dma_start3A_371 = tpu.memref_slice %arg7[%mul3A_365, %dma_start3A_370] : memref<10000x128xf32, #tpu.memory_space<vmem_shared>> -> memref<40x128xf32, #tpu.memory_space<vmem_shared>>
        tpu.enqueue_dma source(%dma_start3A_371 : memref<40x128xf32, #tpu.memory_space<vmem_shared>>) target(%arg8 : memref<40x128xf32, #tpu.memory_space<vmem>>) target_semaphore(%run_scoped3A : memref<!tpu.dma_semaphore, #tpu.memory_space<semaphore_mem>>)
        %dma_wait3A_372 = arith.constant 0 : i32
        %dma_wait3A_373 = tpu.memref_slice %arg7[%mul3A_365, %dma_wait3A_372] : memref<10000x128xf32, #tpu.memory_space<vmem_shared>> -> memref<40x128xf32, #tpu.memory_space<vmem_shared>>
        %dma_wait3A_374 = arith.constant 0 : i32
        %dma_wait3A_375 = tpu.memref_slice %arg7[%mul3A_365, %dma_wait3A_374] : memref<10000x128xf32, #tpu.memory_space<vmem_shared>> -> memref<40x128xf32, #tpu.memory_space<vmem_shared>>
        tpu.wait_dma2 semaphore(%run_scoped3A : memref<!tpu.dma_semaphore, #tpu.memory_space<semaphore_mem>>) src(%dma_wait3A_375 : memref<40x128xf32, #tpu.memory_space<vmem_shared>>) dst(%arg8 : memref<40x128xf32, #tpu.memory_space<vmem>>)
        tpu.yield
      }) : () -> ()
      %mul3A_366 = arith.constant 128 : i32
      %mul3A_367 = arith.muli %arg0, %mul3A_366 : i32
      "tpu.region"() ({
        %run_scoped3A = tpu.sem_alloc : memref<!tpu.dma_semaphore, #tpu.memory_space<semaphore_mem>>
        %dma_start3A_368 = tpu.memref_slice %arg6[%mul3A_365, %mul3A_367] : memref<10000x256xf32, #tpu.memory_space<hbm>> -> memref<40x128xf32, #tpu.memory_space<hbm>>
        %dma_start3A_369 = tpu.memref_slice %arg6[%mul3A_365, %mul3A_367] : memref<10000x256xf32, #tpu.memory_space<hbm>> -> memref<40x128xf32, #tpu.memory_space<hbm>>
        tpu.enqueue_dma source(%arg8 : memref<40x128xf32, #tpu.memory_space<vmem>>) target(%dma_start3A_369 : memref<40x128xf32, #tpu.memory_space<hbm>>) target_semaphore(%run_scoped3A : memref<!tpu.dma_semaphore, #tpu.memory_space<semaphore_mem>>)
        %dma_wait3A_370 = tpu.memref_slice %arg6[%mul3A_365, %mul3A_367] : memref<10000x256xf32, #tpu.memory_space<hbm>> -> memref<40x128xf32, #tpu.memory_space<hbm>>
        %dma_wait3A_371 = tpu.memref_slice %arg6[%mul3A_365, %mul3A_367] : memref<10000x256xf32, #tpu.memory_space<hbm>> -> memref<40x128xf32, #tpu.memory_space<hbm>>
        tpu.wait_dma2 semaphore(%run_scoped3A : memref<!tpu.dma_semaphore, #tpu.memory_space<semaphore_mem>>) src(%arg8 : memref<40x128xf32, #tpu.memory_space<vmem>>) dst(%dma_wait3A_371 : memref<40x128xf32, #tpu.memory_space<hbm>>)
        tpu.yield
      }) : () -> ()
    } else {
    }
    %add3A_336 = arith.constant 192 : i32
    %add3A_337 = arith.addi %arg1, %add3A_336 : i32
    %lt3A_338 = arith.constant 250 : i32
    %lt3A_339 = arith.cmpi slt, %add3A_337, %lt3A_338 : i32
    %convert_element_type3A_340 = arith.extui %lt3A_339 : i1 to i32
    %cond3A_341 = arith.constant 0 : i32
    %cond3A_342 = arith.cmpi ne, %convert_element_type3A_340, %cond3A_341 : i32
    scf.if %cond3A_342 {
      %mul3A_364 = arith.constant 40 : i32
      %mul3A_365 = arith.muli %add3A_337, %mul3A_364 : i32
      "tpu.region"() ({
        %run_scoped3A = tpu.sem_alloc : memref<!tpu.dma_semaphore, #tpu.memory_space<semaphore_mem>>
        %dma_start3A_368 = arith.constant 0 : i32
        %dma_start3A_369 = tpu.memref_slice %arg7[%mul3A_365, %dma_start3A_368] : memref<10000x128xf32, #tpu.memory_space<vmem_shared>> -> memref<40x128xf32, #tpu.memory_space<vmem_shared>>
        %dma_start3A_370 = arith.constant 0 : i32
        %dma_start3A_371 = tpu.memref_slice %arg7[%mul3A_365, %dma_start3A_370] : memref<10000x128xf32, #tpu.memory_space<vmem_shared>> -> memref<40x128xf32, #tpu.memory_space<vmem_shared>>
        tpu.enqueue_dma source(%dma_start3A_371 : memref<40x128xf32, #tpu.memory_space<vmem_shared>>) target(%arg8 : memref<40x128xf32, #tpu.memory_space<vmem>>) target_semaphore(%run_scoped3A : memref<!tpu.dma_semaphore, #tpu.memory_space<semaphore_mem>>)
        %dma_wait3A_372 = arith.constant 0 : i32
        %dma_wait3A_373 = tpu.memref_slice %arg7[%mul3A_365, %dma_wait3A_372] : memref<10000x128xf32, #tpu.memory_space<vmem_shared>> -> memref<40x128xf32, #tpu.memory_space<vmem_shared>>
        %dma_wait3A_374 = arith.constant 0 : i32
        %dma_wait3A_375 = tpu.memref_slice %arg7[%mul3A_365, %dma_wait3A_374] : memref<10000x128xf32, #tpu.memory_space<vmem_shared>> -> memref<40x128xf32, #tpu.memory_space<vmem_shared>>
        tpu.wait_dma2 semaphore(%run_scoped3A : memref<!tpu.dma_semaphore, #tpu.memory_space<semaphore_mem>>) src(%dma_wait3A_375 : memref<40x128xf32, #tpu.memory_space<vmem_shared>>) dst(%arg8 : memref<40x128xf32, #tpu.memory_space<vmem>>)
        tpu.yield
      }) : () -> ()
      %mul3A_366 = arith.constant 128 : i32
      %mul3A_367 = arith.muli %arg0, %mul3A_366 : i32
      "tpu.region"() ({
        %run_scoped3A = tpu.sem_alloc : memref<!tpu.dma_semaphore, #tpu.memory_space<semaphore_mem>>
        %dma_start3A_368 = tpu.memref_slice %arg6[%mul3A_365, %mul3A_367] : memref<10000x256xf32, #tpu.memory_space<hbm>> -> memref<40x128xf32, #tpu.memory_space<hbm>>
        %dma_start3A_369 = tpu.memref_slice %arg6[%mul3A_365, %mul3A_367] : memref<10000x256xf32, #tpu.memory_space<hbm>> -> memref<40x128xf32, #tpu.memory_space<hbm>>
        tpu.enqueue_dma source(%arg8 : memref<40x128xf32, #tpu.memory_space<vmem>>) target(%dma_start3A_369 : memref<40x128xf32, #tpu.memory_space<hbm>>) target_semaphore(%run_scoped3A : memref<!tpu.dma_semaphore, #tpu.memory_space<semaphore_mem>>)
        %dma_wait3A_370 = tpu.memref_slice %arg6[%mul3A_365, %mul3A_367] : memref<10000x256xf32, #tpu.memory_space<hbm>> -> memref<40x128xf32, #tpu.memory_space<hbm>>
        %dma_wait3A_371 = tpu.memref_slice %arg6[%mul3A_365, %mul3A_367] : memref<10000x256xf32, #tpu.memory_space<hbm>> -> memref<40x128xf32, #tpu.memory_space<hbm>>
        tpu.wait_dma2 semaphore(%run_scoped3A : memref<!tpu.dma_semaphore, #tpu.memory_space<semaphore_mem>>) src(%arg8 : memref<40x128xf32, #tpu.memory_space<vmem>>) dst(%dma_wait3A_371 : memref<40x128xf32, #tpu.memory_space<hbm>>)
        tpu.yield
      }) : () -> ()
    } else {
    }
    %add3A_343 = arith.constant 208 : i32
    %add3A_344 = arith.addi %arg1, %add3A_343 : i32
    %lt3A_345 = arith.constant 250 : i32
    %lt3A_346 = arith.cmpi slt, %add3A_344, %lt3A_345 : i32
    %convert_element_type3A_347 = arith.extui %lt3A_346 : i1 to i32
    %cond3A_348 = arith.constant 0 : i32
    %cond3A_349 = arith.cmpi ne, %convert_element_type3A_347, %cond3A_348 : i32
    scf.if %cond3A_349 {
      %mul3A_364 = arith.constant 40 : i32
      %mul3A_365 = arith.muli %add3A_344, %mul3A_364 : i32
      "tpu.region"() ({
        %run_scoped3A = tpu.sem_alloc : memref<!tpu.dma_semaphore, #tpu.memory_space<semaphore_mem>>
        %dma_start3A_368 = arith.constant 0 : i32
        %dma_start3A_369 = tpu.memref_slice %arg7[%mul3A_365, %dma_start3A_368] : memref<10000x128xf32, #tpu.memory_space<vmem_shared>> -> memref<40x128xf32, #tpu.memory_space<vmem_shared>>
        %dma_start3A_370 = arith.constant 0 : i32
        %dma_start3A_371 = tpu.memref_slice %arg7[%mul3A_365, %dma_start3A_370] : memref<10000x128xf32, #tpu.memory_space<vmem_shared>> -> memref<40x128xf32, #tpu.memory_space<vmem_shared>>
        tpu.enqueue_dma source(%dma_start3A_371 : memref<40x128xf32, #tpu.memory_space<vmem_shared>>) target(%arg8 : memref<40x128xf32, #tpu.memory_space<vmem>>) target_semaphore(%run_scoped3A : memref<!tpu.dma_semaphore, #tpu.memory_space<semaphore_mem>>)
        %dma_wait3A_372 = arith.constant 0 : i32
        %dma_wait3A_373 = tpu.memref_slice %arg7[%mul3A_365, %dma_wait3A_372] : memref<10000x128xf32, #tpu.memory_space<vmem_shared>> -> memref<40x128xf32, #tpu.memory_space<vmem_shared>>
        %dma_wait3A_374 = arith.constant 0 : i32
        %dma_wait3A_375 = tpu.memref_slice %arg7[%mul3A_365, %dma_wait3A_374] : memref<10000x128xf32, #tpu.memory_space<vmem_shared>> -> memref<40x128xf32, #tpu.memory_space<vmem_shared>>
        tpu.wait_dma2 semaphore(%run_scoped3A : memref<!tpu.dma_semaphore, #tpu.memory_space<semaphore_mem>>) src(%dma_wait3A_375 : memref<40x128xf32, #tpu.memory_space<vmem_shared>>) dst(%arg8 : memref<40x128xf32, #tpu.memory_space<vmem>>)
        tpu.yield
      }) : () -> ()
      %mul3A_366 = arith.constant 128 : i32
      %mul3A_367 = arith.muli %arg0, %mul3A_366 : i32
      "tpu.region"() ({
        %run_scoped3A = tpu.sem_alloc : memref<!tpu.dma_semaphore, #tpu.memory_space<semaphore_mem>>
        %dma_start3A_368 = tpu.memref_slice %arg6[%mul3A_365, %mul3A_367] : memref<10000x256xf32, #tpu.memory_space<hbm>> -> memref<40x128xf32, #tpu.memory_space<hbm>>
        %dma_start3A_369 = tpu.memref_slice %arg6[%mul3A_365, %mul3A_367] : memref<10000x256xf32, #tpu.memory_space<hbm>> -> memref<40x128xf32, #tpu.memory_space<hbm>>
        tpu.enqueue_dma source(%arg8 : memref<40x128xf32, #tpu.memory_space<vmem>>) target(%dma_start3A_369 : memref<40x128xf32, #tpu.memory_space<hbm>>) target_semaphore(%run_scoped3A : memref<!tpu.dma_semaphore, #tpu.memory_space<semaphore_mem>>)
        %dma_wait3A_370 = tpu.memref_slice %arg6[%mul3A_365, %mul3A_367] : memref<10000x256xf32, #tpu.memory_space<hbm>> -> memref<40x128xf32, #tpu.memory_space<hbm>>
        %dma_wait3A_371 = tpu.memref_slice %arg6[%mul3A_365, %mul3A_367] : memref<10000x256xf32, #tpu.memory_space<hbm>> -> memref<40x128xf32, #tpu.memory_space<hbm>>
        tpu.wait_dma2 semaphore(%run_scoped3A : memref<!tpu.dma_semaphore, #tpu.memory_space<semaphore_mem>>) src(%arg8 : memref<40x128xf32, #tpu.memory_space<vmem>>) dst(%dma_wait3A_371 : memref<40x128xf32, #tpu.memory_space<hbm>>)
        tpu.yield
      }) : () -> ()
    } else {
    }
    %add3A_350 = arith.constant 224 : i32
    %add3A_351 = arith.addi %arg1, %add3A_350 : i32
    %lt3A_352 = arith.constant 250 : i32
    %lt3A_353 = arith.cmpi slt, %add3A_351, %lt3A_352 : i32
    %convert_element_type3A_354 = arith.extui %lt3A_353 : i1 to i32
    %cond3A_355 = arith.constant 0 : i32
    %cond3A_356 = arith.cmpi ne, %convert_element_type3A_354, %cond3A_355 : i32
    scf.if %cond3A_356 {
      %mul3A_364 = arith.constant 40 : i32
      %mul3A_365 = arith.muli %add3A_351, %mul3A_364 : i32
      "tpu.region"() ({
        %run_scoped3A = tpu.sem_alloc : memref<!tpu.dma_semaphore, #tpu.memory_space<semaphore_mem>>
        %dma_start3A_368 = arith.constant 0 : i32
        %dma_start3A_369 = tpu.memref_slice %arg7[%mul3A_365, %dma_start3A_368] : memref<10000x128xf32, #tpu.memory_space<vmem_shared>> -> memref<40x128xf32, #tpu.memory_space<vmem_shared>>
        %dma_start3A_370 = arith.constant 0 : i32
        %dma_start3A_371 = tpu.memref_slice %arg7[%mul3A_365, %dma_start3A_370] : memref<10000x128xf32, #tpu.memory_space<vmem_shared>> -> memref<40x128xf32, #tpu.memory_space<vmem_shared>>
        tpu.enqueue_dma source(%dma_start3A_371 : memref<40x128xf32, #tpu.memory_space<vmem_shared>>) target(%arg8 : memref<40x128xf32, #tpu.memory_space<vmem>>) target_semaphore(%run_scoped3A : memref<!tpu.dma_semaphore, #tpu.memory_space<semaphore_mem>>)
        %dma_wait3A_372 = arith.constant 0 : i32
        %dma_wait3A_373 = tpu.memref_slice %arg7[%mul3A_365, %dma_wait3A_372] : memref<10000x128xf32, #tpu.memory_space<vmem_shared>> -> memref<40x128xf32, #tpu.memory_space<vmem_shared>>
        %dma_wait3A_374 = arith.constant 0 : i32
        %dma_wait3A_375 = tpu.memref_slice %arg7[%mul3A_365, %dma_wait3A_374] : memref<10000x128xf32, #tpu.memory_space<vmem_shared>> -> memref<40x128xf32, #tpu.memory_space<vmem_shared>>
        tpu.wait_dma2 semaphore(%run_scoped3A : memref<!tpu.dma_semaphore, #tpu.memory_space<semaphore_mem>>) src(%dma_wait3A_375 : memref<40x128xf32, #tpu.memory_space<vmem_shared>>) dst(%arg8 : memref<40x128xf32, #tpu.memory_space<vmem>>)
        tpu.yield
      }) : () -> ()
      %mul3A_366 = arith.constant 128 : i32
      %mul3A_367 = arith.muli %arg0, %mul3A_366 : i32
      "tpu.region"() ({
        %run_scoped3A = tpu.sem_alloc : memref<!tpu.dma_semaphore, #tpu.memory_space<semaphore_mem>>
        %dma_start3A_368 = tpu.memref_slice %arg6[%mul3A_365, %mul3A_367] : memref<10000x256xf32, #tpu.memory_space<hbm>> -> memref<40x128xf32, #tpu.memory_space<hbm>>
        %dma_start3A_369 = tpu.memref_slice %arg6[%mul3A_365, %mul3A_367] : memref<10000x256xf32, #tpu.memory_space<hbm>> -> memref<40x128xf32, #tpu.memory_space<hbm>>
        tpu.enqueue_dma source(%arg8 : memref<40x128xf32, #tpu.memory_space<vmem>>) target(%dma_start3A_369 : memref<40x128xf32, #tpu.memory_space<hbm>>) target_semaphore(%run_scoped3A : memref<!tpu.dma_semaphore, #tpu.memory_space<semaphore_mem>>)
        %dma_wait3A_370 = tpu.memref_slice %arg6[%mul3A_365, %mul3A_367] : memref<10000x256xf32, #tpu.memory_space<hbm>> -> memref<40x128xf32, #tpu.memory_space<hbm>>
        %dma_wait3A_371 = tpu.memref_slice %arg6[%mul3A_365, %mul3A_367] : memref<10000x256xf32, #tpu.memory_space<hbm>> -> memref<40x128xf32, #tpu.memory_space<hbm>>
        tpu.wait_dma2 semaphore(%run_scoped3A : memref<!tpu.dma_semaphore, #tpu.memory_space<semaphore_mem>>) src(%arg8 : memref<40x128xf32, #tpu.memory_space<vmem>>) dst(%dma_wait3A_371 : memref<40x128xf32, #tpu.memory_space<hbm>>)
        tpu.yield
      }) : () -> ()
    } else {
    }
    %add3A_357 = arith.constant 240 : i32
    %add3A_358 = arith.addi %arg1, %add3A_357 : i32
    %lt3A_359 = arith.constant 250 : i32
    %lt3A_360 = arith.cmpi slt, %add3A_358, %lt3A_359 : i32
    %convert_element_type3A_361 = arith.extui %lt3A_360 : i1 to i32
    %cond3A_362 = arith.constant 0 : i32
    %cond3A_363 = arith.cmpi ne, %convert_element_type3A_361, %cond3A_362 : i32
    scf.if %cond3A_363 {
      %mul3A_364 = arith.constant 40 : i32
      %mul3A_365 = arith.muli %add3A_358, %mul3A_364 : i32
      "tpu.region"() ({
        %run_scoped3A = tpu.sem_alloc : memref<!tpu.dma_semaphore, #tpu.memory_space<semaphore_mem>>
        %dma_start3A_368 = arith.constant 0 : i32
        %dma_start3A_369 = tpu.memref_slice %arg7[%mul3A_365, %dma_start3A_368] : memref<10000x128xf32, #tpu.memory_space<vmem_shared>> -> memref<40x128xf32, #tpu.memory_space<vmem_shared>>
        %dma_start3A_370 = arith.constant 0 : i32
        %dma_start3A_371 = tpu.memref_slice %arg7[%mul3A_365, %dma_start3A_370] : memref<10000x128xf32, #tpu.memory_space<vmem_shared>> -> memref<40x128xf32, #tpu.memory_space<vmem_shared>>
        tpu.enqueue_dma source(%dma_start3A_371 : memref<40x128xf32, #tpu.memory_space<vmem_shared>>) target(%arg8 : memref<40x128xf32, #tpu.memory_space<vmem>>) target_semaphore(%run_scoped3A : memref<!tpu.dma_semaphore, #tpu.memory_space<semaphore_mem>>)
        %dma_wait3A_372 = arith.constant 0 : i32
        %dma_wait3A_373 = tpu.memref_slice %arg7[%mul3A_365, %dma_wait3A_372] : memref<10000x128xf32, #tpu.memory_space<vmem_shared>> -> memref<40x128xf32, #tpu.memory_space<vmem_shared>>
        %dma_wait3A_374 = arith.constant 0 : i32
        %dma_wait3A_375 = tpu.memref_slice %arg7[%mul3A_365, %dma_wait3A_374] : memref<10000x128xf32, #tpu.memory_space<vmem_shared>> -> memref<40x128xf32, #tpu.memory_space<vmem_shared>>
        tpu.wait_dma2 semaphore(%run_scoped3A : memref<!tpu.dma_semaphore, #tpu.memory_space<semaphore_mem>>) src(%dma_wait3A_375 : memref<40x128xf32, #tpu.memory_space<vmem_shared>>) dst(%arg8 : memref<40x128xf32, #tpu.memory_space<vmem>>)
        tpu.yield
      }) : () -> ()
      %mul3A_366 = arith.constant 128 : i32
      %mul3A_367 = arith.muli %arg0, %mul3A_366 : i32
      "tpu.region"() ({
        %run_scoped3A = tpu.sem_alloc : memref<!tpu.dma_semaphore, #tpu.memory_space<semaphore_mem>>
        %dma_start3A_368 = tpu.memref_slice %arg6[%mul3A_365, %mul3A_367] : memref<10000x256xf32, #tpu.memory_space<hbm>> -> memref<40x128xf32, #tpu.memory_space<hbm>>
        %dma_start3A_369 = tpu.memref_slice %arg6[%mul3A_365, %mul3A_367] : memref<10000x256xf32, #tpu.memory_space<hbm>> -> memref<40x128xf32, #tpu.memory_space<hbm>>
        tpu.enqueue_dma source(%arg8 : memref<40x128xf32, #tpu.memory_space<vmem>>) target(%dma_start3A_369 : memref<40x128xf32, #tpu.memory_space<hbm>>) target_semaphore(%run_scoped3A : memref<!tpu.dma_semaphore, #tpu.memory_space<semaphore_mem>>)
        %dma_wait3A_370 = tpu.memref_slice %arg6[%mul3A_365, %mul3A_367] : memref<10000x256xf32, #tpu.memory_space<hbm>> -> memref<40x128xf32, #tpu.memory_space<hbm>>
        %dma_wait3A_371 = tpu.memref_slice %arg6[%mul3A_365, %mul3A_367] : memref<10000x256xf32, #tpu.memory_space<hbm>> -> memref<40x128xf32, #tpu.memory_space<hbm>>
        tpu.wait_dma2 semaphore(%run_scoped3A : memref<!tpu.dma_semaphore, #tpu.memory_space<semaphore_mem>>) src(%arg8 : memref<40x128xf32, #tpu.memory_space<vmem>>) dst(%dma_wait3A_371 : memref<40x128xf32, #tpu.memory_space<hbm>>)
        tpu.yield
      }) : () -> ()
    } else {
    }
    return
  }
}

module attributes {stable_mosaic.version = 14 : i64} {
  func.func @_h_body(%arg0: i32, %arg1: memref<2000x64xf32, #tpu.memory_space<vmem>>, %arg2: memref<64x64xf32, #tpu.memory_space<vmem>>, %arg3: memref<2000x64xf32, #tpu.memory_space<vmem>>) attributes {dimension_semantics = [#tpu.dimension_semantics<arbitrary>], iteration_bounds = array<i64: 5>, scalar_prefetch = 0 : i64, scratch_operands = 0 : i64, tpu.core_type = #tpu.core_type<tc>, window_params = [{transform_indices = @transform_0, window_bounds = array<i64: 2000, 64>}, {pipeline_mode = #tpu.pipeline_mode<synchronous>, transform_indices = @transform_1, window_bounds = array<i64: 64, 64>}, {transform_indices = @transform_2, window_bounds = array<i64: 2000, 64>}]} {
    %get3A = arith.constant 0 : index
    %get3A_0 = arith.constant 0 : index
    %get3A_1 = vector.load %arg1[%get3A, %get3A_0] : memref<2000x64xf32, #tpu.memory_space<vmem>>, vector<2000x64xf32>
    %get3A_2 = arith.constant 0 : index
    %get3A_3 = arith.constant 0 : index
    %get3A_4 = vector.load %arg2[%get3A_2, %get3A_3] : memref<64x64xf32, #tpu.memory_space<vmem>>, vector<64x64xf32>
    %dot_general3A = arith.constant dense<0.000000e+00> : vector<2000x64xf32>
    %dot_general3A_5 = tpu.matmul %get3A_1, %get3A_4, %dot_general3A {dimension_numbers = #tpu.dot_dimension_numbers<[1], [0], [0], [1], [0, 0, 1, 1], [], []>, transpose_lhs_hint = false} : vector<2000x64xf32>, vector<64x64xf32>, vector<2000x64xf32> -> vector<2000x64xf32>
    %swap3A = arith.constant 0 : index
    %swap3A_6 = arith.constant 0 : index
    %swap3A_7 = vector.load %arg3[%swap3A, %swap3A_6] : memref<2000x64xf32, #tpu.memory_space<vmem>>, vector<2000x64xf32>
    tpu.vector_store %arg3[%swap3A, %swap3A_6], %dot_general3A_5 {strides = array<i32>} : memref<2000x64xf32, #tpu.memory_space<vmem>>, vector<2000x64xf32>,
    return
  }
  func.func @transform_0(%arg0: i32) -> (i32, i32) {
    %c0_i32 = arith.constant 0 : i32
    %c0_i32_0 = arith.constant 0 : i32
    return %arg0, %c0_i32 : i32, i32
  }
  func.func @transform_1(%arg0: i32) -> (i32, i32) {
    %c0_i32 = arith.constant 0 : i32
    %c0_i32_0 = arith.constant 0 : i32
    %c0_i32_1 = arith.constant 0 : i32
    return %c0_i32, %c0_i32_0 : i32, i32
  }
  func.func @transform_2(%arg0: i32) -> (i32, i32) {
    %c0_i32 = arith.constant 0 : i32
    %c0_i32_0 = arith.constant 0 : i32
    return %arg0, %c0_i32 : i32, i32
  }
}

module attributes {stable_mosaic.version = 14 : i64} {
  func.func @_edge_body(%arg0: i32, %arg1: memref<2048x8xf32, #tpu.memory_space<vmem>>, %arg2: memref<2048xf32, #tpu.memory_space<vmem>>, %arg3: memref<2048xf32, #tpu.memory_space<vmem>>, %arg4: memref<2048xf32, #tpu.memory_space<vmem>>, %arg5: memref<8x64xf32, #tpu.memory_space<vmem>>, %arg6: memref<64x64xf32, #tpu.memory_space<vmem>>, %arg7: memref<64x64xf32, #tpu.memory_space<vmem>>, %arg8: memref<64x128xf32, #tpu.memory_space<vmem>>, %arg9: memref<2048x128xf32, #tpu.memory_space<vmem>>, %arg10: memref<2048x128xf32, #tpu.memory_space<vmem>>) attributes {dimension_semantics = [#tpu.dimension_semantics<arbitrary>], iteration_bounds = array<i64: 79>, scalar_prefetch = 0 : i64, scratch_operands = 0 : i64, tpu.core_type = #tpu.core_type<tc>, window_params = [{transform_indices = @transform_0, window_bounds = array<i64: 2048, 8>}, {transform_indices = @transform_1, window_bounds = array<i64: 2048>}, {transform_indices = @transform_2, window_bounds = array<i64: 2048>}, {transform_indices = @transform_3, window_bounds = array<i64: 2048>}, {pipeline_mode = #tpu.pipeline_mode<synchronous>, transform_indices = @transform_4, window_bounds = array<i64: 8, 64>}, {pipeline_mode = #tpu.pipeline_mode<synchronous>, transform_indices = @transform_5, window_bounds = array<i64: 64, 64>}, {pipeline_mode = #tpu.pipeline_mode<synchronous>, transform_indices = @transform_6, window_bounds = array<i64: 64, 64>}, {pipeline_mode = #tpu.pipeline_mode<synchronous>, transform_indices = @transform_7, window_bounds = array<i64: 64, 128>}, {transform_indices = @transform_8, window_bounds = array<i64: 2048, 128>}, {transform_indices = @transform_9, window_bounds = array<i64: 2048, 128>}]} {
    %get3A = arith.constant 0 : index
    %get3A_0 = arith.constant 0 : index
    %get3A_1 = vector.load %arg1[%get3A, %get3A_0] : memref<2048x8xf32, #tpu.memory_space<vmem>>, vector<2048x8xf32>
    %get3A_2 = arith.constant 0 : index
    %get3A_3 = arith.constant 0 : index
    %get3A_4 = vector.load %arg5[%get3A_2, %get3A_3] : memref<8x64xf32, #tpu.memory_space<vmem>>, vector<8x64xf32>
    %dot_general3A = arith.constant dense<0.000000e+00> : vector<2048x64xf32>
    %dot_general3A_5 = tpu.matmul %get3A_1, %get3A_4, %dot_general3A {dimension_numbers = #tpu.dot_dimension_numbers<[1], [0], [0], [1], [0, 0, 1, 1], [], []>, transpose_lhs_hint = false} : vector<2048x8xf32>, vector<8x64xf32>, vector<2048x64xf32> -> vector<2048x64xf32>
    %logistic3A = arith.negf %dot_general3A_5 : vector<2048x64xf32>
    %logistic3A_6 = math.exp %logistic3A : vector<2048x64xf32>
    %logistic3A_7 = arith.constant 1.000000e+00 : f32
    %logistic3A_8 = vector.broadcast %logistic3A_7 : f32 to vector<2048x64xf32>
    %logistic3A_9 = arith.addf %logistic3A_8, %logistic3A_6 : vector<2048x64xf32>
    %logistic3A_10 = arith.divf %logistic3A_8, %logistic3A_9 : vector<2048x64xf32>
    %mul3A = arith.mulf %dot_general3A_5, %logistic3A_10 : vector<2048x64xf32>
    %get3A_11 = arith.constant 0 : index
    %get3A_12 = arith.constant 0 : index
    %get3A_13 = vector.load %arg6[%get3A_11, %get3A_12] : memref<64x64xf32, #tpu.memory_space<vmem>>, vector<64x64xf32>
    %dot_general3A_14 = arith.constant dense<0.000000e+00> : vector<2048x64xf32>
    %dot_general3A_15 = tpu.matmul %mul3A, %get3A_13, %dot_general3A_14 {dimension_numbers = #tpu.dot_dimension_numbers<[1], [0], [0], [1], [0, 0, 1, 1], [], []>, transpose_lhs_hint = false} : vector<2048x64xf32>, vector<64x64xf32>, vector<2048x64xf32> -> vector<2048x64xf32>
    %logistic3A_16 = arith.negf %dot_general3A_15 : vector<2048x64xf32>
    %logistic3A_17 = math.exp %logistic3A_16 : vector<2048x64xf32>
    %logistic3A_18 = arith.constant 1.000000e+00 : f32
    %logistic3A_19 = vector.broadcast %logistic3A_18 : f32 to vector<2048x64xf32>
    %logistic3A_20 = arith.addf %logistic3A_19, %logistic3A_17 : vector<2048x64xf32>
    %logistic3A_21 = arith.divf %logistic3A_19, %logistic3A_20 : vector<2048x64xf32>
    %mul3A_22 = arith.mulf %dot_general3A_15, %logistic3A_21 : vector<2048x64xf32>
    %get3A_23 = arith.constant 0 : index
    %get3A_24 = arith.constant 0 : index
    %get3A_25 = vector.load %arg7[%get3A_23, %get3A_24] : memref<64x64xf32, #tpu.memory_space<vmem>>, vector<64x64xf32>
    %dot_general3A_26 = arith.constant dense<0.000000e+00> : vector<2048x64xf32>
    %dot_general3A_27 = tpu.matmul %mul3A_22, %get3A_25, %dot_general3A_26 {dimension_numbers = #tpu.dot_dimension_numbers<[1], [0], [0], [1], [0, 0, 1, 1], [], []>, transpose_lhs_hint = false} : vector<2048x64xf32>, vector<64x64xf32>, vector<2048x64xf32> -> vector<2048x64xf32>
    %logistic3A_28 = arith.negf %dot_general3A_27 : vector<2048x64xf32>
    %logistic3A_29 = math.exp %logistic3A_28 : vector<2048x64xf32>
    %logistic3A_30 = arith.constant 1.000000e+00 : f32
    %logistic3A_31 = vector.broadcast %logistic3A_30 : f32 to vector<2048x64xf32>
    %logistic3A_32 = arith.addf %logistic3A_31, %logistic3A_29 : vector<2048x64xf32>
    %logistic3A_33 = arith.divf %logistic3A_31, %logistic3A_32 : vector<2048x64xf32>
    %mul3A_34 = arith.mulf %dot_general3A_27, %logistic3A_33 : vector<2048x64xf32>
    %get3A_35 = arith.constant 0 : index
    %get3A_36 = arith.constant 0 : index
    %get3A_37 = vector.load %arg8[%get3A_35, %get3A_36] : memref<64x128xf32, #tpu.memory_space<vmem>>, vector<64x128xf32>
    %dot_general3A_38 = arith.constant dense<0.000000e+00> : vector<2048x128xf32>
    %dot_general3A_39 = tpu.matmul %mul3A_34, %get3A_37, %dot_general3A_38 {dimension_numbers = #tpu.dot_dimension_numbers<[1], [0], [0], [1], [0, 0, 1, 1], [], []>, transpose_lhs_hint = false} : vector<2048x64xf32>, vector<64x128xf32>, vector<2048x128xf32> -> vector<2048x128xf32>
    %slice3A = vector.extract_strided_slice %dot_general3A_39 {offsets = [0, 0], sizes = [2048, 64], strides = [1, 1]} : vector<2048x128xf32> to vector<2048x64xf32>
    %slice3A_40 = vector.extract_strided_slice %dot_general3A_39 {offsets = [0, 64], sizes = [2048, 64], strides = [1, 1]} : vector<2048x128xf32> to vector<2048x64xf32>
    %get3A_41 = arith.constant 0 : index
    %get3A_42 = vector.load %arg2[%get3A_41] : memref<2048xf32, #tpu.memory_space<vmem>>, vector<2048xf32>
    %get3A_43 = arith.constant 0 : index
    %get3A_44 = vector.load %arg3[%get3A_43] : memref<2048xf32, #tpu.memory_space<vmem>>, vector<2048xf32>
    %get3A_45 = arith.constant 0 : index
    %get3A_46 = vector.load %arg4[%get3A_45] : memref<2048xf32, #tpu.memory_space<vmem>>, vector<2048xf32>
    %mul3A_47 = arith.mulf %get3A_42, %get3A_42 : vector<2048xf32>
    %mul3A_48 = arith.mulf %get3A_44, %get3A_44 : vector<2048xf32>
    %add3A = arith.addf %mul3A_47, %mul3A_48 : vector<2048xf32>
    %mul3A_49 = arith.mulf %get3A_46, %get3A_46 : vector<2048xf32>
    %add3A_50 = arith.addf %add3A, %mul3A_49 : vector<2048xf32>
    %add3A_51 = arith.constant 9.99999996E-13 : f32
    %add3A_52 = vector.broadcast %add3A_51 : f32 to vector<2048xf32>
    %add3A_53 = arith.addf %add3A_50, %add3A_52 : vector<2048xf32>
    %rsqrt3A = math.rsqrt %add3A_53 : vector<2048xf32>
    %mul3A_54 = arith.constant 0.488602519 : f32
    %mul3A_55 = vector.broadcast %mul3A_54 : f32 to vector<2048xf32>
    %mul3A_56 = arith.mulf %rsqrt3A, %mul3A_55 : vector<2048xf32>
    %swap3A = arith.constant 0 : index
    %swap3A_57 = arith.constant 0 : index
    %swap3A_58 = vector.load %arg9[%swap3A, %swap3A_57] : memref<2048x128xf32, #tpu.memory_space<vmem>>, vector<2048x64xf32>
    tpu.vector_store %arg9[%swap3A, %swap3A_57], %slice3A {strides = array<i32>} : memref<2048x128xf32, #tpu.memory_space<vmem>>, vector<2048x64xf32>,
    %mul3A_59 = arith.mulf %get3A_42, %mul3A_56 : vector<2048xf32>
    %broadcast_in_dim3A = vector.shape_cast %mul3A_59 : vector<2048xf32> to vector<2048x1xf32>
    %mul3A_60 = vector.broadcast %broadcast_in_dim3A : vector<2048x1xf32> to vector<2048x64xf32>
    %mul3A_61 = arith.mulf %slice3A_40, %mul3A_60 : vector<2048x64xf32>
    %swap3A_62 = arith.constant 0 : index
    %swap3A_63 = arith.constant 64 : index
    %swap3A_64 = vector.load %arg9[%swap3A_62, %swap3A_63] : memref<2048x128xf32, #tpu.memory_space<vmem>>, vector<2048x64xf32>
    tpu.vector_store %arg9[%swap3A_62, %swap3A_63], %mul3A_61 {strides = array<i32>} : memref<2048x128xf32, #tpu.memory_space<vmem>>, vector<2048x64xf32>,
    %mul3A_65 = arith.mulf %get3A_44, %mul3A_56 : vector<2048xf32>
    %broadcast_in_dim3A_66 = vector.shape_cast %mul3A_65 : vector<2048xf32> to vector<2048x1xf32>
    %mul3A_67 = vector.broadcast %broadcast_in_dim3A_66 : vector<2048x1xf32> to vector<2048x64xf32>
    %mul3A_68 = arith.mulf %slice3A_40, %mul3A_67 : vector<2048x64xf32>
    %swap3A_69 = arith.constant 0 : index
    %swap3A_70 = arith.constant 0 : index
    %swap3A_71 = vector.load %arg10[%swap3A_69, %swap3A_70] : memref<2048x128xf32, #tpu.memory_space<vmem>>, vector<2048x64xf32>
    tpu.vector_store %arg10[%swap3A_69, %swap3A_70], %mul3A_68 {strides = array<i32>} : memref<2048x128xf32, #tpu.memory_space<vmem>>, vector<2048x64xf32>,
    %mul3A_72 = arith.mulf %get3A_46, %mul3A_56 : vector<2048xf32>
    %broadcast_in_dim3A_73 = vector.shape_cast %mul3A_72 : vector<2048xf32> to vector<2048x1xf32>
    %mul3A_74 = vector.broadcast %broadcast_in_dim3A_73 : vector<2048x1xf32> to vector<2048x64xf32>
    %mul3A_75 = arith.mulf %slice3A_40, %mul3A_74 : vector<2048x64xf32>
    %swap3A_76 = arith.constant 0 : index
    %swap3A_77 = arith.constant 64 : index
    %swap3A_78 = vector.load %arg10[%swap3A_76, %swap3A_77] : memref<2048x128xf32, #tpu.memory_space<vmem>>, vector<2048x64xf32>
    tpu.vector_store %arg10[%swap3A_76, %swap3A_77], %mul3A_75 {strides = array<i32>} : memref<2048x128xf32, #tpu.memory_space<vmem>>, vector<2048x64xf32>,
    return
  }
  func.func @transform_0(%arg0: i32) -> (i32, i32) {
    %c0_i32 = arith.constant 0 : i32
    %c0_i32_0 = arith.constant 0 : i32
    return %arg0, %c0_i32 : i32, i32
  }
  func.func @transform_1(%arg0: i32) -> i32 {
    %c0_i32 = arith.constant 0 : i32
    return %arg0 : i32
  }
  func.func @transform_2(%arg0: i32) -> i32 {
    %c0_i32 = arith.constant 0 : i32
    return %arg0 : i32
  }
  func.func @transform_3(%arg0: i32) -> i32 {
    %c0_i32 = arith.constant 0 : i32
    return %arg0 : i32
  }
  func.func @transform_4(%arg0: i32) -> (i32, i32) {
    %c0_i32 = arith.constant 0 : i32
    %c0_i32_0 = arith.constant 0 : i32
    %c0_i32_1 = arith.constant 0 : i32
    return %c0_i32, %c0_i32_0 : i32, i32
  }
  func.func @transform_5(%arg0: i32) -> (i32, i32) {
    %c0_i32 = arith.constant 0 : i32
    %c0_i32_0 = arith.constant 0 : i32
    %c0_i32_1 = arith.constant 0 : i32
    return %c0_i32, %c0_i32_0 : i32, i32
  }
  func.func @transform_6(%arg0: i32) -> (i32, i32) {
    %c0_i32 = arith.constant 0 : i32
    %c0_i32_0 = arith.constant 0 : i32
    %c0_i32_1 = arith.constant 0 : i32
    return %c0_i32, %c0_i32_0 : i32, i32
  }
  func.func @transform_7(%arg0: i32) -> (i32, i32) {
    %c0_i32 = arith.constant 0 : i32
    %c0_i32_0 = arith.constant 0 : i32
    %c0_i32_1 = arith.constant 0 : i32
    return %c0_i32, %c0_i32_0 : i32, i32
  }
  func.func @transform_8(%arg0: i32) -> (i32, i32) {
    %c0_i32 = arith.constant 0 : i32
    %c0_i32_0 = arith.constant 0 : i32
    return %arg0, %c0_i32 : i32, i32
  }
  func.func @transform_9(%arg0: i32) -> (i32, i32) {
    %c0_i32 = arith.constant 0 : i32
    %c0_i32_0 = arith.constant 0 : i32
    return %arg0, %c0_i32 : i32, i32
  }
}

module attributes {stable_mosaic.version = 14 : i64} {
  func.func @_down_body(%arg0: i32, %arg1: memref<2000x256xf32, #tpu.memory_space<vmem>>, %arg2: memref<256x256xf32, #tpu.memory_space<vmem>>, %arg3: memref<2000x256xf32, #tpu.memory_space<vmem>>) attributes {dimension_semantics = [#tpu.dimension_semantics<arbitrary>], iteration_bounds = array<i64: 5>, scalar_prefetch = 0 : i64, scratch_operands = 0 : i64, tpu.core_type = #tpu.core_type<tc>, window_params = [{transform_indices = @transform_0, window_bounds = array<i64: 2000, 256>}, {pipeline_mode = #tpu.pipeline_mode<synchronous>, transform_indices = @transform_1, window_bounds = array<i64: 256, 256>}, {transform_indices = @transform_2, window_bounds = array<i64: 2000, 256>}]} {
    %get3A = arith.constant 0 : index
    %get3A_0 = arith.constant 0 : index
    %get3A_1 = vector.load %arg1[%get3A, %get3A_0] : memref<2000x256xf32, #tpu.memory_space<vmem>>, vector<2000x256xf32>
    %get3A_2 = arith.constant 0 : index
    %get3A_3 = arith.constant 0 : index
    %get3A_4 = vector.load %arg2[%get3A_2, %get3A_3] : memref<256x256xf32, #tpu.memory_space<vmem>>, vector<256x256xf32>
    %dot_general3A = arith.constant dense<0.000000e+00> : vector<2000x256xf32>
    %dot_general3A_5 = tpu.matmul %get3A_1, %get3A_4, %dot_general3A {dimension_numbers = #tpu.dot_dimension_numbers<[1], [0], [0], [1], [0, 0, 1, 1], [], []>, transpose_lhs_hint = false} : vector<2000x256xf32>, vector<256x256xf32>, vector<2000x256xf32> -> vector<2000x256xf32>
    %swap3A = arith.constant 0 : index
    %swap3A_6 = arith.constant 0 : index
    %swap3A_7 = vector.load %arg3[%swap3A, %swap3A_6] : memref<2000x256xf32, #tpu.memory_space<vmem>>, vector<2000x256xf32>
    tpu.vector_store %arg3[%swap3A, %swap3A_6], %dot_general3A_5 {strides = array<i32>} : memref<2000x256xf32, #tpu.memory_space<vmem>>, vector<2000x256xf32>,
    return
  }
  func.func @transform_0(%arg0: i32) -> (i32, i32) {
    %c0_i32 = arith.constant 0 : i32
    %c0_i32_0 = arith.constant 0 : i32
    return %arg0, %c0_i32 : i32, i32
  }
  func.func @transform_1(%arg0: i32) -> (i32, i32) {
    %c0_i32 = arith.constant 0 : i32
    %c0_i32_0 = arith.constant 0 : i32
    %c0_i32_1 = arith.constant 0 : i32
    return %c0_i32, %c0_i32_0 : i32, i32
  }
  func.func @transform_2(%arg0: i32) -> (i32, i32) {
    %c0_i32 = arith.constant 0 : i32
    %c0_i32_0 = arith.constant 0 : i32
    return %arg0, %c0_i32 : i32, i32
  }
}

</mosaic_0001>

<sc_bundles>
// kernel: kernel.6.cloned.1.call-start
scs
__scs_entry_jumppad:
0x0: {  	(pc) =	sbr.rel $0x88, $3  }
0x1: {  	(tag) =	ssettag $0x0;
	lr =	simm.s32 $0x1  }
0x2: {  	[smem:$0x3F95] =	sst lr;
	_ =	strace $0xD0000000  }
0x3: {  	_ = 	snop  }
0x4: {  	_ = 	snop  }
0x5: {  	_ = 	snop  }
0x6: {  	_ = 	snop  }
0x7: {  	_ = 	snop  }
__scs_overlays_trampoline_lowered:
0x8: {  	[smem:$0x3FA4] =	sst s0  }
0x9: {  	[smem:$0x3FA5] =	sst s1  }
0xa: {  	[smem:$0x3FA6] =	sst s2  }
0xb: {  	[smem:$0x3FA7] =	sst s3  }
0xc: {  	[smem:$0x3FA8] =	sst s4  }
0xd: {  	[smem:$0x3FA9] =	sst s5  }
0xe: {  	[smem:$0x3FAA] =	sst s6  }
0xf: {  	[smem:$0x3FAB] =	sst s7  }
0x10: {  	[smem:$0x3FAC] =	sst s8  }
0x11: {  	[smem:$0x3FAD] =	sst s9;
	s0 =	simm.s32 @!p0 $0x0  }
0x12: {  	s1 =	sld [smem:$0x3F93];
	s0 =	simm.s32 @p0 $0x1  }
0x13: {  	[smem:$0x3FAE] =	sst s0;
	s0 =	simm.s32 @!p1 $0x0  }
0x14: {  	s2 =	sld [smem:$0x3F92];
	s0 =	simm.s32 @p1 $0x1  }
0x15: {  	[smem:$0x3FAF] =	sst s0;
	s0 =	simm.s32 @!p2 $0x0  }
0x16: {  	s3 =	sld [smem:$0x3FDB];
	s0 =	simm.s32 @p2 $0x1  }
0x17: {  	s4 =	simm.s32 $0x1BF5;
	[smem:$0x3FB1] =	sst s0  }
0x18: {  	s0 =	sld [smem:$0x3F94];
	_ =	swait.ge [sflag:s4], $0x0  }
0x19: {  	s7 =	sld [smem:$0x3F95]  }
0x1a: {  	s8 =	sadd.s32 $0xFFFFE003, lr  }
0x1b: {  	s9 =	sadd.s32 $0xFFFFFEF7, lr;
	s5 =	simm.s32 $0xFFFFFFFF;
	p2 =	slt.u32 s8, $0xFFFFF086  }
0x1c: {  	p1 =	slt.u32 s9, $0xF7A;
	s5 =	simm.s32 @!p2 $0x0  }
0x1d: {  	s5 =	simm.s32 @p1 $0x1;
	p0 =	seq.s32 s7, s2  }
0x1e: {  	s7 =	smul.u32 @!p0 $0xF7A, s2;
	p2 =	seq.s32 @!p0 s5, $0x0  }
0x1f: {  	s9 =	smul.u32 $0xF7A, s1;
	s8 =	simm.s32 @!p0 $0x1BF5;
	p2 =	por !p2, p0  }
0x20: {  	[sflag:s8] =	ssyncset.s32 @!p0 $0xFFFFF086;
	s6 =	sadd.s32 @!p0 s3, s7;
	s7 =	simm.s32 @!p0 $0x108  }
0x21: {  	s3 =	sadd.s32 s3, s9;
	s6 =	sadd.s32 @!p0 $0x88, s6;
	s7 =	simm.s32 @p2 $0x1082  }
0x22: {  	[simem:s7], [sflag:s8] =	dma.local @!p0 [hbm:s6], $0xF7A  }
0x23: {  	s9 =	sor.u32 $0xD0000000, s2;
	s6 =	simm.s32 $0x108;
	_ =	swait.ge @!p0 [sflag:s8], $0x0  }
0x24: {  	s3 =	sadd.s32 $0x88, s3;
	s6 =	simm.s32 @!p1 $0x1082;
	[sflag:s4] =	ssyncset.s32 $0xFFFFF086  }
0x25: {  	[simem:s6], [sflag:s4] =	dma.local [hbm:s3], $0xF7A  }
0x26: {  	[smem:$0x3F95] =	sst s1;
	(tag) =	ssettag s2;
	_ =	strace s9  }
0x27: {  	s1 =	sld [smem:$0x3FA5]  }
0x28: {  	s2 =	sld [smem:$0x3FA6]  }
0x29: {  	s4 =	sld [smem:$0x3FA8]  }
0x2a: {  	p0 =	seq.s32 s5, $0x0;
	s5 =	sld [smem:$0x3FA9]  }
0x2b: {  	s6 =	sld [smem:$0x3FAA]  }
0x2c: {  	s7 =	sld [smem:$0x3FAB]  }
0x2d: {  	s3 =	simm.s32 $0x108;
	s8 =	sld [smem:$0x3FAC]  }
0x2e: {  	s3 =	simm.s32 @!p0 $0x1082;
	s9 =	sld [smem:$0x3FAD]  }
0x2f: {  	lr =	sadd.s32 s0, s3;
	s0 =	sld [smem:$0x3FA4]  }
0x30: {  	s3 =	sld [smem:$0x3FA7]  }
0x31: {  	[smem:$0x3FB0] =	sst s10  }
0x32: {  	s10 =	sld [smem:$0x3FAE];
	_ =	sdelay $0x3  }
0x33: {  	p0 =	seq.s32 s10, $0x1;
	s10 =	sld [smem:$0x3FB0];
	_ =	sdelay $0x3  }
0x34: {  	[smem:$0x3FB0] =	sst s10  }
0x35: {  	s10 =	sld [smem:$0x3FAF];
	_ =	sdelay $0x3  }
0x36: {  	p1 =	seq.s32 s10, $0x1;
	s10 =	sld [smem:$0x3FB0];
	_ =	sdelay $0x3  }
0x37: {  	[smem:$0x3FB0] =	sst s10  }
0x38: {  	s10 =	sld [smem:$0x3FB1]  }
0x39: {  	_ = 	snop;
	(pc) =	sbr.ind lr, $3  }
0x3a: {  	_ = 	snop  }
0x3b: {  	_ = 	snop  }
0x3c: {  	p2 =	seq.s32 s10, $0x1;
	s10 =	sld [smem:$0x3FB0]  }
0x3d: {  	_ =	shalt  }
0x3e: {  	_ =	shalt  }
0x3f: {  	_ =	shalt  }
0x40: {  	_ =	shalt  }
0x41: {  	_ =	shalt  }
0x42: {  	_ =	shalt  }
0x43: {  	_ =	shalt  }
0x44: {  	_ =	shalt  }
0x45: {  	_ =	shalt  }
0x46: {  	_ =	shalt  }
0x47: {  	_ =	shalt  }
0x48: {  	_ =	shalt  }
0x49: {  	_ =	shalt  }
0x4a: {  	_ =	shalt  }
0x4b: {  	_ =	shalt  }
0x4c: {  	_ =	shalt  }
0x4d: {  	_ =	shalt  }
0x4e: {  	_ =	shalt  }
0x4f: {  	_ =	shalt  }
0x50: {  	_ =	shalt  }
0x51: {  	_ =	shalt  }
0x52: {  	_ =	shalt  }
0x53: {  	_ =	shalt  }
0x54: {  	_ =	shalt  }
0x55: {  	_ =	shalt  }
0x56: {  	_ =	shalt  }
0x57: {  	_ =	shalt  }
0x58: {  	_ =	shalt  }
0x59: {  	_ =	shalt  }
0x5a: {  	_ =	shalt  }
0x5b: {  	_ =	shalt  }
0x5c: {  	_ =	shalt  }
0x5d: {  	_ =	shalt  }
0x5e: {  	_ =	shalt  }
0x5f: {  	_ =	shalt  }
0x60: {  	_ =	shalt  }
0x61: {  	_ =	shalt  }
0x62: {  	_ =	shalt  }
0x63: {  	_ =	shalt  }
0x64: {  	_ =	shalt  }
0x65: {  	_ =	shalt  }
0x66: {  	_ =	shalt  }
0x67: {  	_ =	shalt  }
0x68: {  	_ =	shalt  }
0x69: {  	_ =	shalt  }
0x6a: {  	_ =	shalt  }
0x6b: {  	_ =	shalt  }
0x6c: {  	_ =	shalt  }
0x6d: {  	_ =	shalt  }
0x6e: {  	_ =	shalt  }
0x6f: {  	_ =	shalt  }
0x70: {  	_ =	shalt  }
0x71: {  	_ =	shalt  }
0x72: {  	_ =	shalt  }
0x73: {  	_ =	shalt  }
0x74: {  	_ =	shalt  }
0x75: {  	_ =	shalt  }
0x76: {  	_ =	shalt  }
0x77: {  	_ =	shalt  }
0x78: {  	_ =	shalt  }
0x79: {  	_ =	shalt  }
0x7a: {  	_ =	shalt  }
0x7b: {  	_ =	shalt  }
0x7c: {  	_ =	shalt  }
0x7d: {  	_ =	shalt  }
0x7e: {  	_ =	shalt  }
0x7f: {  	_ =	shalt  }
0x80: {  	_ =	shalt  }
0x81: {  	_ =	shalt  }
0x82: {  	_ =	shalt  }
0x83: {  	_ =	shalt  }
0x84: {  	_ =	shalt  }
0x85: {  	_ =	shalt  }
0x86: {  	_ =	shalt  }
0x87: {  	_ =	shalt  }
.Lfunc_end0:
.L_simem_size_0:
called_computation_lowered:
.L_overlay_start_0:
0x88: {  	s2 =	sld [smem:$0x3FD9]  }
0x89: {  	s3 =	sld [smem:$0x3FFE];
	_ =	sdelay $0x1  }
0x8a: {  	s1 =	srdreg.scid  }
0x8b: {  	s0 =	sand.u32 $0x1, s1  }
0x8c: {  	s17 =	sshll.u32 s0, $0xA;
	s2 =	sadd.s32 s3, s2  }
0x8d: {  	s2 =	sadd.s32 s2, s17  }
0x8e: {  	[smem:$0x3FBC] =	sst s2  }
0x8f: {  	_ = 	snop  }
0x90: {  	s2 =	sld [smem:$0x3FD0];
	(tm) =	ssettm $0x1  }
0x91: {  	s18 =	sld [smem:$0x3FFB];
	_ =	sdelay $0x3  }
0x92: {  	_ =	strace s18  }
0x93: {  	s3 =	sld [smem:$0x3FFC];
	_ =	sdelay $0x3  }
0x94: {  	_ =	strace s3  }
0x95: {  	s3 =	sld [smem:$0x3FFD];
	_ =	sdelay $0x3  }
0x96: {  	_ =	strace s3  }
0x97: {  	_ =	strace $0x8FFFFFFF  }
0x98: {  	s19 =	sld [smem:$0x3FDB];
	_ =	sdelay $0x1  }
0x99: {  	s4 =	simm.s32 $_scs_section_size  }
0x9a: {  	s5 =	simm.s32 $_size__tile_overlayer_lowered;
	s6 =	simm.s32 $_tile_overlayer_lowered  }
0x9b: {  	s22 =	simm.s32 $0x1BFF;
	s21 =	sshll.u32 s6, $0x1;
	s3 =	sadd.s32 s4, s19  }
0x9c: {  	s7 =	simm.s32 $0x0;
	s20 =	sshll.u32 s5, $0x1;
	s5 =	sadd.s32 s21, s3  }
0x9d: {  	[timem:s7], [sflag:s22] =	dma.local [hbm:s5], s20  }
0x9e: {  	_ =	swait.ge [sflag:s22], s20  }
0x9f: {  	s4 =	ssub.s32 $0x0, s20;
	[sflag:s22] =	ssyncset.done $0x0  }
0xa0: {  	[sflag:s22] =	ssyncadd.s32 s4;
	_ =	sdelay $0x1  }
0xa1: {  	s23 =	simm.s32 $0x1B8B  }
0xa2: {  	_ =	swait.ge [sflag:s23], $0x1  }
0xa3: {  	[sflag:s23] =	ssyncset.done $0x0  }
0xa4: {  	s25 =	simm.s32 $0x1B8E;
	s24 =	sld [smem:$0x3FFE];
	[sflag:s23] =	ssyncadd.s32 $0xFFFFFFFF  }
0xa5: {  	s26 =	simm.s32 $execute0_lowered;
	[smem:$0x3FD2] =	sst s25  }
0xa6: {  	s5 =	sshll.u32 s26, $0x1;
	_ =	strace $0x80000046;
	[dreg:$0x1] =	wrdreg $0xFFFFFFFF  }
0xa7: {  	s28 =	simm.s32 $_size_execute0_lowered;
	s3 =	sadd.s32 s3, s5;
	[dreg:$0x0] =	wrdreg $0x0  }
0xa8: {  	s5 =	sshll.u32 s28, $0x1;
	[dreg:$0x2] =	wrdreg s3  }
0xa9: {  	[dreg:$0x3] =	wrdreg s5  }
0xaa: {  	[dreg:$0x4] =	wrdreg $0xC0  }
0xab: {  	_ =	task [dreg:s7], $0x5FFFF  }
0xac: {  	[dreg:$0x1] =	wrdreg $0xFFFFFFFF  }
0xad: {  	[dreg:$0x0] =	wrdreg $0x60  }
0xae: {  	[dreg:$0x2] =	wrdreg s24  }
0xaf: {  	[dreg:$0x3] =	wrdreg s2  }
0xb0: {  	[dreg:$0x4] =	wrdreg $0x0  }
0xb1: {  	[dreg:$0x5] =	wrdreg $0x9  }
0xb2: {  	_ =	task.clear_ibuf [dreg:s7], $0x6FFFF;
	_ =	strace $0x90000046  }
0xb3: {  	s29 =	simm.s32 $0x9;
	_ =	strace $0x80000048  }
0xb4: {  	_ =	swait.ge [sflag:s29], $0x1  }
0xb5: {  	[sflag:s29] =	ssyncadd.s32 $0xFFFFFFFF  }
0xb6: {  	_ =	strace $0x90000048  }
0xb7: {  	_ =	sfence  }
0xb8: {  	s30 =	sld [smem:$0x0];
	_ =	sdelay $0x2  }
0xb9: {  	s31 =	sshll.u32 s1, $0xD;
	s1 =	sshrl.u32 s1, $0x2  }
0xba: {  	s3 =	sand.u32 $0x4000, s31;
	s1 =	sadd.s32 s1, s30  }
0xbb: {  	s0 =	sor.u32 s3, s0;
	s1 =	sshll.u32 s1, $0x11  }
0xbc: {  	s0 =	sor.u32 s1, s0  }
0xbd: {  	s0 =	sadd.s32 $0x8F2B, s0  }
0xbe: {  	[sflag:s0] =	ssyncadd.remote.s32 $0x1  }
0xbf: {  	_ =	sfence.sel $0xFFFF  }
0xc0: {  	[dreg:$0x0] =	wrdreg $0xFFFFFFFF;
	(pc) =	sbr.abs _section_cstart, $3  }
0xc1: {  	[dreg:$0x1] =	wrdreg $0xFFFFFFFF  }
0xc2: {  	_ =	task.clear_ibuf [dreg:s7], $0x2FFFF;
	_ =	strace $0x9FFFFFFF  }
0xc3: {  	(tm) =	ssettm $0x7FFFFFFF  }
tec
execute0_lowered:
.L_overlay_start_1:
0x0: {  	(tag) =	ssettag $0x1  }
0x1: {  	s9 =	stileid.u32  }
0x2: {  	s16 =	sor.u32 $0x10, s9;
	s10 =	smul.u32 $0x2800, s9  }
0x3: {  	s13 =	sor.u32 $0x20, s9;
	s11 =	smul.u32 $0x2800, s16  }
0x4: {  	s14 =	sor.u32 $0x30, s9;
	s12 =	smul.u32 $0x2800, s13  }
0x5: {  	s15 =	sor.u32 $0x40, s9;
	s17 =	smul.u32 $0x2800, s14  }
0x6: {  	s7 =	sor.u32 $0x50, s9;
	s18 =	smul.u32 $0x2800, s15  }
0x7: {  	s6 =	sor.u32 $0x60, s9;
	s19 =	smul.u32 $0x2800, s7  }
0x8: {  	s5 =	sor.u32 $0x70, s9;
	s20 =	smul.u32 $0x2800, s6  }
0x9: {  	s3 =	sor.u32 $0x90, s9;
	s29 =	smul.u32 $0x2800, s5  }
0xa: {  	s0 =	srdreg.scid;
	s26 =	sor.u32 $0xA0, s9;
	s25 =	smul.u32 $0x2800, s3  }
0xb: {  	s28 =	sor.u32 $0xB0, s9;
	[smem:$0x7FC] =	sst s26;
	s26 =	smul.u32 $0x2800, s26  }
0xc: {  	s1 =	simm.s32 $0x0;
	[smem:$0x7FD] =	sst s28;
	s28 =	smul.u32 $0x2800, s28  }
0xd: {  	[smem:$0x7FF] =	sst s1;
	s8 =	sand.u32 $0x1, s0;
	s16 =	smul.u32 $0x5000, s16  }
0xe: {  	s4 =	sor.u32 $0x80, s9;
	s0 =	ssub.s32 $0x2, s8;
	s14 =	smul.u32 $0x5000, s14  }
0xf: {  	[smem:$0x7FB] =	sst s3;
	p0 =	seq.s32 s8, $0x0;
	s15 =	smul.u32 $0x5000, s15  }
0x10: {  	s21 =	sshll.u32 s8, $0x7;
	s8 =	sor.u32 $0xE0, s9;
	s6 =	smul.u32 $0x5000, s6  }
0x11: {  	s2 =	sshrl.u32 s0, $0x1;
	s22 =	sor.u32 s21, s10;
	s10 =	smul.u32 $0x2800, s4  }
0x12: {  	s4 =	smul.u32 $0x5000, s4;
	s0 =	ssub.s32 s0, s2;
	s23 =	sor.u32 s21, s11  }
0x13: {  	s24 =	sor.u32 s21, s12;
	s17 =	sor.u32 s21, s17;
	s18 =	sor.u32 s21, s18  }
0x14: {  	s19 =	sor.u32 s21, s19;
	s20 =	sor.u32 s21, s20;
	s11 =	sor.u32 $0xC0, s9  }
0x15: {  	s29 =	sor.u32 s21, s29;
	s12 =	sor.u32 $0xD0, s9;
	s25 =	sor.u32 s21, s25  }
0x16: {  	s2 =	smul.u32 $0x2800, s8;
	s26 =	sor.u32 s21, s26;
	s28 =	sor.u32 s21, s28  }
0x17: {  	s14 =	sshrl.u32 s14, $0x2;
	s15 =	sshrl.u32 s15, $0x2;
	s8 =	smul.u32 $0x5000, s8  }
0x18: {  	[dreg:$0x1f] =	wrdreg s0;
	s30 =	smul.u32 $0x2800, s11;
	s31 =	sor.u32 s21, s10  }
0x19: {  	s3 =	smul.u32 $0x2800, s12;
	s10 =	sor.u32 $0xF0, s9;
	s23 =	sshrl.u32 s23, $0x3  }
0x1a: {  	s24 =	sshrl.u32 s24, $0x3;
	s17 =	sshrl.u32 s17, $0x3;
	s0 =	smul.u32 $0x2800, s10  }
0x1b: {  	s2 =	sor.u32 s21, s2;
	s30 =	sor.u32 s21, s30;
	s3 =	sor.u32 s21, s3  }
0x1c: {  	s0 =	sor.u32 s21, s0;
	s21 =	sshrl.u32 s22, $0x3;
	s22 =	rddreg [dreg:$0x1]  }
0x1d: {  	s18 =	sshrl.u32 s18, $0x3;
	s19 =	sshrl.u32 s19, $0x3;
	s21 =	sadd.s32 s22, s21  }
0x1e: {  	s3 =	sshrl.u32 s3, $0x3;
	s17 =	sadd.s32 s22, s17;
	[dreg:$0x4] =	wrdreg s21  }
0x1f: {  	s2 =	sshrl.u32 s2, $0x3;
	s3 =	sadd.s32 s22, s3;
	[dreg:$0x7] =	wrdreg s17  }
0x20: {  	s2 =	sadd.s32 s22, s2;
	s21 =	sadd.s32 s22, s23;
	[dreg:$0x11] =	wrdreg s3  }
0x21: {  	s23 =	sshrl.u32 s29, $0x3;
	s29 =	sshrl.u32 s25, $0x3;
	s25 =	rddreg [dreg:$0x0]  }
0x22: {  	s20 =	sshrl.u32 s20, $0x3;
	s12 =	smul.u32 $0x5000, s12;
	[dreg:$0x12] =	wrdreg s2  }
0x23: {  	s0 =	sshrl.u32 s0, $0x3;
	s17 =	sadd.s32 s22, s18;
	s18 =	rddreg [dreg:$0x2]  }
0x24: {  	s10 =	smul.u32 $0x5000, s10;
	s0 =	sadd.s32 s22, s0;
	[dreg:$0x5] =	wrdreg s21  }
0x25: {  	s21 =	sadd.s32 s22, s24;
	[dreg:$0x8] =	wrdreg s17;
	s17 =	sadd.s32 s22, s19  }
0x26: {  	s24 =	sshrl.u32 s31, $0x3;
	s19 =	sadd.s32 s22, s29;
	[dreg:$0x13] =	wrdreg s0  }
0x27: {  	s29 =	smul.u32 $0x5000, s7;
	s7 =	sshrl.u32 s16, $0x2;
	[dreg:$0x6] =	wrdreg s21  }
0x28: {  	s16 =	sadd.s32 s15, s18;
	[dreg:$0x9] =	wrdreg s17;
	s21 =	sadd.s32 s22, s20  }
0x29: {  	s17 =	sadd.s32 s22, s23;
	[dreg:$0xd] =	wrdreg s19;
	s20 =	sshrl.u32 s26, $0x3  }
0x2a: {  	s23 =	sshrl.u32 s30, $0x3;
	s26 =	smul.u32 $0x5000, s9;
	[dreg:$0xa] =	wrdreg s21  }
0x2b: {  	s3 =	sadd.s32 s7, s18;
	s19 =	sshrl.u32 s6, $0x2;
	[dreg:$0xb] =	wrdreg s17  }
0x2c: {  	s17 =	sadd.s32 s22, s24;
	s21 =	sshrl.u32 s28, $0x3;
	s24 =	sadd.s32 s22, s23  }
0x2d: {  	s28 =	smul.u32 $0x5000, s13;
	s13 =	simm.s32 $0x4E5000;
	[dreg:$0xc] =	wrdreg s17  }
0x2e: {  	s30 =	sadd.s32 s19, s18;
	s17 =	sadd.s32 s22, s20;
	[dreg:$0x10] =	wrdreg s24  }
0x2f: {  	s0 =	sshrl.u32 s26, $0x2;
	[dreg:$0xe] =	wrdreg s17;
	s17 =	sadd.s32 s22, s21  }
0x30: {  	s13 =	simm.s32 @!p0 $0x758000;
	s0 =	sadd.s32 s0, s18;
	[dreg:$0xf] =	wrdreg s17  }
0x31: {  	s2 =	sshrl.u32 s28, $0x2;
	_ =	strace $0x80000047;
	[dreg:$0x14] =	wrdreg s0  }
0x32: {  	p0 =	sgt.u32 s9, $0x9;
	s2 =	sadd.s32 s2, s18;
	[dreg:$0x15] =	wrdreg s3  }
0x33: {  	s20 =	sadd.s32 s13, s25;
	s13 =	smul.u32 $0x5000, s5;
	[dreg:$0x16] =	wrdreg s2  }
0x34: {  	s21 =	sadd.s32 $0x1000, s25;
	s22 =	sadd.s32 $0x14A00, s25;
	[dreg:$0x18] =	wrdreg s16  }
0x35: {  	s0 =	sshrl.u32 s29, $0x2;
	s26 =	sshrl.u32 s13, $0x2;
	s17 =	sld [smem:$0x7FB]  }
0x36: {  	s29 =	smul.u32 $0x5000, s11;
	s23 =	sld [smem:$0x7FC];
	s0 =	sadd.s32 s0, s18  }
0x37: {  	s24 =	sld [smem:$0x7FD];
	s31 =	sadd.s32 s26, s18;
	s26 =	smul.u32 $0x27300, s9  }
0x38: {  	s3 =	sadd.s32 s14, s18;
	[dreg:$0x19] =	wrdreg s0;
	s0 =	smul.u32 $0xD1, s9  }
0x39: {  	s28 =	sshrl.u32 s4, $0x2;
	[dreg:$0x17] =	wrdreg s3;
	s3 =	smul.u32 $0x5000, s17  }
0x3a: {  	s16 =	sadd.s32 s28, s18;
	s14 =	sshrl.u32 s29, $0x2;
	s6 =	smul.u32 $0x5000, s23  }
0x3b: {  	s28 =	rddreg [dreg:$0x1f];
	s5 =	sadd.s32 s14, s18;
	s25 =	smul.u32 $0x5000, s24  }
0x3c: {  	s14 =	simm.s32 $0x13880;
	s13 =	sadd.s32 $0x1, s0;
	s24 =	smul.u32 $0x9CC, s9  }
0x3d: {  	s17 =	sshrl.u32 s12, $0x2;
	s23 =	sshrl.u32 s8, $0x2;
	s15 =	smul.u32 $0xC, s13  }
0x3e: {  	s9 =	simm.s32 $0x30;
	s19 =	smul.u32 $0x300, s13;
	s7 =	sadd.s32 s23, s18  }
0x3f: {  	s4 =	sshrl.u32 s3, $0x2;
	s6 =	sshrl.u32 s6, $0x2;
	s11 =	sshrl.u32 s25, $0x2  }
0x40: {  	s25 =	sshrl.u32 s10, $0x2;
	s12 =	sadd.s32 s22, s24;
	s10 =	sadd.s32 s20, s26  }
0x41: {  	s2 =	sadd.s32 s4, s18;
	s3 =	sadd.s32 s6, s18;
	s4 =	sadd.s32 s11, s18  }
0x42: {  	s6 =	sadd.s32 s17, s18;
	s8 =	sadd.s32 s25, s18;
	[dreg:$0x1a] =	wrdreg s12  }
0x43: {  	s11 =	sadd.s32 s22, s15;
	[dreg:$0x1d] =	wrdreg s10;
	s29 =	sadd.s32 s20, s19  }
0x44: {  	s15 =	simm.s32 $0x6;
	s19 =	simm.s32 $0x1;
	[dreg:$0x1b] =	wrdreg s11  }
0x45: {  	s17 =	simm.s32 $0x80;
	s11 =	smax.u32 s28, $0x1;
	[dreg:$0x1e] =	wrdreg s29  }
0x46: {  	v0 =	vimm.f32 $0.0e+00;
	s10 =	simm.s32 $0x100;
	[dreg:$0x1c] =	wrdreg s11;
	s11 =	simm.s32 $0x0  }
.LBB2_1:
0x47: {  	s12 =	simm.s32 $0x0;
	s13 =	simm.s32 $0x200  }
.LBB2_2:
0x48: {  	p1 =	sne.s32 s13, $0x4E00;
	[tilespmem:s12+$0x138F0] =	vst v0  }
0x49: {  	[tilespmem:s12+$0x13880] =	vst v0  }
0x4a: {  	[tilespmem:s12+$0x13890] =	vst v0  }
.Ltmp0:
0x4b: {  	[tilespmem:s12+$0x138A0] =	vst v0;
	(pc) =	sbr.rel @p1 .LBB2_2-.Ltmp0, $4  }
0x4c: {  	[tilespmem:s12+$0x138B0] =	vst v0  }
0x4d: {  	[tilespmem:s12+$0x138C0] =	vst v0  }
0x4e: {  	[tilespmem:s12+$0x138D0] =	vst v0  }
0x4f: {  	[tilespmem:s12+$0x138E0] =	vst v0;
	s12 =	sshra.s32 s13, $0x2;
	s13 =	sadd.s32 $0x200, s13  }
0x50: {  	[tilespmem:s12+$0x138F0] =	vst v0  }
0x51: {  	[tilespmem:s12+$0x13880] =	vst v0  }
0x52: {  	[tilespmem:s12+$0x13890] =	vst v0  }
0x53: {  	[tilespmem:s12+$0x138A0] =	vst v0  }
0x54: {  	[tilespmem:s12+$0x138B0] =	vst v0  }
0x55: {  	[tilespmem:s12+$0x138C0] =	vst v0  }
0x56: {  	[tilespmem:s12+$0x138D0] =	vst v0  }
0x57: {  	[tilespmem:s12+$0x138E0] =	vst v0;
	s13 =	rddreg [dreg:$0x14]  }
0x58: {  	[spmem:s13] =	stream.linear.scatter [tilespmem:s14], [sflag:$0x6], $0x1400, $0x38;
	[tilespmem:$0x1DE60] =	vst v63  }
0x59: {  	_ =	swait.ge [sflag:s15], $0x1400  }
0x5a: {  	[sflag:s15] =	ssyncset.done $0x0  }
0x5b: {  	s23 =	rddreg [dreg:$0x15];
	[sflag:s15] =	ssyncadd.s32 $0xFFFFEC00  }
0x5c: {  	[spmem:s23] =	stream.linear.scatter [tilespmem:s14], [sflag:$0x6], $0x1400, $0x38;
	[tilespmem:$0x1DE60] =	vst v63  }
0x5d: {  	_ =	swait.ge [sflag:s15], $0x1400  }
0x5e: {  	[sflag:s15] =	ssyncset.done $0x0  }
0x5f: {  	s24 =	rddreg [dreg:$0x16];
	[sflag:s15] =	ssyncadd.s32 $0xFFFFEC00  }
0x60: {  	[spmem:s24] =	stream.linear.scatter [tilespmem:s14], [sflag:$0x6], $0x1400, $0x38;
	[tilespmem:$0x1DE60] =	vst v63  }
0x61: {  	_ =	swait.ge [sflag:s15], $0x1400  }
0x62: {  	[sflag:s15] =	ssyncset.done $0x0  }
0x63: {  	s25 =	rddreg [dreg:$0x17];
	[sflag:s15] =	ssyncadd.s32 $0xFFFFEC00  }
0x64: {  	[spmem:s25] =	stream.linear.scatter [tilespmem:s14], [sflag:$0x6], $0x1400, $0x38;
	[tilespmem:$0x1DE60] =	vst v63  }
0x65: {  	_ =	swait.ge [sflag:s15], $0x1400  }
0x66: {  	[sflag:s15] =	ssyncset.done $0x0  }
0x67: {  	s26 =	rddreg [dreg:$0x18];
	[sflag:s15] =	ssyncadd.s32 $0xFFFFEC00  }
0x68: {  	[spmem:s26] =	stream.linear.scatter [tilespmem:s14], [sflag:$0x6], $0x1400, $0x38;
	[tilespmem:$0x1DE60] =	vst v63  }
0x69: {  	_ =	swait.ge [sflag:s15], $0x1400  }
0x6a: {  	[sflag:s15] =	ssyncset.done $0x0  }
0x6b: {  	s28 =	rddreg [dreg:$0x19];
	[sflag:s15] =	ssyncadd.s32 $0xFFFFEC00  }
0x6c: {  	[spmem:s28] =	stream.linear.scatter [tilespmem:s14], [sflag:$0x6], $0x1400, $0x38;
	[tilespmem:$0x1DE60] =	vst v63  }
0x6d: {  	_ =	swait.ge [sflag:s15], $0x1400  }
0x6e: {  	[sflag:s15] =	ssyncset.done $0x0  }
0x6f: {  	[sflag:s15] =	ssyncadd.s32 $0xFFFFEC00  }
0x70: {  	[spmem:s30] =	stream.linear.scatter [tilespmem:s14], [sflag:$0x6], $0x1400, $0x38;
	[tilespmem:$0x1DE60] =	vst v63  }
0x71: {  	_ =	swait.ge [sflag:s15], $0x1400  }
0x72: {  	[sflag:s15] =	ssyncset.done $0x0  }
0x73: {  	[sflag:s15] =	ssyncadd.s32 $0xFFFFEC00  }
0x74: {  	[spmem:s31] =	stream.linear.scatter [tilespmem:s14], [sflag:$0x6], $0x1400, $0x38;
	[tilespmem:$0x1DE60] =	vst v63  }
0x75: {  	_ =	swait.ge [sflag:s15], $0x1400  }
0x76: {  	[sflag:s15] =	ssyncset.done $0x0  }
0x77: {  	[sflag:s15] =	ssyncadd.s32 $0xFFFFEC00  }
0x78: {  	[spmem:s16] =	stream.linear.scatter [tilespmem:s14], [sflag:$0x6], $0x1400, $0x38;
	[tilespmem:$0x1DE60] =	vst v63  }
0x79: {  	_ =	swait.ge [sflag:s15], $0x1400  }
0x7a: {  	[sflag:s15] =	ssyncset.done $0x0  }
0x7b: {  	[sflag:s15] =	ssyncadd.s32 $0xFFFFEC00  }
0x7c: {  	[spmem:s2] =	stream.linear.scatter [tilespmem:s14], [sflag:$0x6], $0x1400, $0x38;
	[tilespmem:$0x1DE60] =	vst v63  }
0x7d: {  	_ =	swait.ge [sflag:s15], $0x1400  }
0x7e: {  	[sflag:s15] =	ssyncset.done $0x0  }
0x7f: {  	[sflag:s15] =	ssyncadd.s32 $0xFFFFEC00  }
0x80: {  	[spmem:s3] =	stream.linear.scatter [tilespmem:s14], [sflag:$0x6], $0x1400, $0x38;
	[tilespmem:$0x1DE60] =	vst v63  }
0x81: {  	_ =	swait.ge [sflag:s15], $0x1400  }
0x82: {  	[sflag:s15] =	ssyncset.done $0x0  }
0x83: {  	[sflag:s15] =	ssyncadd.s32 $0xFFFFEC00  }
0x84: {  	[spmem:s4] =	stream.linear.scatter [tilespmem:s14], [sflag:$0x6], $0x1400, $0x38;
	[tilespmem:$0x1DE60] =	vst v63  }
0x85: {  	_ =	swait.ge [sflag:s15], $0x1400  }
0x86: {  	[sflag:s15] =	ssyncset.done $0x0  }
0x87: {  	[sflag:s15] =	ssyncadd.s32 $0xFFFFEC00  }
0x88: {  	[spmem:s5] =	stream.linear.scatter [tilespmem:s14], [sflag:$0x6], $0x1400, $0x38;
	[tilespmem:$0x1DE60] =	vst v63  }
0x89: {  	_ =	swait.ge [sflag:s15], $0x1400  }
0x8a: {  	[sflag:s15] =	ssyncset.done $0x0  }
0x8b: {  	[sflag:s15] =	ssyncadd.s32 $0xFFFFEC00  }
0x8c: {  	[spmem:s6] =	stream.linear.scatter [tilespmem:s14], [sflag:$0x6], $0x1400, $0x38;
	[tilespmem:$0x1DE60] =	vst v63  }
0x8d: {  	_ =	swait.ge [sflag:s15], $0x1400  }
0x8e: {  	[sflag:s15] =	ssyncset.done $0x0  }
0x8f: {  	[sflag:s15] =	ssyncadd.s32 $0xFFFFEC00  }
0x90: {  	[spmem:s7] =	stream.linear.scatter [tilespmem:s14], [sflag:$0x6], $0x1400, $0x38;
	[tilespmem:$0x1DE60] =	vst v63  }
0x91: {  	_ =	swait.ge [sflag:s15], $0x1400  }
0x92: {  	[sflag:s15] =	ssyncset.done $0x0  }
0x93: {  	s12 =	simm.s32 @!p0 $0x13880;
	[sflag:s15] =	ssyncadd.s32 $0xFFFFEC00  }
0x94: {  	[spmem:s8] =	stream.linear.scatter @!p0 [tilespmem:s12], [sflag:$0x6], $0x1400, $0x38;
	[tilespmem:$0x1DE60] =	vst v63  }
0x95: {  	s12 =	simm.s32 @!p0 $0x6  }
0x96: {  	_ =	swait.ge @!p0 [sflag:s12], $0x1400  }
0x97: {  	[sflag:s12] =	ssyncset.done @!p0 $0x0  }
0x98: {  	[sflag:s12] =	ssyncadd.s32 @!p0 $0xFFFFEC00  }
0x99: {  	[bflag:$0x0] =	sbarrier.arrive $0xFFFF  }
0x9a: {  	s24 =	simm.s32 $0x14C80;
	s12 =	simm.s32 $0x0;
	s13 =	rddreg [dreg:$0x1a]  }
0x9b: {  	[tilespmem:s24], [sflag:$0x1] =	stream.linear.gather [hbm4b:s13+s12], $0x60, $0x38;
	[tilespmem:$0x1DE60] =	vst v63  }
0x9c: {  	s23 =	rddreg [dreg:$0x1d];
	s13 =	simm.s32 $0x14E60  }
0x9d: {  	[tilespmem:s13], [sflag:$0x1] =	stream.linear.gather [hbm4b:s23+s12], $0x1800, $0x38;
	[tilespmem:$0x1DE60] =	vst v63  }
0x9e: {  	s25 =	simm.s32 $0x14CE0;
	s29 =	rddreg [dreg:$0x1b]  }
0x9f: {  	[tilespmem:s25], [sflag:$0x2] =	stream.linear.gather [hbm4b:s29+s12], $0x60, $0x38;
	[tilespmem:$0x1DE60] =	vst v63  }
0xa0: {  	s28 =	simm.s32 $0x16660;
	s26 =	rddreg [dreg:$0x1e]  }
0xa1: {  	[tilespmem:s28], [sflag:$0x2] =	stream.linear.gather [hbm4b:s26+s12], $0x1800, $0x38;
	[tilespmem:$0x1DE60] =	vst v63  }
0xa2: {  	_ =	swait.ge [sflag:s19], $0x60  }
0xa3: {  	[sflag:s19] =	ssyncset.done $0x0  }
0xa4: {  	[sflag:s19] =	ssyncadd.s32 $0xFFFFFFA0  }
0xa5: {  	_ =	swait.ge [sflag:s19], $0x1800  }
0xa6: {  	[sflag:s19] =	ssyncset.done $0x0  }
0xa7: {  	p1 =	por $0x0, $0x0;
	s29 =	simm.s32 $0x19660;
	[sflag:s19] =	ssyncadd.s32 $0xFFFFE800  }
0xa8: {  	[tilespmem:s29], [sflag:$0x4] =	stream.indirect.gather [hbm4b:s21+s9], $0x40, s24, s9, $0xb8;
	[tilespmem:$0x1DE60] =	vst v63  }
.LBB2_4:
0xa9: {  	p2 =	sgt.u32 s12, $0xCE  }
.Ltmp1:
0xaa: {  	_ = 	snop;
	(pc) =	sbr.rel @p2 .LBB2_6-.Ltmp1, $1  }
0xab: {  	_ =	sdelay $0x3  }
0xac: {  	s23 =	sadd.s32 $0x2, s12  }
0xad: {  	s24 =	smul.u32 $0xCD, s23  }
0xae: {  	s25 =	smul.u32 $0xAB, s23  }
0xaf: {  	s24 =	sshrl.u32 s24, $0xA  }
0xb0: {  	s25 =	sshrl.u32 s25, $0x9;
	s24 =	sand.u32 $0x3F, s24  }
0xb1: {  	s25 =	sand.u32 $0x7F, s25;
	s24 =	smul.u32 $0x5, s24  }
0xb2: {  	s25 =	smul.u32 $0x3, s25  }
0xb3: {  	s26 =	sadd.s32 s0, s23;
	s24 =	ssub.s32 s23, s24  }
0xb4: {  	s29 =	smul.u32 $0xC, s26;
	s23 =	ssub.s32 s23, s25;
	s24 =	sand.u32 $0xFF, s24  }
0xb5: {  	s23 =	sand.u32 $0xFF, s23;
	s24 =	smul.u32 $0x180, s24  }
0xb6: {  	s28 =	sadd.s32 $0x1, s23;
	s23 =	smul.u32 $0x6000, s23  }
.Ltmp2:
0xb7: {  	s25 =	sadd.s32 s22, s29;
	s24 =	sshrl.u32 s24, $0x2;
	(pc) =	sbr.rel .LBB2_7-.Ltmp2, $4  }
0xb8: {  	s29 =	smul.u32 $0x300, s26;
	s23 =	sshrl.u32 s23, $0x2;
	s24 =	sadd.s32 $0x14C80, s24  }
0xb9: {  	[tilespmem:s24], [sflag:s28] =	stream.linear.gather [hbm4b:s25+s1], $0x60, $0x38;
	[tilespmem:$0x1DE60] =	vst v63  }
0xba: {  	s23 =	sadd.s32 $0x14E60, s23;
	s24 =	sadd.s32 s20, s29  }
0xbb: {  	[tilespmem:s23], [sflag:s28] =	stream.linear.gather [hbm4b:s24+s1], $0x1800, $0x38;
	[tilespmem:$0x1DE60] =	vst v63  }
.LBB2_6:
0xbc: {  	p2 =	seq.s32 s12, $0xD0  }
.Ltmp3:
0xbd: {  	_ = 	snop;
	(pc) =	sbr.rel @p2 .LBB2_8-.Ltmp3, $1  }
0xbe: {  	_ =	sdelay $0x3  }
.LBB2_7:
0xbf: {  	s23 =	sadd.s32 $0x1, s12  }
0xc0: {  	s24 =	sand.u32 $0xFF, s23  }
0xc1: {  	s25 =	smul.u32 $0xAB, s24;
	_ =	sdelay $0x1  }
0xc2: {  	s24 =	smul.u32 $0xCD, s24;
	s25 =	sshrl.u32 s25, $0x9  }
0xc3: {  	s25 =	smul.u32 $0x3, s25;
	_ =	sdelay $0x1  }
0xc4: {  	s24 =	sshrl.u32 s24, $0xA;
	s25 =	ssub.s32 s23, s25  }
0xc5: {  	s24 =	smul.u32 $0x5, s24;
	s25 =	sand.u32 $0xFF, s25  }
0xc6: {  	s25 =	sadd.s32 $0x1, s25  }
0xc7: {  	s24 =	ssub.s32 s23, s24;
	s23 =	sand.u32 $0x1, s23;
	_ =	swait.ge [sflag:s25], $0x60  }
0xc8: {  	s24 =	sand.u32 $0xFF, s24;
	s26 =	smul.u32 $0x3000, s23;
	[sflag:s25] =	ssyncset.done $0x0  }
0xc9: {  	s24 =	smul.u32 $0x180, s24;
	[sflag:s25] =	ssyncadd.s32 $0xFFFFFFA0  }
0xca: {  	s23 =	sor.u32 $0x4, s23;
	_ =	swait.ge [sflag:s25], $0x1800  }
0xcb: {  	s29 =	sshrl.u32 s26, $0x2;
	s24 =	sshrl.u32 s24, $0x2;
	[sflag:s25] =	ssyncset.done $0x0  }
0xcc: {  	s24 =	sadd.s32 $0x14C80, s24;
	[sflag:s25] =	ssyncadd.s32 $0xFFFFE800;
	s25 =	sadd.s32 $0x19660, s29  }
0xcd: {  	[tilespmem:s25], [sflag:s23] =	stream.indirect.gather [hbm4b:s21+s9], $0x40, s24, s9, $0xb8;
	[tilespmem:$0x1DE60] =	vst v63  }
.LBB2_8:
0xce: {  	s23 =	smulhi.u32 $0xAAAAAAAB, s12;
	_ =	sdelay $0x1  }
0xcf: {  	s23 =	sshrl.u32 s23, $0x1  }
0xd0: {  	s23 =	smul.u32 $0xFFFEE000, s23;
	_ =	sdelay $0x1  }
0xd1: {  	s24 =	simm.s32 $0x1;
	s23 =	sshra.s32 s23, $0x2  }
0xd2: {  	s25 =	sand.u32 $0x1, s12;
	s24 =	simm.s32 @!p1 $0x0;
	s23 =	sadd.s32 s23, s13  }
0xd3: {  	s26 =	sor.u32 $0x4, s25;
	s28 =	smul.u32 $0x3000, s24;
	v1 =	vmov s23  }
0xd4: {  	_ =	swait.ge [sflag:s26], $0xC00  }
0xd5: {  	[sflag:s26] =	ssyncset.done $0x0;
	s28 =	sshrl.u32 s28, $0x2  }
0xd6: {  	s29 =	smul.u32 $0x6000, s24;
	[sflag:s26] =	ssyncadd.s32 $0xFFFFF400;
	s24 =	sadd.s32 $0x19680, s28  }
0xd7: {  	v4 =	vld [tilespmem:s24+$0xFFFFFFE0];
	s23 =	simm.s32 $0x70  }
0xd8: {  	s29 =	sshrl.u32 s29, $0x2;
	v3 =	vld.idx.msk [tilespmem:v1+s23+$0xFFFFFFD0 ss:$0x1], $0xffff  }
0xd9: {  	s26 =	sadd.s32 $0x1AE60, s29;
	v5 =	vld.idx.msk [tilespmem:v1+s23+$0xFFFFFF90 ss:$0x1], $0xffff  }
0xda: {  	v2 =	vmov s26;
	_ =	sdelay $0x2  }
0xdb: {  	v3 =	vmul.f32 v3, v4  }
0xdc: {  	v4 =	vmul.f32 v5, v4  }
0xdd: {  	[tilespmem:v2+s23+$0xFFFFFFD0 ss:$0x1] =	vst.idx.msk $0xffff, v3  }
0xde: {  	[tilespmem:v2+s23+$0xFFFFFF90 ss:$0x1] =	vst.idx.msk $0xffff, v4  }
0xdf: {  	v3 =	vld.idx.msk [tilespmem:v1+s23+$0xFFFFFFA0 ss:$0x1], $0xffff  }
0xe0: {  	v4 =	vld [tilespmem:s24+$0xFFFFFFF0]  }
0xe1: {  	v5 =	vld.idx.msk [tilespmem:v1+s23+$0xFFFFFFE0 ss:$0x1], $0xffff;
	_ =	sdelay $0x3  }
0xe2: {  	v3 =	vmul.f32 v3, v4  }
0xe3: {  	v4 =	vmul.f32 v5, v4  }
0xe4: {  	[tilespmem:v2+s23+$0xFFFFFFA0 ss:$0x1] =	vst.idx.msk $0xffff, v3  }
0xe5: {  	[tilespmem:v2+s23+$0xFFFFFFE0 ss:$0x1] =	vst.idx.msk $0xffff, v4  }
0xe6: {  	v3 =	vld.idx.msk [tilespmem:v1+s23+$0xFFFFFFB0 ss:$0x1], $0xffff  }
0xe7: {  	v4 =	vld [tilespmem:s24+$0x0]  }
0xe8: {  	v5 =	vld.idx.msk [tilespmem:v1+s23+$0xFFFFFFF0 ss:$0x1], $0xffff;
	_ =	sdelay $0x3  }
0xe9: {  	v3 =	vmul.f32 v3, v4  }
0xea: {  	v4 =	vmul.f32 v5, v4  }
0xeb: {  	[tilespmem:v2+s23+$0xFFFFFFB0 ss:$0x1] =	vst.idx.msk $0xffff, v3  }
0xec: {  	s25 =	smul.u32 $0x6000, s25;
	[tilespmem:v2+s23+$0xFFFFFFF0 ss:$0x1] =	vst.idx.msk $0xffff, v4  }
0xed: {  	v4 =	vld.idx.msk [tilespmem:v1+s23+$0xFFFFFFC0 ss:$0x1], $0xffff  }
0xee: {  	s25 =	sshrl.u32 s25, $0x2;
	v3 =	vld [tilespmem:s24+$0x10]  }
0xef: {  	s25 =	sadd.s32 $0x1AE60, s25;
	s26 =	simm.s32 $0x3C0;
	v5 =	vld.idx.msk [tilespmem:v1+s23+$0x0 ss:$0x1], $0xffff  }
.LBB2_9:
0xf0: {  	p2 =	sne.s32 s26, $0x5FC0  }
0xf1: {  	s24 =	sadd.s32 $0x40, s24;
	s28 =	smov.u32 s26;
	s26 =	sadd.s32 $0x200, s26  }
0xf2: {  	_ = 	snop  }
0xf3: {  	v4 =	vmul.f32 v4, v3;
	_ =	sdelay $0x1  }
0xf4: {  	v3 =	vmul.f32 v5, v3;
	[tilespmem:v2+s23+$0xFFFFFFC0 ss:$0x1] =	vst.idx.msk $0xffff, v4;
	_ =	sdelay $0x1  }
0xf5: {  	[tilespmem:v2+s23+$0x0 ss:$0x1] =	vst.idx.msk $0xffff, v3;
	s23 =	sshra.s32 s28, $0x2  }
0xf6: {  	v3 =	vld.idx.msk [tilespmem:v1+s23+$0xFFFFFFD0 ss:$0x1], $0xffff  }
0xf7: {  	v4 =	vld [tilespmem:s24+$0xFFFFFFE0]  }
0xf8: {  	v5 =	vld.idx.msk [tilespmem:v1+s23+$0xFFFFFF90 ss:$0x1], $0xffff;
	_ =	sdelay $0x3  }
0xf9: {  	v3 =	vmul.f32 v3, v4;
	_ =	sdelay $0x1  }
0xfa: {  	v4 =	vmul.f32 v5, v4  }
0xfb: {  	[tilespmem:v2+s23+$0xFFFFFFD0 ss:$0x1] =	vst.idx.msk $0xffff, v3  }
0xfc: {  	[tilespmem:v2+s23+$0xFFFFFF90 ss:$0x1] =	vst.idx.msk $0xffff, v4  }
0xfd: {  	v3 =	vld.idx.msk [tilespmem:v1+s23+$0xFFFFFFA0 ss:$0x1], $0xffff  }
0xfe: {  	v4 =	vld.idx.msk [tilespmem:v1+s23+$0xFFFFFFE0 ss:$0x1], $0xffff  }
0xff: {  	v5 =	vld [tilespmem:s24+$0xFFFFFFF0];
	_ =	sdelay $0x4  }
0x100: {  	v3 =	vmul.f32 v3, v5;
	v4 =	vmul.f32 v4, v5;
	_ =	sdelay $0x1  }
0x101: {  	[tilespmem:v2+s23+$0xFFFFFFA0 ss:$0x1] =	vst.idx.msk $0xffff, v3  }
0x102: {  	[tilespmem:v2+s23+$0xFFFFFFE0 ss:$0x1] =	vst.idx.msk $0xffff, v4  }
0x103: {  	v3 =	vld.idx.msk [tilespmem:v1+s23+$0xFFFFFFB0 ss:$0x1], $0xffff  }
0x104: {  	v4 =	vld [tilespmem:s24+$0x0]  }
0x105: {  	v5 =	vld.idx.msk [tilespmem:v1+s23+$0xFFFFFFF0 ss:$0x1], $0xffff;
	_ =	sdelay $0x3  }
0x106: {  	v3 =	vmul.f32 v3, v4;
	_ =	sdelay $0x1  }
0x107: {  	[tilespmem:v2+s23+$0xFFFFFFB0 ss:$0x1] =	vst.idx.msk $0xffff, v3;
	v3 =	vmul.f32 v5, v4  }
.Ltmp4:
0x108: {  	(pc) =	sbr.rel @p2 .LBB2_9-.Ltmp4, $4  }
0x109: {  	[tilespmem:v2+s23+$0xFFFFFFF0 ss:$0x1] =	vst.idx.msk $0xffff, v3  }
0x10a: {  	v4 =	vld.idx.msk [tilespmem:v1+s23+$0xFFFFFFC0 ss:$0x1], $0xffff  }
0x10b: {  	v3 =	vld [tilespmem:s24+$0x10]  }
0x10c: {  	v5 =	vld.idx.msk [tilespmem:v1+s23+$0x0 ss:$0x1], $0xffff  }
0x10d: {  	s24 =	smulhi.u32 $0xCCCCCCCD, s12;
	_ =	sdelay $0x1  }
0x10e: {  	s24 =	sshrl.u32 s24, $0x2  }
0x10f: {  	s24 =	smul.u32 $0x5, s24;
	_ =	sdelay $0x1  }
0x110: {  	s24 =	ssub.s32 s12, s24  }
0x111: {  	v1 =	vmul.f32 v4, v3;
	s24 =	smul.u32 $0x180, s24  }
0x112: {  	v3 =	vmul.f32 v5, v3;
	s12 =	sadd.s32 $0x1, s12  }
0x113: {  	[tilespmem:v2+s23+$0xFFFFFFC0 ss:$0x1] =	vst.idx.msk $0xffff, v1;
	p2 =	sne.s32 s12, $0xD1;
	s24 =	sshrl.u32 s24, $0x2  }
.Ltmp5:
0x114: {  	[tilespmem:v2+s23+$0x0 ss:$0x1] =	vst.idx.msk $0xffff, v3;
	s29 =	sadd.s32 $0x14CB0, s24;
	(pc) =	sbr.rel @p2 .LBB2_4-.Ltmp5, $4  }
0x115: {  	[spmem:s18] =	stream.indirect.scatter.add.f32 [tilespmem:s25], [sflag:$0x6], $0x80, s29, s9, $0xb8;
	[tilespmem:$0x1DE60] =	vst v63  }
0x116: {  	_ =	swait.ge [sflag:s15], $0x1800  }
0x117: {  	[sflag:s15] =	ssyncset.done $0x0  }
0x118: {  	p1 =	por !p1, !p1;
	s13 =	sadd.s32 $0x1800, s13;
	[sflag:s15] =	ssyncadd.s32 $0xFFFFE800  }
0x119: {  	[bflag:$0x0] =	sbarrier.arrive $0xFFFF  }
0x11a: {  	s12 =	rddreg [dreg:$0x14]  }
0x11b: {  	[tilespmem:s14], [sflag:$0x6] =	stream.linear.gather [spmem:s12], $0x1400, $0x38;
	[tilespmem:$0x1DE60] =	vst v63  }
0x11c: {  	_ =	swait.ge [sflag:s15], $0x1400  }
0x11d: {  	[sflag:s15] =	ssyncset.done $0x0  }
0x11e: {  	s13 =	rddreg [dreg:$0x4];
	[sflag:s15] =	ssyncadd.s32 $0xFFFFEC00  }
0x11f: {  	[hbm4b:s13+s17] =	stream.strided.scatter [tilespmem:s14], [sflag:$0x6], $0x1400, s10, s17, $0x38;
	[tilespmem:$0x1DE60] =	vst v63  }
0x120: {  	_ =	swait.ge [sflag:s15], $0x1400  }
0x121: {  	[sflag:s15] =	ssyncset.done $0x0  }
0x122: {  	s23 =	rddreg [dreg:$0x15];
	[sflag:s15] =	ssyncadd.s32 $0xFFFFEC00  }
0x123: {  	[tilespmem:s14], [sflag:$0x6] =	stream.linear.gather [spmem:s23], $0x1400, $0x38;
	[tilespmem:$0x1DE60] =	vst v63  }
0x124: {  	_ =	swait.ge [sflag:s15], $0x1400  }
0x125: {  	[sflag:s15] =	ssyncset.done $0x0  }
0x126: {  	s24 =	rddreg [dreg:$0x5];
	[sflag:s15] =	ssyncadd.s32 $0xFFFFEC00  }
0x127: {  	[hbm4b:s24+s17] =	stream.strided.scatter [tilespmem:s14], [sflag:$0x6], $0x1400, s10, s17, $0x38;
	[tilespmem:$0x1DE60] =	vst v63  }
0x128: {  	_ =	swait.ge [sflag:s15], $0x1400  }
0x129: {  	[sflag:s15] =	ssyncset.done $0x0  }
0x12a: {  	s25 =	rddreg [dreg:$0x16];
	[sflag:s15] =	ssyncadd.s32 $0xFFFFEC00  }
0x12b: {  	[tilespmem:s14], [sflag:$0x6] =	stream.linear.gather [spmem:s25], $0x1400, $0x38;
	[tilespmem:$0x1DE60] =	vst v63  }
0x12c: {  	_ =	swait.ge [sflag:s15], $0x1400  }
0x12d: {  	[sflag:s15] =	ssyncset.done $0x0  }
0x12e: {  	s26 =	rddreg [dreg:$0x6];
	[sflag:s15] =	ssyncadd.s32 $0xFFFFEC00  }
0x12f: {  	[hbm4b:s26+s17] =	stream.strided.scatter [tilespmem:s14], [sflag:$0x6], $0x1400, s10, s17, $0x38;
	[tilespmem:$0x1DE60] =	vst v63  }
0x130: {  	_ =	swait.ge [sflag:s15], $0x1400  }
0x131: {  	[sflag:s15] =	ssyncset.done $0x0  }
0x132: {  	s28 =	rddreg [dreg:$0x17];
	[sflag:s15] =	ssyncadd.s32 $0xFFFFEC00  }
0x133: {  	[tilespmem:s14], [sflag:$0x6] =	stream.linear.gather [spmem:s28], $0x1400, $0x38;
	[tilespmem:$0x1DE60] =	vst v63  }
0x134: {  	_ =	swait.ge [sflag:s15], $0x1400  }
0x135: {  	[sflag:s15] =	ssyncset.done $0x0  }
0x136: {  	s29 =	rddreg [dreg:$0x7];
	[sflag:s15] =	ssyncadd.s32 $0xFFFFEC00  }
0x137: {  	[hbm4b:s29+s17] =	stream.strided.scatter [tilespmem:s14], [sflag:$0x6], $0x1400, s10, s17, $0x38;
	[tilespmem:$0x1DE60] =	vst v63  }
0x138: {  	_ =	swait.ge [sflag:s15], $0x1400  }
0x139: {  	[sflag:s15] =	ssyncset.done $0x0  }
0x13a: {  	s13 =	rddreg [dreg:$0x18];
	[sflag:s15] =	ssyncadd.s32 $0xFFFFEC00  }
0x13b: {  	[tilespmem:s14], [sflag:$0x6] =	stream.linear.gather [spmem:s13], $0x1400, $0x38;
	[tilespmem:$0x1DE60] =	vst v63  }
0x13c: {  	_ =	swait.ge [sflag:s15], $0x1400  }
0x13d: {  	[sflag:s15] =	ssyncset.done $0x0  }
0x13e: {  	s23 =	rddreg [dreg:$0x8];
	[sflag:s15] =	ssyncadd.s32 $0xFFFFEC00  }
0x13f: {  	[hbm4b:s23+s17] =	stream.strided.scatter [tilespmem:s14], [sflag:$0x6], $0x1400, s10, s17, $0x38;
	[tilespmem:$0x1DE60] =	vst v63  }
0x140: {  	_ =	swait.ge [sflag:s15], $0x1400  }
0x141: {  	[sflag:s15] =	ssyncset.done $0x0  }
0x142: {  	s24 =	rddreg [dreg:$0x19];
	[sflag:s15] =	ssyncadd.s32 $0xFFFFEC00  }
0x143: {  	[tilespmem:s14], [sflag:$0x6] =	stream.linear.gather [spmem:s24], $0x1400, $0x38;
	[tilespmem:$0x1DE60] =	vst v63  }
0x144: {  	_ =	swait.ge [sflag:s15], $0x1400  }
0x145: {  	[sflag:s15] =	ssyncset.done $0x0  }
0x146: {  	s25 =	rddreg [dreg:$0x9];
	[sflag:s15] =	ssyncadd.s32 $0xFFFFEC00  }
0x147: {  	[hbm4b:s25+s17] =	stream.strided.scatter [tilespmem:s14], [sflag:$0x6], $0x1400, s10, s17, $0x38;
	[tilespmem:$0x1DE60] =	vst v63  }
0x148: {  	_ =	swait.ge [sflag:s15], $0x1400  }
0x149: {  	[sflag:s15] =	ssyncset.done $0x0  }
0x14a: {  	[sflag:s15] =	ssyncadd.s32 $0xFFFFEC00  }
0x14b: {  	[tilespmem:s14], [sflag:$0x6] =	stream.linear.gather [spmem:s30], $0x1400, $0x38;
	[tilespmem:$0x1DE60] =	vst v63  }
0x14c: {  	_ =	swait.ge [sflag:s15], $0x1400  }
0x14d: {  	[sflag:s15] =	ssyncset.done $0x0  }
0x14e: {  	s26 =	rddreg [dreg:$0xa];
	[sflag:s15] =	ssyncadd.s32 $0xFFFFEC00  }
0x14f: {  	[hbm4b:s26+s17] =	stream.strided.scatter [tilespmem:s14], [sflag:$0x6], $0x1400, s10, s17, $0x38;
	[tilespmem:$0x1DE60] =	vst v63  }
0x150: {  	_ =	swait.ge [sflag:s15], $0x1400  }
0x151: {  	[sflag:s15] =	ssyncset.done $0x0  }
0x152: {  	[sflag:s15] =	ssyncadd.s32 $0xFFFFEC00  }
0x153: {  	[tilespmem:s14], [sflag:$0x6] =	stream.linear.gather [spmem:s31], $0x1400, $0x38;
	[tilespmem:$0x1DE60] =	vst v63  }
0x154: {  	_ =	swait.ge [sflag:s15], $0x1400  }
0x155: {  	[sflag:s15] =	ssyncset.done $0x0  }
0x156: {  	s28 =	rddreg [dreg:$0xb];
	[sflag:s15] =	ssyncadd.s32 $0xFFFFEC00  }
0x157: {  	[hbm4b:s28+s17] =	stream.strided.scatter [tilespmem:s14], [sflag:$0x6], $0x1400, s10, s17, $0x38;
	[tilespmem:$0x1DE60] =	vst v63  }
0x158: {  	_ =	swait.ge [sflag:s15], $0x1400  }
0x159: {  	[sflag:s15] =	ssyncset.done $0x0  }
0x15a: {  	[sflag:s15] =	ssyncadd.s32 $0xFFFFEC00  }
0x15b: {  	[tilespmem:s14], [sflag:$0x6] =	stream.linear.gather [spmem:s16], $0x1400, $0x38;
	[tilespmem:$0x1DE60] =	vst v63  }
0x15c: {  	_ =	swait.ge [sflag:s15], $0x1400  }
0x15d: {  	[sflag:s15] =	ssyncset.done $0x0  }
0x15e: {  	s29 =	rddreg [dreg:$0xc];
	[sflag:s15] =	ssyncadd.s32 $0xFFFFEC00  }
0x15f: {  	[hbm4b:s29+s17] =	stream.strided.scatter [tilespmem:s14], [sflag:$0x6], $0x1400, s10, s17, $0x38;
	[tilespmem:$0x1DE60] =	vst v63  }
0x160: {  	_ =	swait.ge [sflag:s15], $0x1400  }
0x161: {  	[sflag:s15] =	ssyncset.done $0x0  }
0x162: {  	[sflag:s15] =	ssyncadd.s32 $0xFFFFEC00  }
0x163: {  	[tilespmem:s14], [sflag:$0x6] =	stream.linear.gather [spmem:s2], $0x1400, $0x38;
	[tilespmem:$0x1DE60] =	vst v63  }
0x164: {  	_ =	swait.ge [sflag:s15], $0x1400  }
0x165: {  	[sflag:s15] =	ssyncset.done $0x0  }
0x166: {  	s13 =	rddreg [dreg:$0xd];
	[sflag:s15] =	ssyncadd.s32 $0xFFFFEC00  }
0x167: {  	[hbm4b:s13+s17] =	stream.strided.scatter [tilespmem:s14], [sflag:$0x6], $0x1400, s10, s17, $0x38;
	[tilespmem:$0x1DE60] =	vst v63  }
0x168: {  	_ =	swait.ge [sflag:s15], $0x1400  }
0x169: {  	[sflag:s15] =	ssyncset.done $0x0  }
0x16a: {  	[sflag:s15] =	ssyncadd.s32 $0xFFFFEC00  }
0x16b: {  	[tilespmem:s14], [sflag:$0x6] =	stream.linear.gather [spmem:s3], $0x1400, $0x38;
	[tilespmem:$0x1DE60] =	vst v63  }
0x16c: {  	_ =	swait.ge [sflag:s15], $0x1400  }
0x16d: {  	[sflag:s15] =	ssyncset.done $0x0  }
0x16e: {  	s23 =	rddreg [dreg:$0xe];
	[sflag:s15] =	ssyncadd.s32 $0xFFFFEC00  }
0x16f: {  	[hbm4b:s23+s17] =	stream.strided.scatter [tilespmem:s14], [sflag:$0x6], $0x1400, s10, s17, $0x38;
	[tilespmem:$0x1DE60] =	vst v63  }
0x170: {  	_ =	swait.ge [sflag:s15], $0x1400  }
0x171: {  	[sflag:s15] =	ssyncset.done $0x0  }
0x172: {  	[sflag:s15] =	ssyncadd.s32 $0xFFFFEC00  }
0x173: {  	[tilespmem:s14], [sflag:$0x6] =	stream.linear.gather [spmem:s4], $0x1400, $0x38;
	[tilespmem:$0x1DE60] =	vst v63  }
0x174: {  	_ =	swait.ge [sflag:s15], $0x1400  }
0x175: {  	[sflag:s15] =	ssyncset.done $0x0  }
0x176: {  	s24 =	rddreg [dreg:$0xf];
	[sflag:s15] =	ssyncadd.s32 $0xFFFFEC00  }
0x177: {  	[hbm4b:s24+s17] =	stream.strided.scatter [tilespmem:s14], [sflag:$0x6], $0x1400, s10, s17, $0x38;
	[tilespmem:$0x1DE60] =	vst v63  }
0x178: {  	_ =	swait.ge [sflag:s15], $0x1400  }
0x179: {  	[sflag:s15] =	ssyncset.done $0x0  }
0x17a: {  	[sflag:s15] =	ssyncadd.s32 $0xFFFFEC00  }
0x17b: {  	[tilespmem:s14], [sflag:$0x6] =	stream.linear.gather [spmem:s5], $0x1400, $0x38;
	[tilespmem:$0x1DE60] =	vst v63  }
0x17c: {  	_ =	swait.ge [sflag:s15], $0x1400  }
0x17d: {  	[sflag:s15] =	ssyncset.done $0x0  }
0x17e: {  	s25 =	rddreg [dreg:$0x10];
	[sflag:s15] =	ssyncadd.s32 $0xFFFFEC00  }
0x17f: {  	[hbm4b:s25+s17] =	stream.strided.scatter [tilespmem:s14], [sflag:$0x6], $0x1400, s10, s17, $0x38;
	[tilespmem:$0x1DE60] =	vst v63  }
0x180: {  	_ =	swait.ge [sflag:s15], $0x1400  }
0x181: {  	[sflag:s15] =	ssyncset.done $0x0  }
0x182: {  	[sflag:s15] =	ssyncadd.s32 $0xFFFFEC00  }
0x183: {  	[tilespmem:s14], [sflag:$0x6] =	stream.linear.gather [spmem:s6], $0x1400, $0x38;
	[tilespmem:$0x1DE60] =	vst v63  }
0x184: {  	_ =	swait.ge [sflag:s15], $0x1400  }
0x185: {  	[sflag:s15] =	ssyncset.done $0x0  }
0x186: {  	s26 =	rddreg [dreg:$0x11];
	[sflag:s15] =	ssyncadd.s32 $0xFFFFEC00  }
0x187: {  	[hbm4b:s26+s17] =	stream.strided.scatter [tilespmem:s14], [sflag:$0x6], $0x1400, s10, s17, $0x38;
	[tilespmem:$0x1DE60] =	vst v63  }
0x188: {  	_ =	swait.ge [sflag:s15], $0x1400  }
0x189: {  	[sflag:s15] =	ssyncset.done $0x0  }
0x18a: {  	[sflag:s15] =	ssyncadd.s32 $0xFFFFEC00  }
0x18b: {  	[tilespmem:s14], [sflag:$0x6] =	stream.linear.gather [spmem:s7], $0x1400, $0x38;
	[tilespmem:$0x1DE60] =	vst v63  }
0x18c: {  	_ =	swait.ge [sflag:s15], $0x1400  }
0x18d: {  	[sflag:s15] =	ssyncset.done $0x0  }
0x18e: {  	s28 =	rddreg [dreg:$0x12];
	[sflag:s15] =	ssyncadd.s32 $0xFFFFEC00  }
0x18f: {  	[hbm4b:s28+s17] =	stream.strided.scatter [tilespmem:s14], [sflag:$0x6], $0x1400, s10, s17, $0x38;
	[tilespmem:$0x1DE60] =	vst v63  }
0x190: {  	_ =	swait.ge [sflag:s15], $0x1400  }
0x191: {  	[sflag:s15] =	ssyncset.done $0x0  }
0x192: {  	s12 =	simm.s32 @!p0 $0x13880;
	s13 =	simm.s32 @!p0 $0x6;
	[sflag:s15] =	ssyncadd.s32 $0xFFFFEC00  }
0x193: {  	[tilespmem:s12], [sflag:$0x6] =	stream.linear.gather @!p0 [spmem:s8], $0x1400, $0x38;
	[tilespmem:$0x1DE60] =	vst v63  }
0x194: {  	_ =	swait.ge @!p0 [sflag:s13], $0x1400  }
0x195: {  	s23 =	simm.s32 @!p0 $0x80;
	[sflag:s13] =	ssyncset.done @!p0 $0x0  }
0x196: {  	s24 =	simm.s32 @!p0 $0x100;
	s25 =	rddreg [dreg:$0x13];
	[sflag:s13] =	ssyncadd.s32 @!p0 $0xFFFFEC00  }
0x197: {  	[hbm4b:s25+s23] =	stream.strided.scatter @!p0 [tilespmem:s12], [sflag:$0x6], $0x1400, s24, s23, $0x38;
	[tilespmem:$0x1DE60] =	vst v63  }
0x198: {  	_ =	swait.ge @!p0 [sflag:s13], $0x1400  }
0x199: {  	s11 =	sadd.s32 $0x1, s11;
	s29 =	rddreg [dreg:$0x1c]  }
0x19a: {  	p1 =	sne.s32 s11, s29  }
.Ltmp6:
0x19b: {  	_ = 	snop;
	(pc) =	sbr.rel @p1 .LBB2_1-.Ltmp6, $3  }
0x19c: {  	_ =	sdelay $0x1  }
0x19d: {  	[sflag:s13] =	ssyncset.done @!p0 $0x0  }
0x19e: {  	[sflag:s13] =	ssyncadd.s32 @!p0 $0xFFFFEC00  }
0x19f: {  	_ =	sfence.sel $0x180000  }
0x1a0: {  	[bflag:$0x0] =	sbarrier.arrive $0xFFFF  }
0x1a1: {  	_ =	strace $0x90000047  }
0x1a2: {  	s0 =	stileid.u32;
	[bflag:$0x2] =	sbarrier.arrive $0xFFFF  }
0x1a3: {  	p0 =	sne.s32 s0, $0x0;
	s0 =	rddreg [dreg:$0x3]  }
0x1a4: {  	s0 =	sadd.s32 @!p0 $0x100000, s0  }
0x1a5: {  	[sflag:s0] =	ssyncadd.tile.s32 @!p0 $0x1;
	_ =	shalt  }
.Lfunc_end2:
_tile_overlayer_lowered:
.L_overlay_start_2:
0x1a6: {  	(tag) =	ssettag $0x2  }
0x1a7: {  	s0 =	rddreg [dreg:$0x0];
	s2 =	stileid.u32  }
0x1a8: {  	s1 =	rddreg [dreg:$0x1];
	p0 =	sne.s32 s2, $0x0  }
0x1a9: {  	s3 =	rddreg [dreg:$0x2];
	[bflag:$0x3] =	sbarrier.arrive $0xFFFF;
	s2 =	simm.s32 @!p0 $0x1C06  }
0x1aa: {  	[timem:s3], [sflag:s2] =	dma.local @!p0 [hbm:s0], s1  }
0x1ab: {  	s0 =	simm.s32 @!p0 $0x6  }
0x1ac: {  	_ =	swait.ge @!p0 [sflag:s0], s1  }
0x1ad: {  	s1 =	ssub.s32 @!p0 $0x0, s1;
	[sflag:s0] =	ssyncset.done @!p0 $0x0  }
0x1ae: {  	[sflag:s0] =	ssyncadd.s32 @!p0 s1  }
0x1af: {  	[bflag:$0x3] =	sbarrier.arrive $0xFFFF  }
0x1b0: {  	_ =	shalt  }

</sc_bundles>
